<compile_context>
chip_gen: v7x
topology: tpu7x:2x2x1
jax: 0.10.2.dev20260603
libtpu: 0.0.44.dev20260713+nightly
codegen_flags: <defaults>
</compile_context>

<pallas_src>
import functools

import jax
import jax.numpy as jnp
from jax import lax
from jax.experimental import pallas as pl
from jax.experimental.pallas import tpu as pltpu
from jax.experimental.pallas import tpu_sc as plsc

N_EXPERT = 8
TOP_K = 2
N_EMBD = 2048
D_FF = 4096
N_TOK = 2048

RB = 128
NB = N_TOK * TOP_K // RB + N_EXPERT
NP = NB * RB
FB = 512
NF = D_FF // FB

NW = 32

NEG_BIG = -1e30


def _gate_body(x_ref, wg_ref, idx_ref, prb_ref):
    s = lax.dot_general(
        x_ref[...], wg_ref[...],
        dimension_numbers=(((1,), (1,)), ((), ())),
        preferred_element_type=jnp.float32,
    )
    n, e = s.shape
    col = lax.broadcasted_iota(jnp.int32, (n, e), 1)
    m1 = jnp.max(s, axis=1, keepdims=True)
    i1 = jnp.min(jnp.where(s == m1, col, e), axis=1, keepdims=True)
    s2 = jnp.where(col == i1, NEG_BIG, s)
    m2 = jnp.max(s2, axis=1, keepdims=True)
    i2 = jnp.min(jnp.where(s2 == m2, col, e), axis=1, keepdims=True)
    t = jnp.exp(m2 - m1)
    p1 = 1.0 / (1.0 + t)
    p2 = 1.0 - p1
    idx_ref[...] = jnp.where(col == 0, i1, jnp.where(col == 1, i2, 0))
    prb_ref[...] = jnp.where(col == 0, p1, jnp.where(col == 1, p2, 0.0))


def _gate(x_flat, Wg):
    n = x_flat.shape[0]
    return pl.pallas_call(
        _gate_body,
        out_shape=(
            jax.ShapeDtypeStruct((n, N_EXPERT), jnp.int32),
            jax.ShapeDtypeStruct((n, N_EXPERT), jnp.float32),
        ),
    )(x_flat, Wg)


def _routing_metadata(idx8):
    n = idx8.shape[0]
    pair_e = jnp.concatenate([idx8[:, 0], idx8[:, 1]])
    pair_t = jnp.concatenate([jnp.arange(n, dtype=jnp.int32)] * 2)

    onehot = (pair_e[:, None] == jnp.arange(N_EXPERT, dtype=jnp.int32)[None, :])
    onehot = onehot.astype(jnp.int32)
    excl = lax.associative_scan(jnp.add, onehot, axis=0) - onehot
    rank = jnp.take_along_axis(excl, pair_e[:, None], axis=1)[:, 0]
    counts = jnp.sum(onehot, axis=0)
    padded = ((counts + RB - 1) // RB) * RB
    offs = jnp.concatenate([jnp.zeros((1,), jnp.int32),
                            jnp.cumsum(padded)[:-1]])
    ppos = offs[pair_e] + rank

    src = jnp.zeros((NP,), jnp.int32).at[ppos].set(pair_t)
    blk_off = offs // RB
    blk_e = (jnp.searchsorted(blk_off, jnp.arange(NB, dtype=jnp.int32),
                              side="right") - 1).astype(jnp.int32)
    posA = ppos[:n].astype(jnp.int32)
    posB = ppos[n:].astype(jnp.int32)
    return src, blk_e, posA, posB


def _sc_dispatch(idx, table):
    per_w = NP // NW
    ch = 16
    mesh = plsc.VectorSubcoreMesh(core_axis_name="c", subcore_axis_name="s")

    @functools.partial(
        pl.kernel,
        out_type=jax.ShapeDtypeStruct((NP, N_EMBD), jnp.float32),
        mesh=mesh,
        scratch_types=[
            pltpu.VMEM((per_w,), jnp.int32),
            pltpu.VMEM((ch, N_EMBD), jnp.float32),
            pltpu.VMEM((ch, N_EMBD), jnp.float32),
            pltpu.SemaphoreType.DMA,
            pltpu.SemaphoreType.DMA,
        ],
    )
    def k(idx_hbm, table_hbm, out_hbm, idx_v, r0, r1, sem0, sem1):
        wid = lax.axis_index("s") * 2 + lax.axis_index("c")
        base = wid * per_w
        pltpu.sync_copy(idx_hbm.at[pl.ds(base, per_w)], idx_v)

        n_ch = per_w // ch
        bufs, sems = (r0, r1), (sem0, sem1)
        cps = [None] * n_ch
        cps[0] = pltpu.async_copy(
            table_hbm.at[idx_v.at[pl.ds(0, ch)]], r0, sem0)
        for c in range(n_ch):
            if c + 1 < n_ch:
                cps[c + 1] = pltpu.async_copy(
                    table_hbm.at[idx_v.at[pl.ds((c + 1) * ch, ch)]],
                    bufs[(c + 1) % 2], sems[(c + 1) % 2])
            cps[c].wait()
            pltpu.sync_copy(bufs[c % 2], out_hbm.at[pl.ds(base + c * ch, ch)])

    return k(idx, table)


def _sc_combine(posA, posB, table):
    per_w = N_TOK // NW
    ch = 16
    mesh = plsc.VectorSubcoreMesh(core_axis_name="c", subcore_axis_name="s")

    @functools.partial(
        pl.kernel,
        out_type=(
            jax.ShapeDtypeStruct((N_TOK, N_EMBD), jnp.float32),
            jax.ShapeDtypeStruct((N_TOK, N_EMBD), jnp.float32),
        ),
        mesh=mesh,
        scratch_types=[
            pltpu.VMEM((per_w,), jnp.int32),
            pltpu.VMEM((per_w,), jnp.int32),
            pltpu.VMEM((ch, N_EMBD), jnp.float32),
            pltpu.VMEM((ch, N_EMBD), jnp.float32),
            pltpu.SemaphoreType.DMA,
            pltpu.SemaphoreType.DMA,
        ],
    )
    def k(pa_hbm, pb_hbm, table_hbm, ga_hbm, gb_hbm,
          pa_v, pb_v, r0, r1, sem0, sem1):
        wid = lax.axis_index("s") * 2 + lax.axis_index("c")
        base = wid * per_w
        pltpu.sync_copy(pa_hbm.at[pl.ds(base, per_w)], pa_v)
        pltpu.sync_copy(pb_hbm.at[pl.ds(base, per_w)], pb_v)

        n_ch = per_w // ch
        plan = []
        for c in range(n_ch):
            plan.append((pa_v, ga_hbm, c))
            plan.append((pb_v, gb_hbm, c))
        bufs, sems = (r0, r1), (sem0, sem1)
        cps = [None] * len(plan)

        def start(i):
            iv, _, c = plan[i]
            return pltpu.async_copy(
                table_hbm.at[iv.at[pl.ds(c * ch, ch)]],
                bufs[i % 2], sems[i % 2])

        cps[0] = start(0)
        for i in range(len(plan)):
            if i + 1 < len(plan):
                cps[i + 1] = start(i + 1)
            cps[i].wait()
            _, oh, c = plan[i]
            pltpu.sync_copy(bufs[i % 2], oh.at[pl.ds(base + c * ch, ch)])

    return k(posA, posB, table)


def _cast_body(x_ref, o_ref):
    o_ref[...] = x_ref[...].astype(jnp.bfloat16)


def _cast_bf16(x):
    n = x.shape[0]
    blk = 512
    return pl.pallas_call(
        _cast_body,
        grid=(n // blk,),
        in_specs=[pl.BlockSpec((blk, N_EMBD), lambda i: (i, 0))],
        out_specs=pl.BlockSpec((blk, N_EMBD), lambda i: (i, 0)),
        out_shape=jax.ShapeDtypeStruct((n, N_EMBD), jnp.bfloat16),
    )(x)


def _wadd_body(a_ref, b_ref, p_ref, o_ref):
    pa = p_ref[:, 0:1]
    pb = p_ref[:, 1:2]
    o_ref[...] = pa * a_ref[...] + pb * b_ref[...]


def _wadd(a, b, prb8):
    n = a.shape[0]
    blk = 512
    return pl.pallas_call(
        _wadd_body,
        grid=(n // blk,),
        in_specs=[pl.BlockSpec((blk, N_EMBD), lambda i: (i, 0)),
                  pl.BlockSpec((blk, N_EMBD), lambda i: (i, 0)),
                  pl.BlockSpec((blk, N_EXPERT), lambda i: (i, 0))],
        out_specs=pl.BlockSpec((blk, N_EMBD), lambda i: (i, 0)),
        out_shape=jax.ShapeDtypeStruct((n, N_EMBD), jnp.float32),
    )(a, b, prb8)


def _mlp_body(be_ref, xb_ref, w1_ref, w2_ref, o_ref, w1c_ref, w2c_ref):
    f = pl.program_id(0)
    b = pl.program_id(1)

    same = jnp.logical_and(b > 0, be_ref[b] == be_ref[jnp.maximum(b - 1, 0)])

    @pl.when(jnp.logical_not(same))
    def _():
        w1c_ref[...] = w1_ref[0].astype(jnp.bfloat16)
        w2c_ref[...] = w2_ref[0].astype(jnp.bfloat16)

    xb = xb_ref[...]
    h = lax.dot_general(
        xb, w1c_ref[...],
        dimension_numbers=(((1,), (1,)), ((), ())),
        preferred_element_type=jnp.float32,
    )
    h = h * (1.0 / (1.0 + jnp.exp(-h)))
    acc = lax.dot_general(
        h.astype(jnp.bfloat16), w2c_ref[...],
        dimension_numbers=(((1,), (1,)), ((), ())),
        preferred_element_type=jnp.float32,
    )

    @pl.when(f == 0)
    def _():
        o_ref[pl.ds(b * RB, RB), :] = acc

    @pl.when(f != 0)
    def _():
        o_ref[pl.ds(b * RB, RB), :] += acc


def _mlp(xb, W1, W2, blk_e):
    grid_spec = pltpu.PrefetchScalarGridSpec(
        num_scalar_prefetch=1,
        grid=(NF, NB),
        in_specs=[
            pl.BlockSpec((RB, N_EMBD), lambda f, b, be: (b, 0)),
            pl.BlockSpec((1, FB, N_EMBD), lambda f, b, be: (be[b], f, 0)),
            pl.BlockSpec((1, N_EMBD, FB), lambda f, b, be: (be[b], 0, f)),
        ],
        out_specs=pl.BlockSpec((NP, N_EMBD), lambda f, b, be: (0, 0)),
        scratch_shapes=[
            pltpu.VMEM((FB, N_EMBD), jnp.bfloat16),
            pltpu.VMEM((N_EMBD, FB), jnp.bfloat16),
        ],
    )
    return pl.pallas_call(
        _mlp_body,
        grid_spec=grid_spec,
        out_shape=jax.ShapeDtypeStruct((NP, N_EMBD), jnp.float32),
        compiler_params=pltpu.CompilerParams(
            dimension_semantics=("arbitrary", "arbitrary"),
            vmem_limit_bytes=100 * 1024 * 1024,
        ),
    )(blk_e, xb, W1, W2)


@jax.jit
def kernel(x, Wg, W1, W2):
    B, T, C = x.shape
    x_flat = x.reshape(-1, C)
    idx8, prb8 = _gate(x_flat, Wg)
    src, blk_e, posA, posB = _routing_metadata(idx8)
    xs = _sc_dispatch(src, x_flat)
    xb = _cast_bf16(xs)
    outs = _mlp(xb, W1, W2, blk_e)
    gA, gB = _sc_combine(posA, posB, outs)
    y = _wadd(gA, gB, prb8)
    return y.reshape(B, T, C)

# --- scband reference (transcript-rebuilt; emitter-appended) ---
"""Pipeline reference for scband-manual-mo-elayer-86904368268078 (READ-ONLY COPY).

The authoritative reference and input builder live on the scoring server;
editing this copy changes nothing except your own understanding.
"""

import jax, jax.numpy as jnp
import numpy as np

N_EXPERT = 8
TOP_K = 2
N_EMBD = 2048
D_FF = 4096


def setup_inputs(seed: int = 0) -> dict:
    key = jax.random.key(seed)
    k1, k2, k3, k4 = jax.random.split(key, 4)
    x = jax.random.normal(k1, (1, 2048, N_EMBD), dtype=jnp.float32)
    # gate weight, torch Linear layout [n_expert, n_embd]
    Wg = jax.random.normal(k2, (N_EXPERT, N_EMBD), dtype=jnp.float32) * 0.02
    # expert weights, torch Linear layout: W1 [d_ff, n_embd], W2 [n_embd, d_ff], stacked over experts
    W1 = jax.random.normal(k3, (N_EXPERT, D_FF, N_EMBD), dtype=jnp.float32) * 0.02
    W2 = jax.random.normal(k4, (N_EXPERT, N_EMBD, D_FF), dtype=jnp.float32) * 0.02
    return {"x": x, "Wg": Wg, "W1": W1, "W2": W2}


def reference(x, Wg, W1, W2):
    B, T, C = x.shape
    x_flat = x.reshape(-1, C)
    # gate: scores = x_flat @ Wg.T  -> [N, n_expert]
    scores = x_flat @ Wg.T
    topk_scores, topk_idx = jax.lax.top_k(scores, TOP_K)
    topk_probs = jax.nn.softmax(topk_scores, axis=-1)
    y = jnp.zeros_like(x_flat)
    # Mathematically identical to the torch masked-gather loop: tokens whose
    # top-k set excludes expert e receive weight 0 for that expert.
    for e in range(N_EXPERT):
        w_e = jnp.sum(topk_probs * (topk_idx == e).astype(topk_probs.dtype), axis=-1)  # [N]
        h = jax.nn.silu(x_flat @ W1[e].T)
        out_e = h @ W2[e].T
        y = y + w_e[:, None] * out_e
    return y.reshape(B, T, C)

if __name__ == "__main__":
    import jax
    _d = setup_inputs()
    print(jax.jit(kernel)(*tuple(_d.values())))

</pallas_src>

<mosaic_0001>
#map = affine_map<(d0, d1) -> (0)>
#map1 = affine_map<(d0, d1) -> (0, 0)>
module attributes {stable_mosaic.version = 14 : i64} {
  func.func @k(%arg0: i32, %arg1: i32, %arg2: memref<5120xi32, #tpu.memory_space<hbm>>, %arg3: memref<2048x2048xf32, #tpu.memory_space<hbm>>, %arg4: memref<5120x2048xf32, #tpu.memory_space<hbm>>, %arg5: memref<160xi32, #tpu.memory_space<vmem>>, %arg6: memref<16x2048xf32, #tpu.memory_space<vmem>>, %arg7: memref<16x2048xf32, #tpu.memory_space<vmem>>, %arg8: memref<!tpu.dma_semaphore, #tpu.memory_space<semaphore_mem>>, %arg9: memref<!tpu.dma_semaphore, #tpu.memory_space<semaphore_mem>>) attributes {dimension_semantics = [#tpu.dimension_semantics<core_parallel>, #tpu.dimension_semantics<subcore_parallel>], iteration_bounds = array<i64: 2, 16>, scalar_prefetch = 0 : i64, scratch_operands = 5 : i64, tpu.core_type = #tpu.core_type<sc_vector_subcore>, window_params = [{transform_indices = #map}, {transform_indices = #map1}, {transform_indices = #map1}]} {
    %mul3A = arith.constant 2 : i32
    %mul3A_0 = arith.muli %arg1, %mul3A : i32
    %add3A = arith.addi %mul3A_0, %arg0 : i32
    %mul3A_1 = arith.constant 160 : i32
    %mul3A_2 = arith.muli %add3A, %mul3A_1 : i32
    "tpu.region"() ({
      %run_scoped3A = tpu.sem_alloc : memref<!tpu.dma_semaphore, #tpu.memory_space<semaphore_mem>>
      %dma_start3A_121 = tpu.memref_slice %arg2[%mul3A_2] : memref<5120xi32, #tpu.memory_space<hbm>> -> memref<160xi32, #tpu.memory_space<hbm>>
      %dma_start3A_122 = tpu.memref_slice %arg2[%mul3A_2] : memref<5120xi32, #tpu.memory_space<hbm>> -> memref<160xi32, #tpu.memory_space<hbm>>
      tpu.enqueue_dma source(%dma_start3A_122 : memref<160xi32, #tpu.memory_space<hbm>>) target(%arg5 : memref<160xi32, #tpu.memory_space<vmem>>) target_semaphore(%run_scoped3A : memref<!tpu.dma_semaphore, #tpu.memory_space<semaphore_mem>>)
      %dma_wait3A_123 = tpu.memref_slice %arg2[%mul3A_2] : memref<5120xi32, #tpu.memory_space<hbm>> -> memref<160xi32, #tpu.memory_space<hbm>>
      %dma_wait3A_124 = tpu.memref_slice %arg2[%mul3A_2] : memref<5120xi32, #tpu.memory_space<hbm>> -> memref<160xi32, #tpu.memory_space<hbm>>
      tpu.wait_dma2 semaphore(%run_scoped3A : memref<!tpu.dma_semaphore, #tpu.memory_space<semaphore_mem>>) src(%dma_wait3A_124 : memref<160xi32, #tpu.memory_space<hbm>>) dst(%arg5 : memref<160xi32, #tpu.memory_space<vmem>>)
      tpu.yield
    }) : () -> ()
    %dma_start3A = arith.constant 0 : i32
    %dma_start3A_3 = tpu.memref_slice %arg5[%dma_start3A] : memref<160xi32, #tpu.memory_space<vmem>> -> memref<16xi32, #tpu.memory_space<vmem>>
    %dma_start3A_4 = arith.constant 0 : i32
    %dma_start3A_5 = arith.constant 0 : i32
    %dma_start3A_6 = tpu.memref_slice %arg3[%dma_start3A_4, %dma_start3A_5] : memref<2048x2048xf32, #tpu.memory_space<hbm>> -> memref<2048x2048xf32, #tpu.memory_space<hbm>>
    tpu.enqueue_indirect_dma source(%dma_start3A_6 : memref<2048x2048xf32, #tpu.memory_space<hbm>>) target(%arg6 : memref<16x2048xf32, #tpu.memory_space<vmem>>) offsets(%dma_start3A_3 : memref<16xi32, #tpu.memory_space<vmem>>) semaphore(%arg8 : memref<!tpu.dma_semaphore, #tpu.memory_space<semaphore_mem>>)
    %dma_start3A_7 = arith.constant 16 : i32
    %dma_start3A_8 = tpu.memref_slice %arg5[%dma_start3A_7] : memref<160xi32, #tpu.memory_space<vmem>> -> memref<16xi32, #tpu.memory_space<vmem>>
    %dma_start3A_9 = arith.constant 0 : i32
    %dma_start3A_10 = arith.constant 0 : i32
    %dma_start3A_11 = tpu.memref_slice %arg3[%dma_start3A_9, %dma_start3A_10] : memref<2048x2048xf32, #tpu.memory_space<hbm>> -> memref<2048x2048xf32, #tpu.memory_space<hbm>>
    tpu.enqueue_indirect_dma source(%dma_start3A_11 : memref<2048x2048xf32, #tpu.memory_space<hbm>>) target(%arg7 : memref<16x2048xf32, #tpu.memory_space<vmem>>) offsets(%dma_start3A_8 : memref<16xi32, #tpu.memory_space<vmem>>) semaphore(%arg9 : memref<!tpu.dma_semaphore, #tpu.memory_space<semaphore_mem>>)
    %dma_wait3A = arith.constant 0 : i32
    %dma_wait3A_12 = tpu.memref_slice %arg5[%dma_wait3A] : memref<160xi32, #tpu.memory_space<vmem>> -> memref<16xi32, #tpu.memory_space<vmem>>
    %dma_wait3A_13 = arith.constant 0 : i32
    %dma_wait3A_14 = arith.constant 0 : i32
    %dma_wait3A_15 = tpu.memref_slice %arg3[%dma_wait3A_13, %dma_wait3A_14] : memref<2048x2048xf32, #tpu.memory_space<hbm>> -> memref<2048x2048xf32, #tpu.memory_space<hbm>>
    tpu.wait_indirect_dma semaphore(%arg8 : memref<!tpu.dma_semaphore, #tpu.memory_space<semaphore_mem>>) src(%dma_wait3A_15 : memref<2048x2048xf32, #tpu.memory_space<hbm>>) dst(%arg6 : memref<16x2048xf32, #tpu.memory_space<vmem>>)
    %add3A_16 = arith.constant 0 : i32
    %add3A_17 = arith.addi %mul3A_2, %add3A_16 : i32
    "tpu.region"() ({
      %run_scoped3A = tpu.sem_alloc : memref<!tpu.dma_semaphore, #tpu.memory_space<semaphore_mem>>
      %dma_start3A_121 = arith.constant 0 : i32
      %dma_start3A_122 = tpu.memref_slice %arg4[%add3A_17, %dma_start3A_121] : memref<5120x2048xf32, #tpu.memory_space<hbm>> -> memref<16x2048xf32, #tpu.memory_space<hbm>>
      %dma_start3A_123 = arith.constant 0 : i32
      %dma_start3A_124 = tpu.memref_slice %arg4[%add3A_17, %dma_start3A_123] : memref<5120x2048xf32, #tpu.memory_space<hbm>> -> memref<16x2048xf32, #tpu.memory_space<hbm>>
      tpu.enqueue_dma source(%arg6 : memref<16x2048xf32, #tpu.memory_space<vmem>>) target(%dma_start3A_124 : memref<16x2048xf32, #tpu.memory_space<hbm>>) target_semaphore(%run_scoped3A : memref<!tpu.dma_semaphore, #tpu.memory_space<semaphore_mem>>)
      %dma_wait3A_125 = arith.constant 0 : i32
      %dma_wait3A_126 = tpu.memref_slice %arg4[%add3A_17, %dma_wait3A_125] : memref<5120x2048xf32, #tpu.memory_space<hbm>> -> memref<16x2048xf32, #tpu.memory_space<hbm>>
      %dma_wait3A_127 = arith.constant 0 : i32
      %dma_wait3A_128 = tpu.memref_slice %arg4[%add3A_17, %dma_wait3A_127] : memref<5120x2048xf32, #tpu.memory_space<hbm>> -> memref<16x2048xf32, #tpu.memory_space<hbm>>
      tpu.wait_dma2 semaphore(%run_scoped3A : memref<!tpu.dma_semaphore, #tpu.memory_space<semaphore_mem>>) src(%arg6 : memref<16x2048xf32, #tpu.memory_space<vmem>>) dst(%dma_wait3A_128 : memref<16x2048xf32, #tpu.memory_space<hbm>>)
      tpu.yield
    }) : () -> ()
    %dma_start3A_18 = arith.constant 32 : i32
    %dma_start3A_19 = tpu.memref_slice %arg5[%dma_start3A_18] : memref<160xi32, #tpu.memory_space<vmem>> -> memref<16xi32, #tpu.memory_space<vmem>>
    %dma_start3A_20 = arith.constant 0 : i32
    %dma_start3A_21 = arith.constant 0 : i32
    %dma_start3A_22 = tpu.memref_slice %arg3[%dma_start3A_20, %dma_start3A_21] : memref<2048x2048xf32, #tpu.memory_space<hbm>> -> memref<2048x2048xf32, #tpu.memory_space<hbm>>
    tpu.enqueue_indirect_dma source(%dma_start3A_22 : memref<2048x2048xf32, #tpu.memory_space<hbm>>) target(%arg6 : memref<16x2048xf32, #tpu.memory_space<vmem>>) offsets(%dma_start3A_19 : memref<16xi32, #tpu.memory_space<vmem>>) semaphore(%arg8 : memref<!tpu.dma_semaphore, #tpu.memory_space<semaphore_mem>>)
    %dma_wait3A_23 = arith.constant 16 : i32
    %dma_wait3A_24 = tpu.memref_slice %arg5[%dma_wait3A_23] : memref<160xi32, #tpu.memory_space<vmem>> -> memref<16xi32, #tpu.memory_space<vmem>>
    %dma_wait3A_25 = arith.constant 0 : i32
    %dma_wait3A_26 = arith.constant 0 : i32
    %dma_wait3A_27 = tpu.memref_slice %arg3[%dma_wait3A_25, %dma_wait3A_26] : memref<2048x2048xf32, #tpu.memory_space<hbm>> -> memref<2048x2048xf32, #tpu.memory_space<hbm>>
    tpu.wait_indirect_dma semaphore(%arg9 : memref<!tpu.dma_semaphore, #tpu.memory_space<semaphore_mem>>) src(%dma_wait3A_27 : memref<2048x2048xf32, #tpu.memory_space<hbm>>) dst(%arg7 : memref<16x2048xf32, #tpu.memory_space<vmem>>)
    %add3A_28 = arith.constant 16 : i32
    %add3A_29 = arith.addi %mul3A_2, %add3A_28 : i32
    "tpu.region"() ({
      %run_scoped3A = tpu.sem_alloc : memref<!tpu.dma_semaphore, #tpu.memory_space<semaphore_mem>>
      %dma_start3A_121 = arith.constant 0 : i32
      %dma_start3A_122 = tpu.memref_slice %arg4[%add3A_29, %dma_start3A_121] : memref<5120x2048xf32, #tpu.memory_space<hbm>> -> memref<16x2048xf32, #tpu.memory_space<hbm>>
      %dma_start3A_123 = arith.constant 0 : i32
      %dma_start3A_124 = tpu.memref_slice %arg4[%add3A_29, %dma_start3A_123] : memref<5120x2048xf32, #tpu.memory_space<hbm>> -> memref<16x2048xf32, #tpu.memory_space<hbm>>
      tpu.enqueue_dma source(%arg7 : memref<16x2048xf32, #tpu.memory_space<vmem>>) target(%dma_start3A_124 : memref<16x2048xf32, #tpu.memory_space<hbm>>) target_semaphore(%run_scoped3A : memref<!tpu.dma_semaphore, #tpu.memory_space<semaphore_mem>>)
      %dma_wait3A_125 = arith.constant 0 : i32
      %dma_wait3A_126 = tpu.memref_slice %arg4[%add3A_29, %dma_wait3A_125] : memref<5120x2048xf32, #tpu.memory_space<hbm>> -> memref<16x2048xf32, #tpu.memory_space<hbm>>
      %dma_wait3A_127 = arith.constant 0 : i32
      %dma_wait3A_128 = tpu.memref_slice %arg4[%add3A_29, %dma_wait3A_127] : memref<5120x2048xf32, #tpu.memory_space<hbm>> -> memref<16x2048xf32, #tpu.memory_space<hbm>>
      tpu.wait_dma2 semaphore(%run_scoped3A : memref<!tpu.dma_semaphore, #tpu.memory_space<semaphore_mem>>) src(%arg7 : memref<16x2048xf32, #tpu.memory_space<vmem>>) dst(%dma_wait3A_128 : memref<16x2048xf32, #tpu.memory_space<hbm>>)
      tpu.yield
    }) : () -> ()
    %dma_start3A_30 = arith.constant 48 : i32
    %dma_start3A_31 = tpu.memref_slice %arg5[%dma_start3A_30] : memref<160xi32, #tpu.memory_space<vmem>> -> memref<16xi32, #tpu.memory_space<vmem>>
    %dma_start3A_32 = arith.constant 0 : i32
    %dma_start3A_33 = arith.constant 0 : i32
    %dma_start3A_34 = tpu.memref_slice %arg3[%dma_start3A_32, %dma_start3A_33] : memref<2048x2048xf32, #tpu.memory_space<hbm>> -> memref<2048x2048xf32, #tpu.memory_space<hbm>>
    tpu.enqueue_indirect_dma source(%dma_start3A_34 : memref<2048x2048xf32, #tpu.memory_space<hbm>>) target(%arg7 : memref<16x2048xf32, #tpu.memory_space<vmem>>) offsets(%dma_start3A_31 : memref<16xi32, #tpu.memory_space<vmem>>) semaphore(%arg9 : memref<!tpu.dma_semaphore, #tpu.memory_space<semaphore_mem>>)
    %dma_wait3A_35 = arith.constant 32 : i32
    %dma_wait3A_36 = tpu.memref_slice %arg5[%dma_wait3A_35] : memref<160xi32, #tpu.memory_space<vmem>> -> memref<16xi32, #tpu.memory_space<vmem>>
    %dma_wait3A_37 = arith.constant 0 : i32
    %dma_wait3A_38 = arith.constant 0 : i32
    %dma_wait3A_39 = tpu.memref_slice %arg3[%dma_wait3A_37, %dma_wait3A_38] : memref<2048x2048xf32, #tpu.memory_space<hbm>> -> memref<2048x2048xf32, #tpu.memory_space<hbm>>
    tpu.wait_indirect_dma semaphore(%arg8 : memref<!tpu.dma_semaphore, #tpu.memory_space<semaphore_mem>>) src(%dma_wait3A_39 : memref<2048x2048xf32, #tpu.memory_space<hbm>>) dst(%arg6 : memref<16x2048xf32, #tpu.memory_space<vmem>>)
    %add3A_40 = arith.constant 32 : i32
    %add3A_41 = arith.addi %mul3A_2, %add3A_40 : i32
    "tpu.region"() ({
      %run_scoped3A = tpu.sem_alloc : memref<!tpu.dma_semaphore, #tpu.memory_space<semaphore_mem>>
      %dma_start3A_121 = arith.constant 0 : i32
      %dma_start3A_122 = tpu.memref_slice %arg4[%add3A_41, %dma_start3A_121] : memref<5120x2048xf32, #tpu.memory_space<hbm>> -> memref<16x2048xf32, #tpu.memory_space<hbm>>
      %dma_start3A_123 = arith.constant 0 : i32
      %dma_start3A_124 = tpu.memref_slice %arg4[%add3A_41, %dma_start3A_123] : memref<5120x2048xf32, #tpu.memory_space<hbm>> -> memref<16x2048xf32, #tpu.memory_space<hbm>>
      tpu.enqueue_dma source(%arg6 : memref<16x2048xf32, #tpu.memory_space<vmem>>) target(%dma_start3A_124 : memref<16x2048xf32, #tpu.memory_space<hbm>>) target_semaphore(%run_scoped3A : memref<!tpu.dma_semaphore, #tpu.memory_space<semaphore_mem>>)
      %dma_wait3A_125 = arith.constant 0 : i32
      %dma_wait3A_126 = tpu.memref_slice %arg4[%add3A_41, %dma_wait3A_125] : memref<5120x2048xf32, #tpu.memory_space<hbm>> -> memref<16x2048xf32, #tpu.memory_space<hbm>>
      %dma_wait3A_127 = arith.constant 0 : i32
      %dma_wait3A_128 = tpu.memref_slice %arg4[%add3A_41, %dma_wait3A_127] : memref<5120x2048xf32, #tpu.memory_space<hbm>> -> memref<16x2048xf32, #tpu.memory_space<hbm>>
      tpu.wait_dma2 semaphore(%run_scoped3A : memref<!tpu.dma_semaphore, #tpu.memory_space<semaphore_mem>>) src(%arg6 : memref<16x2048xf32, #tpu.memory_space<vmem>>) dst(%dma_wait3A_128 : memref<16x2048xf32, #tpu.memory_space<hbm>>)
      tpu.yield
    }) : () -> ()
    %dma_start3A_42 = arith.constant 64 : i32
    %dma_start3A_43 = tpu.memref_slice %arg5[%dma_start3A_42] : memref<160xi32, #tpu.memory_space<vmem>> -> memref<16xi32, #tpu.memory_space<vmem>>
    %dma_start3A_44 = arith.constant 0 : i32
    %dma_start3A_45 = arith.constant 0 : i32
    %dma_start3A_46 = tpu.memref_slice %arg3[%dma_start3A_44, %dma_start3A_45] : memref<2048x2048xf32, #tpu.memory_space<hbm>> -> memref<2048x2048xf32, #tpu.memory_space<hbm>>
    tpu.enqueue_indirect_dma source(%dma_start3A_46 : memref<2048x2048xf32, #tpu.memory_space<hbm>>) target(%arg6 : memref<16x2048xf32, #tpu.memory_space<vmem>>) offsets(%dma_start3A_43 : memref<16xi32, #tpu.memory_space<vmem>>) semaphore(%arg8 : memref<!tpu.dma_semaphore, #tpu.memory_space<semaphore_mem>>)
    %dma_wait3A_47 = arith.constant 48 : i32
    %dma_wait3A_48 = tpu.memref_slice %arg5[%dma_wait3A_47] : memref<160xi32, #tpu.memory_space<vmem>> -> memref<16xi32, #tpu.memory_space<vmem>>
    %dma_wait3A_49 = arith.constant 0 : i32
    %dma_wait3A_50 = arith.constant 0 : i32
    %dma_wait3A_51 = tpu.memref_slice %arg3[%dma_wait3A_49, %dma_wait3A_50] : memref<2048x2048xf32, #tpu.memory_space<hbm>> -> memref<2048x2048xf32, #tpu.memory_space<hbm>>
    tpu.wait_indirect_dma semaphore(%arg9 : memref<!tpu.dma_semaphore, #tpu.memory_space<semaphore_mem>>) src(%dma_wait3A_51 : memref<2048x2048xf32, #tpu.memory_space<hbm>>) dst(%arg7 : memref<16x2048xf32, #tpu.memory_space<vmem>>)
    %add3A_52 = arith.constant 48 : i32
    %add3A_53 = arith.addi %mul3A_2, %add3A_52 : i32
    "tpu.region"() ({
      %run_scoped3A = tpu.sem_alloc : memref<!tpu.dma_semaphore, #tpu.memory_space<semaphore_mem>>
      %dma_start3A_121 = arith.constant 0 : i32
      %dma_start3A_122 = tpu.memref_slice %arg4[%add3A_53, %dma_start3A_121] : memref<5120x2048xf32, #tpu.memory_space<hbm>> -> memref<16x2048xf32, #tpu.memory_space<hbm>>
      %dma_start3A_123 = arith.constant 0 : i32
      %dma_start3A_124 = tpu.memref_slice %arg4[%add3A_53, %dma_start3A_123] : memref<5120x2048xf32, #tpu.memory_space<hbm>> -> memref<16x2048xf32, #tpu.memory_space<hbm>>
      tpu.enqueue_dma source(%arg7 : memref<16x2048xf32, #tpu.memory_space<vmem>>) target(%dma_start3A_124 : memref<16x2048xf32, #tpu.memory_space<hbm>>) target_semaphore(%run_scoped3A : memref<!tpu.dma_semaphore, #tpu.memory_space<semaphore_mem>>)
      %dma_wait3A_125 = arith.constant 0 : i32
      %dma_wait3A_126 = tpu.memref_slice %arg4[%add3A_53, %dma_wait3A_125] : memref<5120x2048xf32, #tpu.memory_space<hbm>> -> memref<16x2048xf32, #tpu.memory_space<hbm>>
      %dma_wait3A_127 = arith.constant 0 : i32
      %dma_wait3A_128 = tpu.memref_slice %arg4[%add3A_53, %dma_wait3A_127] : memref<5120x2048xf32, #tpu.memory_space<hbm>> -> memref<16x2048xf32, #tpu.memory_space<hbm>>
      tpu.wait_dma2 semaphore(%run_scoped3A : memref<!tpu.dma_semaphore, #tpu.memory_space<semaphore_mem>>) src(%arg7 : memref<16x2048xf32, #tpu.memory_space<vmem>>) dst(%dma_wait3A_128 : memref<16x2048xf32, #tpu.memory_space<hbm>>)
      tpu.yield
    }) : () -> ()
    %dma_start3A_54 = arith.constant 80 : i32
    %dma_start3A_55 = tpu.memref_slice %arg5[%dma_start3A_54] : memref<160xi32, #tpu.memory_space<vmem>> -> memref<16xi32, #tpu.memory_space<vmem>>
    %dma_start3A_56 = arith.constant 0 : i32
    %dma_start3A_57 = arith.constant 0 : i32
    %dma_start3A_58 = tpu.memref_slice %arg3[%dma_start3A_56, %dma_start3A_57] : memref<2048x2048xf32, #tpu.memory_space<hbm>> -> memref<2048x2048xf32, #tpu.memory_space<hbm>>
    tpu.enqueue_indirect_dma source(%dma_start3A_58 : memref<2048x2048xf32, #tpu.memory_space<hbm>>) target(%arg7 : memref<16x2048xf32, #tpu.memory_space<vmem>>) offsets(%dma_start3A_55 : memref<16xi32, #tpu.memory_space<vmem>>) semaphore(%arg9 : memref<!tpu.dma_semaphore, #tpu.memory_space<semaphore_mem>>)
    %dma_wait3A_59 = arith.constant 64 : i32
    %dma_wait3A_60 = tpu.memref_slice %arg5[%dma_wait3A_59] : memref<160xi32, #tpu.memory_space<vmem>> -> memref<16xi32, #tpu.memory_space<vmem>>
    %dma_wait3A_61 = arith.constant 0 : i32
    %dma_wait3A_62 = arith.constant 0 : i32
    %dma_wait3A_63 = tpu.memref_slice %arg3[%dma_wait3A_61, %dma_wait3A_62] : memref<2048x2048xf32, #tpu.memory_space<hbm>> -> memref<2048x2048xf32, #tpu.memory_space<hbm>>
    tpu.wait_indirect_dma semaphore(%arg8 : memref<!tpu.dma_semaphore, #tpu.memory_space<semaphore_mem>>) src(%dma_wait3A_63 : memref<2048x2048xf32, #tpu.memory_space<hbm>>) dst(%arg6 : memref<16x2048xf32, #tpu.memory_space<vmem>>)
    %add3A_64 = arith.constant 64 : i32
    %add3A_65 = arith.addi %mul3A_2, %add3A_64 : i32
    "tpu.region"() ({
      %run_scoped3A = tpu.sem_alloc : memref<!tpu.dma_semaphore, #tpu.memory_space<semaphore_mem>>
      %dma_start3A_121 = arith.constant 0 : i32
      %dma_start3A_122 = tpu.memref_slice %arg4[%add3A_65, %dma_start3A_121] : memref<5120x2048xf32, #tpu.memory_space<hbm>> -> memref<16x2048xf32, #tpu.memory_space<hbm>>
      %dma_start3A_123 = arith.constant 0 : i32
      %dma_start3A_124 = tpu.memref_slice %arg4[%add3A_65, %dma_start3A_123] : memref<5120x2048xf32, #tpu.memory_space<hbm>> -> memref<16x2048xf32, #tpu.memory_space<hbm>>
      tpu.enqueue_dma source(%arg6 : memref<16x2048xf32, #tpu.memory_space<vmem>>) target(%dma_start3A_124 : memref<16x2048xf32, #tpu.memory_space<hbm>>) target_semaphore(%run_scoped3A : memref<!tpu.dma_semaphore, #tpu.memory_space<semaphore_mem>>)
      %dma_wait3A_125 = arith.constant 0 : i32
      %dma_wait3A_126 = tpu.memref_slice %arg4[%add3A_65, %dma_wait3A_125] : memref<5120x2048xf32, #tpu.memory_space<hbm>> -> memref<16x2048xf32, #tpu.memory_space<hbm>>
      %dma_wait3A_127 = arith.constant 0 : i32
      %dma_wait3A_128 = tpu.memref_slice %arg4[%add3A_65, %dma_wait3A_127] : memref<5120x2048xf32, #tpu.memory_space<hbm>> -> memref<16x2048xf32, #tpu.memory_space<hbm>>
      tpu.wait_dma2 semaphore(%run_scoped3A : memref<!tpu.dma_semaphore, #tpu.memory_space<semaphore_mem>>) src(%arg6 : memref<16x2048xf32, #tpu.memory_space<vmem>>) dst(%dma_wait3A_128 : memref<16x2048xf32, #tpu.memory_space<hbm>>)
      tpu.yield
    }) : () -> ()
    %dma_start3A_66 = arith.constant 96 : i32
    %dma_start3A_67 = tpu.memref_slice %arg5[%dma_start3A_66] : memref<160xi32, #tpu.memory_space<vmem>> -> memref<16xi32, #tpu.memory_space<vmem>>
    %dma_start3A_68 = arith.constant 0 : i32
    %dma_start3A_69 = arith.constant 0 : i32
    %dma_start3A_70 = tpu.memref_slice %arg3[%dma_start3A_68, %dma_start3A_69] : memref<2048x2048xf32, #tpu.memory_space<hbm>> -> memref<2048x2048xf32, #tpu.memory_space<hbm>>
    tpu.enqueue_indirect_dma source(%dma_start3A_70 : memref<2048x2048xf32, #tpu.memory_space<hbm>>) target(%arg6 : memref<16x2048xf32, #tpu.memory_space<vmem>>) offsets(%dma_start3A_67 : memref<16xi32, #tpu.memory_space<vmem>>) semaphore(%arg8 : memref<!tpu.dma_semaphore, #tpu.memory_space<semaphore_mem>>)
    %dma_wait3A_71 = arith.constant 80 : i32
    %dma_wait3A_72 = tpu.memref_slice %arg5[%dma_wait3A_71] : memref<160xi32, #tpu.memory_space<vmem>> -> memref<16xi32, #tpu.memory_space<vmem>>
    %dma_wait3A_73 = arith.constant 0 : i32
    %dma_wait3A_74 = arith.constant 0 : i32
    %dma_wait3A_75 = tpu.memref_slice %arg3[%dma_wait3A_73, %dma_wait3A_74] : memref<2048x2048xf32, #tpu.memory_space<hbm>> -> memref<2048x2048xf32, #tpu.memory_space<hbm>>
    tpu.wait_indirect_dma semaphore(%arg9 : memref<!tpu.dma_semaphore, #tpu.memory_space<semaphore_mem>>) src(%dma_wait3A_75 : memref<2048x2048xf32, #tpu.memory_space<hbm>>) dst(%arg7 : memref<16x2048xf32, #tpu.memory_space<vmem>>)
    %add3A_76 = arith.constant 80 : i32
    %add3A_77 = arith.addi %mul3A_2, %add3A_76 : i32
    "tpu.region"() ({
      %run_scoped3A = tpu.sem_alloc : memref<!tpu.dma_semaphore, #tpu.memory_space<semaphore_mem>>
      %dma_start3A_121 = arith.constant 0 : i32
      %dma_start3A_122 = tpu.memref_slice %arg4[%add3A_77, %dma_start3A_121] : memref<5120x2048xf32, #tpu.memory_space<hbm>> -> memref<16x2048xf32, #tpu.memory_space<hbm>>
      %dma_start3A_123 = arith.constant 0 : i32
      %dma_start3A_124 = tpu.memref_slice %arg4[%add3A_77, %dma_start3A_123] : memref<5120x2048xf32, #tpu.memory_space<hbm>> -> memref<16x2048xf32, #tpu.memory_space<hbm>>
      tpu.enqueue_dma source(%arg7 : memref<16x2048xf32, #tpu.memory_space<vmem>>) target(%dma_start3A_124 : memref<16x2048xf32, #tpu.memory_space<hbm>>) target_semaphore(%run_scoped3A : memref<!tpu.dma_semaphore, #tpu.memory_space<semaphore_mem>>)
      %dma_wait3A_125 = arith.constant 0 : i32
      %dma_wait3A_126 = tpu.memref_slice %arg4[%add3A_77, %dma_wait3A_125] : memref<5120x2048xf32, #tpu.memory_space<hbm>> -> memref<16x2048xf32, #tpu.memory_space<hbm>>
      %dma_wait3A_127 = arith.constant 0 : i32
      %dma_wait3A_128 = tpu.memref_slice %arg4[%add3A_77, %dma_wait3A_127] : memref<5120x2048xf32, #tpu.memory_space<hbm>> -> memref<16x2048xf32, #tpu.memory_space<hbm>>
      tpu.wait_dma2 semaphore(%run_scoped3A : memref<!tpu.dma_semaphore, #tpu.memory_space<semaphore_mem>>) src(%arg7 : memref<16x2048xf32, #tpu.memory_space<vmem>>) dst(%dma_wait3A_128 : memref<16x2048xf32, #tpu.memory_space<hbm>>)
      tpu.yield
    }) : () -> ()
    %dma_start3A_78 = arith.constant 112 : i32
    %dma_start3A_79 = tpu.memref_slice %arg5[%dma_start3A_78] : memref<160xi32, #tpu.memory_space<vmem>> -> memref<16xi32, #tpu.memory_space<vmem>>
    %dma_start3A_80 = arith.constant 0 : i32
    %dma_start3A_81 = arith.constant 0 : i32
    %dma_start3A_82 = tpu.memref_slice %arg3[%dma_start3A_80, %dma_start3A_81] : memref<2048x2048xf32, #tpu.memory_space<hbm>> -> memref<2048x2048xf32, #tpu.memory_space<hbm>>
    tpu.enqueue_indirect_dma source(%dma_start3A_82 : memref<2048x2048xf32, #tpu.memory_space<hbm>>) target(%arg7 : memref<16x2048xf32, #tpu.memory_space<vmem>>) offsets(%dma_start3A_79 : memref<16xi32, #tpu.memory_space<vmem>>) semaphore(%arg9 : memref<!tpu.dma_semaphore, #tpu.memory_space<semaphore_mem>>)
    %dma_wait3A_83 = arith.constant 96 : i32
    %dma_wait3A_84 = tpu.memref_slice %arg5[%dma_wait3A_83] : memref<160xi32, #tpu.memory_space<vmem>> -> memref<16xi32, #tpu.memory_space<vmem>>
    %dma_wait3A_85 = arith.constant 0 : i32
    %dma_wait3A_86 = arith.constant 0 : i32
    %dma_wait3A_87 = tpu.memref_slice %arg3[%dma_wait3A_85, %dma_wait3A_86] : memref<2048x2048xf32, #tpu.memory_space<hbm>> -> memref<2048x2048xf32, #tpu.memory_space<hbm>>
    tpu.wait_indirect_dma semaphore(%arg8 : memref<!tpu.dma_semaphore, #tpu.memory_space<semaphore_mem>>) src(%dma_wait3A_87 : memref<2048x2048xf32, #tpu.memory_space<hbm>>) dst(%arg6 : memref<16x2048xf32, #tpu.memory_space<vmem>>)
    %add3A_88 = arith.constant 96 : i32
    %add3A_89 = arith.addi %mul3A_2, %add3A_88 : i32
    "tpu.region"() ({
      %run_scoped3A = tpu.sem_alloc : memref<!tpu.dma_semaphore, #tpu.memory_space<semaphore_mem>>
      %dma_start3A_121 = arith.constant 0 : i32
      %dma_start3A_122 = tpu.memref_slice %arg4[%add3A_89, %dma_start3A_121] : memref<5120x2048xf32, #tpu.memory_space<hbm>> -> memref<16x2048xf32, #tpu.memory_space<hbm>>
      %dma_start3A_123 = arith.constant 0 : i32
      %dma_start3A_124 = tpu.memref_slice %arg4[%add3A_89, %dma_start3A_123] : memref<5120x2048xf32, #tpu.memory_space<hbm>> -> memref<16x2048xf32, #tpu.memory_space<hbm>>
      tpu.enqueue_dma source(%arg6 : memref<16x2048xf32, #tpu.memory_space<vmem>>) target(%dma_start3A_124 : memref<16x2048xf32, #tpu.memory_space<hbm>>) target_semaphore(%run_scoped3A : memref<!tpu.dma_semaphore, #tpu.memory_space<semaphore_mem>>)
      %dma_wait3A_125 = arith.constant 0 : i32
      %dma_wait3A_126 = tpu.memref_slice %arg4[%add3A_89, %dma_wait3A_125] : memref<5120x2048xf32, #tpu.memory_space<hbm>> -> memref<16x2048xf32, #tpu.memory_space<hbm>>
      %dma_wait3A_127 = arith.constant 0 : i32
      %dma_wait3A_128 = tpu.memref_slice %arg4[%add3A_89, %dma_wait3A_127] : memref<5120x2048xf32, #tpu.memory_space<hbm>> -> memref<16x2048xf32, #tpu.memory_space<hbm>>
      tpu.wait_dma2 semaphore(%run_scoped3A : memref<!tpu.dma_semaphore, #tpu.memory_space<semaphore_mem>>) src(%arg6 : memref<16x2048xf32, #tpu.memory_space<vmem>>) dst(%dma_wait3A_128 : memref<16x2048xf32, #tpu.memory_space<hbm>>)
      tpu.yield
    }) : () -> ()
    %dma_start3A_90 = arith.constant 128 : i32
    %dma_start3A_91 = tpu.memref_slice %arg5[%dma_start3A_90] : memref<160xi32, #tpu.memory_space<vmem>> -> memref<16xi32, #tpu.memory_space<vmem>>
    %dma_start3A_92 = arith.constant 0 : i32
    %dma_start3A_93 = arith.constant 0 : i32
    %dma_start3A_94 = tpu.memref_slice %arg3[%dma_start3A_92, %dma_start3A_93] : memref<2048x2048xf32, #tpu.memory_space<hbm>> -> memref<2048x2048xf32, #tpu.memory_space<hbm>>
    tpu.enqueue_indirect_dma source(%dma_start3A_94 : memref<2048x2048xf32, #tpu.memory_space<hbm>>) target(%arg6 : memref<16x2048xf32, #tpu.memory_space<vmem>>) offsets(%dma_start3A_91 : memref<16xi32, #tpu.memory_space<vmem>>) semaphore(%arg8 : memref<!tpu.dma_semaphore, #tpu.memory_space<semaphore_mem>>)
    %dma_wait3A_95 = arith.constant 112 : i32
    %dma_wait3A_96 = tpu.memref_slice %arg5[%dma_wait3A_95] : memref<160xi32, #tpu.memory_space<vmem>> -> memref<16xi32, #tpu.memory_space<vmem>>
    %dma_wait3A_97 = arith.constant 0 : i32
    %dma_wait3A_98 = arith.constant 0 : i32
    %dma_wait3A_99 = tpu.memref_slice %arg3[%dma_wait3A_97, %dma_wait3A_98] : memref<2048x2048xf32, #tpu.memory_space<hbm>> -> memref<2048x2048xf32, #tpu.memory_space<hbm>>
    tpu.wait_indirect_dma semaphore(%arg9 : memref<!tpu.dma_semaphore, #tpu.memory_space<semaphore_mem>>) src(%dma_wait3A_99 : memref<2048x2048xf32, #tpu.memory_space<hbm>>) dst(%arg7 : memref<16x2048xf32, #tpu.memory_space<vmem>>)
    %add3A_100 = arith.constant 112 : i32
    %add3A_101 = arith.addi %mul3A_2, %add3A_100 : i32
    "tpu.region"() ({
      %run_scoped3A = tpu.sem_alloc : memref<!tpu.dma_semaphore, #tpu.memory_space<semaphore_mem>>
      %dma_start3A_121 = arith.constant 0 : i32
      %dma_start3A_122 = tpu.memref_slice %arg4[%add3A_101, %dma_start3A_121] : memref<5120x2048xf32, #tpu.memory_space<hbm>> -> memref<16x2048xf32, #tpu.memory_space<hbm>>
      %dma_start3A_123 = arith.constant 0 : i32
      %dma_start3A_124 = tpu.memref_slice %arg4[%add3A_101, %dma_start3A_123] : memref<5120x2048xf32, #tpu.memory_space<hbm>> -> memref<16x2048xf32, #tpu.memory_space<hbm>>
      tpu.enqueue_dma source(%arg7 : memref<16x2048xf32, #tpu.memory_space<vmem>>) target(%dma_start3A_124 : memref<16x2048xf32, #tpu.memory_space<hbm>>) target_semaphore(%run_scoped3A : memref<!tpu.dma_semaphore, #tpu.memory_space<semaphore_mem>>)
      %dma_wait3A_125 = arith.constant 0 : i32
      %dma_wait3A_126 = tpu.memref_slice %arg4[%add3A_101, %dma_wait3A_125] : memref<5120x2048xf32, #tpu.memory_space<hbm>> -> memref<16x2048xf32, #tpu.memory_space<hbm>>
      %dma_wait3A_127 = arith.constant 0 : i32
      %dma_wait3A_128 = tpu.memref_slice %arg4[%add3A_101, %dma_wait3A_127] : memref<5120x2048xf32, #tpu.memory_space<hbm>> -> memref<16x2048xf32, #tpu.memory_space<hbm>>
      tpu.wait_dma2 semaphore(%run_scoped3A : memref<!tpu.dma_semaphore, #tpu.memory_space<semaphore_mem>>) src(%arg7 : memref<16x2048xf32, #tpu.memory_space<vmem>>) dst(%dma_wait3A_128 : memref<16x2048xf32, #tpu.memory_space<hbm>>)
      tpu.yield
    }) : () -> ()
    %dma_start3A_102 = arith.constant 144 : i32
    %dma_start3A_103 = tpu.memref_slice %arg5[%dma_start3A_102] : memref<160xi32, #tpu.memory_space<vmem>> -> memref<16xi32, #tpu.memory_space<vmem>>
    %dma_start3A_104 = arith.constant 0 : i32
    %dma_start3A_105 = arith.constant 0 : i32
    %dma_start3A_106 = tpu.memref_slice %arg3[%dma_start3A_104, %dma_start3A_105] : memref<2048x2048xf32, #tpu.memory_space<hbm>> -> memref<2048x2048xf32, #tpu.memory_space<hbm>>
    tpu.enqueue_indirect_dma source(%dma_start3A_106 : memref<2048x2048xf32, #tpu.memory_space<hbm>>) target(%arg7 : memref<16x2048xf32, #tpu.memory_space<vmem>>) offsets(%dma_start3A_103 : memref<16xi32, #tpu.memory_space<vmem>>) semaphore(%arg9 : memref<!tpu.dma_semaphore, #tpu.memory_space<semaphore_mem>>)
    %dma_wait3A_107 = arith.constant 128 : i32
    %dma_wait3A_108 = tpu.memref_slice %arg5[%dma_wait3A_107] : memref<160xi32, #tpu.memory_space<vmem>> -> memref<16xi32, #tpu.memory_space<vmem>>
    %dma_wait3A_109 = arith.constant 0 : i32
    %dma_wait3A_110 = arith.constant 0 : i32
    %dma_wait3A_111 = tpu.memref_slice %arg3[%dma_wait3A_109, %dma_wait3A_110] : memref<2048x2048xf32, #tpu.memory_space<hbm>> -> memref<2048x2048xf32, #tpu.memory_space<hbm>>
    tpu.wait_indirect_dma semaphore(%arg8 : memref<!tpu.dma_semaphore, #tpu.memory_space<semaphore_mem>>) src(%dma_wait3A_111 : memref<2048x2048xf32, #tpu.memory_space<hbm>>) dst(%arg6 : memref<16x2048xf32, #tpu.memory_space<vmem>>)
    %add3A_112 = arith.constant 128 : i32
    %add3A_113 = arith.addi %mul3A_2, %add3A_112 : i32
    "tpu.region"() ({
      %run_scoped3A = tpu.sem_alloc : memref<!tpu.dma_semaphore, #tpu.memory_space<semaphore_mem>>
      %dma_start3A_121 = arith.constant 0 : i32
      %dma_start3A_122 = tpu.memref_slice %arg4[%add3A_113, %dma_start3A_121] : memref<5120x2048xf32, #tpu.memory_space<hbm>> -> memref<16x2048xf32, #tpu.memory_space<hbm>>
      %dma_start3A_123 = arith.constant 0 : i32
      %dma_start3A_124 = tpu.memref_slice %arg4[%add3A_113, %dma_start3A_123] : memref<5120x2048xf32, #tpu.memory_space<hbm>> -> memref<16x2048xf32, #tpu.memory_space<hbm>>
      tpu.enqueue_dma source(%arg6 : memref<16x2048xf32, #tpu.memory_space<vmem>>) target(%dma_start3A_124 : memref<16x2048xf32, #tpu.memory_space<hbm>>) target_semaphore(%run_scoped3A : memref<!tpu.dma_semaphore, #tpu.memory_space<semaphore_mem>>)
      %dma_wait3A_125 = arith.constant 0 : i32
      %dma_wait3A_126 = tpu.memref_slice %arg4[%add3A_113, %dma_wait3A_125] : memref<5120x2048xf32, #tpu.memory_space<hbm>> -> memref<16x2048xf32, #tpu.memory_space<hbm>>
      %dma_wait3A_127 = arith.constant 0 : i32
      %dma_wait3A_128 = tpu.memref_slice %arg4[%add3A_113, %dma_wait3A_127] : memref<5120x2048xf32, #tpu.memory_space<hbm>> -> memref<16x2048xf32, #tpu.memory_space<hbm>>
      tpu.wait_dma2 semaphore(%run_scoped3A : memref<!tpu.dma_semaphore, #tpu.memory_space<semaphore_mem>>) src(%arg6 : memref<16x2048xf32, #tpu.memory_space<vmem>>) dst(%dma_wait3A_128 : memref<16x2048xf32, #tpu.memory_space<hbm>>)
      tpu.yield
    }) : () -> ()
    %dma_wait3A_114 = arith.constant 144 : i32
    %dma_wait3A_115 = tpu.memref_slice %arg5[%dma_wait3A_114] : memref<160xi32, #tpu.memory_space<vmem>> -> memref<16xi32, #tpu.memory_space<vmem>>
    %dma_wait3A_116 = arith.constant 0 : i32
    %dma_wait3A_117 = arith.constant 0 : i32
    %dma_wait3A_118 = tpu.memref_slice %arg3[%dma_wait3A_116, %dma_wait3A_117] : memref<2048x2048xf32, #tpu.memory_space<hbm>> -> memref<2048x2048xf32, #tpu.memory_space<hbm>>
    tpu.wait_indirect_dma semaphore(%arg9 : memref<!tpu.dma_semaphore, #tpu.memory_space<semaphore_mem>>) src(%dma_wait3A_118 : memref<2048x2048xf32, #tpu.memory_space<hbm>>) dst(%arg7 : memref<16x2048xf32, #tpu.memory_space<vmem>>)
    %add3A_119 = arith.constant 144 : i32
    %add3A_120 = arith.addi %mul3A_2, %add3A_119 : i32
    "tpu.region"() ({
      %run_scoped3A = tpu.sem_alloc : memref<!tpu.dma_semaphore, #tpu.memory_space<semaphore_mem>>
      %dma_start3A_121 = arith.constant 0 : i32
      %dma_start3A_122 = tpu.memref_slice %arg4[%add3A_120, %dma_start3A_121] : memref<5120x2048xf32, #tpu.memory_space<hbm>> -> memref<16x2048xf32, #tpu.memory_space<hbm>>
      %dma_start3A_123 = arith.constant 0 : i32
      %dma_start3A_124 = tpu.memref_slice %arg4[%add3A_120, %dma_start3A_123] : memref<5120x2048xf32, #tpu.memory_space<hbm>> -> memref<16x2048xf32, #tpu.memory_space<hbm>>
      tpu.enqueue_dma source(%arg7 : memref<16x2048xf32, #tpu.memory_space<vmem>>) target(%dma_start3A_124 : memref<16x2048xf32, #tpu.memory_space<hbm>>) target_semaphore(%run_scoped3A : memref<!tpu.dma_semaphore, #tpu.memory_space<semaphore_mem>>)
      %dma_wait3A_125 = arith.constant 0 : i32
      %dma_wait3A_126 = tpu.memref_slice %arg4[%add3A_120, %dma_wait3A_125] : memref<5120x2048xf32, #tpu.memory_space<hbm>> -> memref<16x2048xf32, #tpu.memory_space<hbm>>
      %dma_wait3A_127 = arith.constant 0 : i32
      %dma_wait3A_128 = tpu.memref_slice %arg4[%add3A_120, %dma_wait3A_127] : memref<5120x2048xf32, #tpu.memory_space<hbm>> -> memref<16x2048xf32, #tpu.memory_space<hbm>>
      tpu.wait_dma2 semaphore(%run_scoped3A : memref<!tpu.dma_semaphore, #tpu.memory_space<semaphore_mem>>) src(%arg7 : memref<16x2048xf32, #tpu.memory_space<vmem>>) dst(%dma_wait3A_128 : memref<16x2048xf32, #tpu.memory_space<hbm>>)
      tpu.yield
    }) : () -> ()
    return
  }
}

#map = affine_map<(d0, d1) -> (0)>
#map1 = affine_map<(d0, d1) -> (0, 0)>
module attributes {stable_mosaic.version = 14 : i64} {
  func.func @k(%arg0: i32, %arg1: i32, %arg2: memref<2048xi32, #tpu.memory_space<hbm>>, %arg3: memref<2048xi32, #tpu.memory_space<hbm>>, %arg4: memref<5120x2048xf32, #tpu.memory_space<hbm>>, %arg5: memref<2048x2048xf32, #tpu.memory_space<hbm>>, %arg6: memref<2048x2048xf32, #tpu.memory_space<hbm>>, %arg7: memref<64xi32, #tpu.memory_space<vmem>>, %arg8: memref<64xi32, #tpu.memory_space<vmem>>, %arg9: memref<16x2048xf32, #tpu.memory_space<vmem>>, %arg10: memref<16x2048xf32, #tpu.memory_space<vmem>>, %arg11: memref<!tpu.dma_semaphore, #tpu.memory_space<semaphore_mem>>, %arg12: memref<!tpu.dma_semaphore, #tpu.memory_space<semaphore_mem>>) attributes {dimension_semantics = [#tpu.dimension_semantics<core_parallel>, #tpu.dimension_semantics<subcore_parallel>], iteration_bounds = array<i64: 2, 16>, scalar_prefetch = 0 : i64, scratch_operands = 6 : i64, tpu.core_type = #tpu.core_type<sc_vector_subcore>, window_params = [{transform_indices = #map}, {transform_indices = #map}, {transform_indices = #map1}, {transform_indices = #map1}, {transform_indices = #map1}]} {
    %mul3A = arith.constant 2 : i32
    %mul3A_0 = arith.muli %arg1, %mul3A : i32
    %add3A = arith.addi %mul3A_0, %arg0 : i32
    %mul3A_1 = arith.constant 64 : i32
    %mul3A_2 = arith.muli %add3A, %mul3A_1 : i32
    "tpu.region"() ({
      %run_scoped3A = tpu.sem_alloc : memref<!tpu.dma_semaphore, #tpu.memory_space<semaphore_mem>>
      %dma_start3A_97 = tpu.memref_slice %arg2[%mul3A_2] : memref<2048xi32, #tpu.memory_space<hbm>> -> memref<64xi32, #tpu.memory_space<hbm>>
      %dma_start3A_98 = tpu.memref_slice %arg2[%mul3A_2] : memref<2048xi32, #tpu.memory_space<hbm>> -> memref<64xi32, #tpu.memory_space<hbm>>
      tpu.enqueue_dma source(%dma_start3A_98 : memref<64xi32, #tpu.memory_space<hbm>>) target(%arg7 : memref<64xi32, #tpu.memory_space<vmem>>) target_semaphore(%run_scoped3A : memref<!tpu.dma_semaphore, #tpu.memory_space<semaphore_mem>>)
      %dma_wait3A_99 = tpu.memref_slice %arg2[%mul3A_2] : memref<2048xi32, #tpu.memory_space<hbm>> -> memref<64xi32, #tpu.memory_space<hbm>>
      %dma_wait3A_100 = tpu.memref_slice %arg2[%mul3A_2] : memref<2048xi32, #tpu.memory_space<hbm>> -> memref<64xi32, #tpu.memory_space<hbm>>
      tpu.wait_dma2 semaphore(%run_scoped3A : memref<!tpu.dma_semaphore, #tpu.memory_space<semaphore_mem>>) src(%dma_wait3A_100 : memref<64xi32, #tpu.memory_space<hbm>>) dst(%arg7 : memref<64xi32, #tpu.memory_space<vmem>>)
      tpu.yield
    }) : () -> ()
    "tpu.region"() ({
      %run_scoped3A = tpu.sem_alloc : memref<!tpu.dma_semaphore, #tpu.memory_space<semaphore_mem>>
      %dma_start3A_97 = tpu.memref_slice %arg3[%mul3A_2] : memref<2048xi32, #tpu.memory_space<hbm>> -> memref<64xi32, #tpu.memory_space<hbm>>
      %dma_start3A_98 = tpu.memref_slice %arg3[%mul3A_2] : memref<2048xi32, #tpu.memory_space<hbm>> -> memref<64xi32, #tpu.memory_space<hbm>>
      tpu.enqueue_dma source(%dma_start3A_98 : memref<64xi32, #tpu.memory_space<hbm>>) target(%arg8 : memref<64xi32, #tpu.memory_space<vmem>>) target_semaphore(%run_scoped3A : memref<!tpu.dma_semaphore, #tpu.memory_space<semaphore_mem>>)
      %dma_wait3A_99 = tpu.memref_slice %arg3[%mul3A_2] : memref<2048xi32, #tpu.memory_space<hbm>> -> memref<64xi32, #tpu.memory_space<hbm>>
      %dma_wait3A_100 = tpu.memref_slice %arg3[%mul3A_2] : memref<2048xi32, #tpu.memory_space<hbm>> -> memref<64xi32, #tpu.memory_space<hbm>>
      tpu.wait_dma2 semaphore(%run_scoped3A : memref<!tpu.dma_semaphore, #tpu.memory_space<semaphore_mem>>) src(%dma_wait3A_100 : memref<64xi32, #tpu.memory_space<hbm>>) dst(%arg8 : memref<64xi32, #tpu.memory_space<vmem>>)
      tpu.yield
    }) : () -> ()
    %dma_start3A = arith.constant 0 : i32
    %dma_start3A_3 = tpu.memref_slice %arg7[%dma_start3A] : memref<64xi32, #tpu.memory_space<vmem>> -> memref<16xi32, #tpu.memory_space<vmem>>
    %dma_start3A_4 = arith.constant 0 : i32
    %dma_start3A_5 = arith.constant 0 : i32
    %dma_start3A_6 = tpu.memref_slice %arg4[%dma_start3A_4, %dma_start3A_5] : memref<5120x2048xf32, #tpu.memory_space<hbm>> -> memref<5120x2048xf32, #tpu.memory_space<hbm>>
    tpu.enqueue_indirect_dma source(%dma_start3A_6 : memref<5120x2048xf32, #tpu.memory_space<hbm>>) target(%arg9 : memref<16x2048xf32, #tpu.memory_space<vmem>>) offsets(%dma_start3A_3 : memref<16xi32, #tpu.memory_space<vmem>>) semaphore(%arg11 : memref<!tpu.dma_semaphore, #tpu.memory_space<semaphore_mem>>)
    %dma_start3A_7 = arith.constant 0 : i32
    %dma_start3A_8 = tpu.memref_slice %arg8[%dma_start3A_7] : memref<64xi32, #tpu.memory_space<vmem>> -> memref<16xi32, #tpu.memory_space<vmem>>
    %dma_start3A_9 = arith.constant 0 : i32
    %dma_start3A_10 = arith.constant 0 : i32
    %dma_start3A_11 = tpu.memref_slice %arg4[%dma_start3A_9, %dma_start3A_10] : memref<5120x2048xf32, #tpu.memory_space<hbm>> -> memref<5120x2048xf32, #tpu.memory_space<hbm>>
    tpu.enqueue_indirect_dma source(%dma_start3A_11 : memref<5120x2048xf32, #tpu.memory_space<hbm>>) target(%arg10 : memref<16x2048xf32, #tpu.memory_space<vmem>>) offsets(%dma_start3A_8 : memref<16xi32, #tpu.memory_space<vmem>>) semaphore(%arg12 : memref<!tpu.dma_semaphore, #tpu.memory_space<semaphore_mem>>)
    %dma_wait3A = arith.constant 0 : i32
    %dma_wait3A_12 = tpu.memref_slice %arg7[%dma_wait3A] : memref<64xi32, #tpu.memory_space<vmem>> -> memref<16xi32, #tpu.memory_space<vmem>>
    %dma_wait3A_13 = arith.constant 0 : i32
    %dma_wait3A_14 = arith.constant 0 : i32
    %dma_wait3A_15 = tpu.memref_slice %arg4[%dma_wait3A_13, %dma_wait3A_14] : memref<5120x2048xf32, #tpu.memory_space<hbm>> -> memref<5120x2048xf32, #tpu.memory_space<hbm>>
    tpu.wait_indirect_dma semaphore(%arg11 : memref<!tpu.dma_semaphore, #tpu.memory_space<semaphore_mem>>) src(%dma_wait3A_15 : memref<5120x2048xf32, #tpu.memory_space<hbm>>) dst(%arg9 : memref<16x2048xf32, #tpu.memory_space<vmem>>)
    %add3A_16 = arith.constant 0 : i32
    %add3A_17 = arith.addi %mul3A_2, %add3A_16 : i32
    "tpu.region"() ({
      %run_scoped3A = tpu.sem_alloc : memref<!tpu.dma_semaphore, #tpu.memory_space<semaphore_mem>>
      %dma_start3A_97 = arith.constant 0 : i32
      %dma_start3A_98 = tpu.memref_slice %arg5[%add3A_17, %dma_start3A_97] : memref<2048x2048xf32, #tpu.memory_space<hbm>> -> memref<16x2048xf32, #tpu.memory_space<hbm>>
      %dma_start3A_99 = arith.constant 0 : i32
      %dma_start3A_100 = tpu.memref_slice %arg5[%add3A_17, %dma_start3A_99] : memref<2048x2048xf32, #tpu.memory_space<hbm>> -> memref<16x2048xf32, #tpu.memory_space<hbm>>
      tpu.enqueue_dma source(%arg9 : memref<16x2048xf32, #tpu.memory_space<vmem>>) target(%dma_start3A_100 : memref<16x2048xf32, #tpu.memory_space<hbm>>) target_semaphore(%run_scoped3A : memref<!tpu.dma_semaphore, #tpu.memory_space<semaphore_mem>>)
      %dma_wait3A_101 = arith.constant 0 : i32
      %dma_wait3A_102 = tpu.memref_slice %arg5[%add3A_17, %dma_wait3A_101] : memref<2048x2048xf32, #tpu.memory_space<hbm>> -> memref<16x2048xf32, #tpu.memory_space<hbm>>
      %dma_wait3A_103 = arith.constant 0 : i32
      %dma_wait3A_104 = tpu.memref_slice %arg5[%add3A_17, %dma_wait3A_103] : memref<2048x2048xf32, #tpu.memory_space<hbm>> -> memref<16x2048xf32, #tpu.memory_space<hbm>>
      tpu.wait_dma2 semaphore(%run_scoped3A : memref<!tpu.dma_semaphore, #tpu.memory_space<semaphore_mem>>) src(%arg9 : memref<16x2048xf32, #tpu.memory_space<vmem>>) dst(%dma_wait3A_104 : memref<16x2048xf32, #tpu.memory_space<hbm>>)
      tpu.yield
    }) : () -> ()
    %dma_start3A_18 = arith.constant 16 : i32
    %dma_start3A_19 = tpu.memref_slice %arg7[%dma_start3A_18] : memref<64xi32, #tpu.memory_space<vmem>> -> memref<16xi32, #tpu.memory_space<vmem>>
    %dma_start3A_20 = arith.constant 0 : i32
    %dma_start3A_21 = arith.constant 0 : i32
    %dma_start3A_22 = tpu.memref_slice %arg4[%dma_start3A_20, %dma_start3A_21] : memref<5120x2048xf32, #tpu.memory_space<hbm>> -> memref<5120x2048xf32, #tpu.memory_space<hbm>>
    tpu.enqueue_indirect_dma source(%dma_start3A_22 : memref<5120x2048xf32, #tpu.memory_space<hbm>>) target(%arg9 : memref<16x2048xf32, #tpu.memory_space<vmem>>) offsets(%dma_start3A_19 : memref<16xi32, #tpu.memory_space<vmem>>) semaphore(%arg11 : memref<!tpu.dma_semaphore, #tpu.memory_space<semaphore_mem>>)
    %dma_wait3A_23 = arith.constant 0 : i32
    %dma_wait3A_24 = tpu.memref_slice %arg8[%dma_wait3A_23] : memref<64xi32, #tpu.memory_space<vmem>> -> memref<16xi32, #tpu.memory_space<vmem>>
    %dma_wait3A_25 = arith.constant 0 : i32
    %dma_wait3A_26 = arith.constant 0 : i32
    %dma_wait3A_27 = tpu.memref_slice %arg4[%dma_wait3A_25, %dma_wait3A_26] : memref<5120x2048xf32, #tpu.memory_space<hbm>> -> memref<5120x2048xf32, #tpu.memory_space<hbm>>
    tpu.wait_indirect_dma semaphore(%arg12 : memref<!tpu.dma_semaphore, #tpu.memory_space<semaphore_mem>>) src(%dma_wait3A_27 : memref<5120x2048xf32, #tpu.memory_space<hbm>>) dst(%arg10 : memref<16x2048xf32, #tpu.memory_space<vmem>>)
    %add3A_28 = arith.constant 0 : i32
    %add3A_29 = arith.addi %mul3A_2, %add3A_28 : i32
    "tpu.region"() ({
      %run_scoped3A = tpu.sem_alloc : memref<!tpu.dma_semaphore, #tpu.memory_space<semaphore_mem>>
      %dma_start3A_97 = arith.constant 0 : i32
      %dma_start3A_98 = tpu.memref_slice %arg6[%add3A_29, %dma_start3A_97] : memref<2048x2048xf32, #tpu.memory_space<hbm>> -> memref<16x2048xf32, #tpu.memory_space<hbm>>
      %dma_start3A_99 = arith.constant 0 : i32
      %dma_start3A_100 = tpu.memref_slice %arg6[%add3A_29, %dma_start3A_99] : memref<2048x2048xf32, #tpu.memory_space<hbm>> -> memref<16x2048xf32, #tpu.memory_space<hbm>>
      tpu.enqueue_dma source(%arg10 : memref<16x2048xf32, #tpu.memory_space<vmem>>) target(%dma_start3A_100 : memref<16x2048xf32, #tpu.memory_space<hbm>>) target_semaphore(%run_scoped3A : memref<!tpu.dma_semaphore, #tpu.memory_space<semaphore_mem>>)
      %dma_wait3A_101 = arith.constant 0 : i32
      %dma_wait3A_102 = tpu.memref_slice %arg6[%add3A_29, %dma_wait3A_101] : memref<2048x2048xf32, #tpu.memory_space<hbm>> -> memref<16x2048xf32, #tpu.memory_space<hbm>>
      %dma_wait3A_103 = arith.constant 0 : i32
      %dma_wait3A_104 = tpu.memref_slice %arg6[%add3A_29, %dma_wait3A_103] : memref<2048x2048xf32, #tpu.memory_space<hbm>> -> memref<16x2048xf32, #tpu.memory_space<hbm>>
      tpu.wait_dma2 semaphore(%run_scoped3A : memref<!tpu.dma_semaphore, #tpu.memory_space<semaphore_mem>>) src(%arg10 : memref<16x2048xf32, #tpu.memory_space<vmem>>) dst(%dma_wait3A_104 : memref<16x2048xf32, #tpu.memory_space<hbm>>)
      tpu.yield
    }) : () -> ()
    %dma_start3A_30 = arith.constant 16 : i32
    %dma_start3A_31 = tpu.memref_slice %arg8[%dma_start3A_30] : memref<64xi32, #tpu.memory_space<vmem>> -> memref<16xi32, #tpu.memory_space<vmem>>
    %dma_start3A_32 = arith.constant 0 : i32
    %dma_start3A_33 = arith.constant 0 : i32
    %dma_start3A_34 = tpu.memref_slice %arg4[%dma_start3A_32, %dma_start3A_33] : memref<5120x2048xf32, #tpu.memory_space<hbm>> -> memref<5120x2048xf32, #tpu.memory_space<hbm>>
    tpu.enqueue_indirect_dma source(%dma_start3A_34 : memref<5120x2048xf32, #tpu.memory_space<hbm>>) target(%arg10 : memref<16x2048xf32, #tpu.memory_space<vmem>>) offsets(%dma_start3A_31 : memref<16xi32, #tpu.memory_space<vmem>>) semaphore(%arg12 : memref<!tpu.dma_semaphore, #tpu.memory_space<semaphore_mem>>)
    %dma_wait3A_35 = arith.constant 16 : i32
    %dma_wait3A_36 = tpu.memref_slice %arg7[%dma_wait3A_35] : memref<64xi32, #tpu.memory_space<vmem>> -> memref<16xi32, #tpu.memory_space<vmem>>
    %dma_wait3A_37 = arith.constant 0 : i32
    %dma_wait3A_38 = arith.constant 0 : i32
    %dma_wait3A_39 = tpu.memref_slice %arg4[%dma_wait3A_37, %dma_wait3A_38] : memref<5120x2048xf32, #tpu.memory_space<hbm>> -> memref<5120x2048xf32, #tpu.memory_space<hbm>>
    tpu.wait_indirect_dma semaphore(%arg11 : memref<!tpu.dma_semaphore, #tpu.memory_space<semaphore_mem>>) src(%dma_wait3A_39 : memref<5120x2048xf32, #tpu.memory_space<hbm>>) dst(%arg9 : memref<16x2048xf32, #tpu.memory_space<vmem>>)
    %add3A_40 = arith.constant 16 : i32
    %add3A_41 = arith.addi %mul3A_2, %add3A_40 : i32
    "tpu.region"() ({
      %run_scoped3A = tpu.sem_alloc : memref<!tpu.dma_semaphore, #tpu.memory_space<semaphore_mem>>
      %dma_start3A_97 = arith.constant 0 : i32
      %dma_start3A_98 = tpu.memref_slice %arg5[%add3A_41, %dma_start3A_97] : memref<2048x2048xf32, #tpu.memory_space<hbm>> -> memref<16x2048xf32, #tpu.memory_space<hbm>>
      %dma_start3A_99 = arith.constant 0 : i32
      %dma_start3A_100 = tpu.memref_slice %arg5[%add3A_41, %dma_start3A_99] : memref<2048x2048xf32, #tpu.memory_space<hbm>> -> memref<16x2048xf32, #tpu.memory_space<hbm>>
      tpu.enqueue_dma source(%arg9 : memref<16x2048xf32, #tpu.memory_space<vmem>>) target(%dma_start3A_100 : memref<16x2048xf32, #tpu.memory_space<hbm>>) target_semaphore(%run_scoped3A : memref<!tpu.dma_semaphore, #tpu.memory_space<semaphore_mem>>)
      %dma_wait3A_101 = arith.constant 0 : i32
      %dma_wait3A_102 = tpu.memref_slice %arg5[%add3A_41, %dma_wait3A_101] : memref<2048x2048xf32, #tpu.memory_space<hbm>> -> memref<16x2048xf32, #tpu.memory_space<hbm>>
      %dma_wait3A_103 = arith.constant 0 : i32
      %dma_wait3A_104 = tpu.memref_slice %arg5[%add3A_41, %dma_wait3A_103] : memref<2048x2048xf32, #tpu.memory_space<hbm>> -> memref<16x2048xf32, #tpu.memory_space<hbm>>
      tpu.wait_dma2 semaphore(%run_scoped3A : memref<!tpu.dma_semaphore, #tpu.memory_space<semaphore_mem>>) src(%arg9 : memref<16x2048xf32, #tpu.memory_space<vmem>>) dst(%dma_wait3A_104 : memref<16x2048xf32, #tpu.memory_space<hbm>>)
      tpu.yield
    }) : () -> ()
    %dma_start3A_42 = arith.constant 32 : i32
    %dma_start3A_43 = tpu.memref_slice %arg7[%dma_start3A_42] : memref<64xi32, #tpu.memory_space<vmem>> -> memref<16xi32, #tpu.memory_space<vmem>>
    %dma_start3A_44 = arith.constant 0 : i32
    %dma_start3A_45 = arith.constant 0 : i32
    %dma_start3A_46 = tpu.memref_slice %arg4[%dma_start3A_44, %dma_start3A_45] : memref<5120x2048xf32, #tpu.memory_space<hbm>> -> memref<5120x2048xf32, #tpu.memory_space<hbm>>
    tpu.enqueue_indirect_dma source(%dma_start3A_46 : memref<5120x2048xf32, #tpu.memory_space<hbm>>) target(%arg9 : memref<16x2048xf32, #tpu.memory_space<vmem>>) offsets(%dma_start3A_43 : memref<16xi32, #tpu.memory_space<vmem>>) semaphore(%arg11 : memref<!tpu.dma_semaphore, #tpu.memory_space<semaphore_mem>>)
    %dma_wait3A_47 = arith.constant 16 : i32
    %dma_wait3A_48 = tpu.memref_slice %arg8[%dma_wait3A_47] : memref<64xi32, #tpu.memory_space<vmem>> -> memref<16xi32, #tpu.memory_space<vmem>>
    %dma_wait3A_49 = arith.constant 0 : i32
    %dma_wait3A_50 = arith.constant 0 : i32
    %dma_wait3A_51 = tpu.memref_slice %arg4[%dma_wait3A_49, %dma_wait3A_50] : memref<5120x2048xf32, #tpu.memory_space<hbm>> -> memref<5120x2048xf32, #tpu.memory_space<hbm>>
    tpu.wait_indirect_dma semaphore(%arg12 : memref<!tpu.dma_semaphore, #tpu.memory_space<semaphore_mem>>) src(%dma_wait3A_51 : memref<5120x2048xf32, #tpu.memory_space<hbm>>) dst(%arg10 : memref<16x2048xf32, #tpu.memory_space<vmem>>)
    %add3A_52 = arith.constant 16 : i32
    %add3A_53 = arith.addi %mul3A_2, %add3A_52 : i32
    "tpu.region"() ({
      %run_scoped3A = tpu.sem_alloc : memref<!tpu.dma_semaphore, #tpu.memory_space<semaphore_mem>>
      %dma_start3A_97 = arith.constant 0 : i32
      %dma_start3A_98 = tpu.memref_slice %arg6[%add3A_53, %dma_start3A_97] : memref<2048x2048xf32, #tpu.memory_space<hbm>> -> memref<16x2048xf32, #tpu.memory_space<hbm>>
      %dma_start3A_99 = arith.constant 0 : i32
      %dma_start3A_100 = tpu.memref_slice %arg6[%add3A_53, %dma_start3A_99] : memref<2048x2048xf32, #tpu.memory_space<hbm>> -> memref<16x2048xf32, #tpu.memory_space<hbm>>
      tpu.enqueue_dma source(%arg10 : memref<16x2048xf32, #tpu.memory_space<vmem>>) target(%dma_start3A_100 : memref<16x2048xf32, #tpu.memory_space<hbm>>) target_semaphore(%run_scoped3A : memref<!tpu.dma_semaphore, #tpu.memory_space<semaphore_mem>>)
      %dma_wait3A_101 = arith.constant 0 : i32
      %dma_wait3A_102 = tpu.memref_slice %arg6[%add3A_53, %dma_wait3A_101] : memref<2048x2048xf32, #tpu.memory_space<hbm>> -> memref<16x2048xf32, #tpu.memory_space<hbm>>
      %dma_wait3A_103 = arith.constant 0 : i32
      %dma_wait3A_104 = tpu.memref_slice %arg6[%add3A_53, %dma_wait3A_103] : memref<2048x2048xf32, #tpu.memory_space<hbm>> -> memref<16x2048xf32, #tpu.memory_space<hbm>>
      tpu.wait_dma2 semaphore(%run_scoped3A : memref<!tpu.dma_semaphore, #tpu.memory_space<semaphore_mem>>) src(%arg10 : memref<16x2048xf32, #tpu.memory_space<vmem>>) dst(%dma_wait3A_104 : memref<16x2048xf32, #tpu.memory_space<hbm>>)
      tpu.yield
    }) : () -> ()
    %dma_start3A_54 = arith.constant 32 : i32
    %dma_start3A_55 = tpu.memref_slice %arg8[%dma_start3A_54] : memref<64xi32, #tpu.memory_space<vmem>> -> memref<16xi32, #tpu.memory_space<vmem>>
    %dma_start3A_56 = arith.constant 0 : i32
    %dma_start3A_57 = arith.constant 0 : i32
    %dma_start3A_58 = tpu.memref_slice %arg4[%dma_start3A_56, %dma_start3A_57] : memref<5120x2048xf32, #tpu.memory_space<hbm>> -> memref<5120x2048xf32, #tpu.memory_space<hbm>>
    tpu.enqueue_indirect_dma source(%dma_start3A_58 : memref<5120x2048xf32, #tpu.memory_space<hbm>>) target(%arg10 : memref<16x2048xf32, #tpu.memory_space<vmem>>) offsets(%dma_start3A_55 : memref<16xi32, #tpu.memory_space<vmem>>) semaphore(%arg12 : memref<!tpu.dma_semaphore, #tpu.memory_space<semaphore_mem>>)
    %dma_wait3A_59 = arith.constant 32 : i32
    %dma_wait3A_60 = tpu.memref_slice %arg7[%dma_wait3A_59] : memref<64xi32, #tpu.memory_space<vmem>> -> memref<16xi32, #tpu.memory_space<vmem>>
    %dma_wait3A_61 = arith.constant 0 : i32
    %dma_wait3A_62 = arith.constant 0 : i32
    %dma_wait3A_63 = tpu.memref_slice %arg4[%dma_wait3A_61, %dma_wait3A_62] : memref<5120x2048xf32, #tpu.memory_space<hbm>> -> memref<5120x2048xf32, #tpu.memory_space<hbm>>
    tpu.wait_indirect_dma semaphore(%arg11 : memref<!tpu.dma_semaphore, #tpu.memory_space<semaphore_mem>>) src(%dma_wait3A_63 : memref<5120x2048xf32, #tpu.memory_space<hbm>>) dst(%arg9 : memref<16x2048xf32, #tpu.memory_space<vmem>>)
    %add3A_64 = arith.constant 32 : i32
    %add3A_65 = arith.addi %mul3A_2, %add3A_64 : i32
    "tpu.region"() ({
      %run_scoped3A = tpu.sem_alloc : memref<!tpu.dma_semaphore, #tpu.memory_space<semaphore_mem>>
      %dma_start3A_97 = arith.constant 0 : i32
      %dma_start3A_98 = tpu.memref_slice %arg5[%add3A_65, %dma_start3A_97] : memref<2048x2048xf32, #tpu.memory_space<hbm>> -> memref<16x2048xf32, #tpu.memory_space<hbm>>
      %dma_start3A_99 = arith.constant 0 : i32
      %dma_start3A_100 = tpu.memref_slice %arg5[%add3A_65, %dma_start3A_99] : memref<2048x2048xf32, #tpu.memory_space<hbm>> -> memref<16x2048xf32, #tpu.memory_space<hbm>>
      tpu.enqueue_dma source(%arg9 : memref<16x2048xf32, #tpu.memory_space<vmem>>) target(%dma_start3A_100 : memref<16x2048xf32, #tpu.memory_space<hbm>>) target_semaphore(%run_scoped3A : memref<!tpu.dma_semaphore, #tpu.memory_space<semaphore_mem>>)
      %dma_wait3A_101 = arith.constant 0 : i32
      %dma_wait3A_102 = tpu.memref_slice %arg5[%add3A_65, %dma_wait3A_101] : memref<2048x2048xf32, #tpu.memory_space<hbm>> -> memref<16x2048xf32, #tpu.memory_space<hbm>>
      %dma_wait3A_103 = arith.constant 0 : i32
      %dma_wait3A_104 = tpu.memref_slice %arg5[%add3A_65, %dma_wait3A_103] : memref<2048x2048xf32, #tpu.memory_space<hbm>> -> memref<16x2048xf32, #tpu.memory_space<hbm>>
      tpu.wait_dma2 semaphore(%run_scoped3A : memref<!tpu.dma_semaphore, #tpu.memory_space<semaphore_mem>>) src(%arg9 : memref<16x2048xf32, #tpu.memory_space<vmem>>) dst(%dma_wait3A_104 : memref<16x2048xf32, #tpu.memory_space<hbm>>)
      tpu.yield
    }) : () -> ()
    %dma_start3A_66 = arith.constant 48 : i32
    %dma_start3A_67 = tpu.memref_slice %arg7[%dma_start3A_66] : memref<64xi32, #tpu.memory_space<vmem>> -> memref<16xi32, #tpu.memory_space<vmem>>
    %dma_start3A_68 = arith.constant 0 : i32
    %dma_start3A_69 = arith.constant 0 : i32
    %dma_start3A_70 = tpu.memref_slice %arg4[%dma_start3A_68, %dma_start3A_69] : memref<5120x2048xf32, #tpu.memory_space<hbm>> -> memref<5120x2048xf32, #tpu.memory_space<hbm>>
    tpu.enqueue_indirect_dma source(%dma_start3A_70 : memref<5120x2048xf32, #tpu.memory_space<hbm>>) target(%arg9 : memref<16x2048xf32, #tpu.memory_space<vmem>>) offsets(%dma_start3A_67 : memref<16xi32, #tpu.memory_space<vmem>>) semaphore(%arg11 : memref<!tpu.dma_semaphore, #tpu.memory_space<semaphore_mem>>)
    %dma_wait3A_71 = arith.constant 32 : i32
    %dma_wait3A_72 = tpu.memref_slice %arg8[%dma_wait3A_71] : memref<64xi32, #tpu.memory_space<vmem>> -> memref<16xi32, #tpu.memory_space<vmem>>
    %dma_wait3A_73 = arith.constant 0 : i32
    %dma_wait3A_74 = arith.constant 0 : i32
    %dma_wait3A_75 = tpu.memref_slice %arg4[%dma_wait3A_73, %dma_wait3A_74] : memref<5120x2048xf32, #tpu.memory_space<hbm>> -> memref<5120x2048xf32, #tpu.memory_space<hbm>>
    tpu.wait_indirect_dma semaphore(%arg12 : memref<!tpu.dma_semaphore, #tpu.memory_space<semaphore_mem>>) src(%dma_wait3A_75 : memref<5120x2048xf32, #tpu.memory_space<hbm>>) dst(%arg10 : memref<16x2048xf32, #tpu.memory_space<vmem>>)
    %add3A_76 = arith.constant 32 : i32
    %add3A_77 = arith.addi %mul3A_2, %add3A_76 : i32
    "tpu.region"() ({
      %run_scoped3A = tpu.sem_alloc : memref<!tpu.dma_semaphore, #tpu.memory_space<semaphore_mem>>
      %dma_start3A_97 = arith.constant 0 : i32
      %dma_start3A_98 = tpu.memref_slice %arg6[%add3A_77, %dma_start3A_97] : memref<2048x2048xf32, #tpu.memory_space<hbm>> -> memref<16x2048xf32, #tpu.memory_space<hbm>>
      %dma_start3A_99 = arith.constant 0 : i32
      %dma_start3A_100 = tpu.memref_slice %arg6[%add3A_77, %dma_start3A_99] : memref<2048x2048xf32, #tpu.memory_space<hbm>> -> memref<16x2048xf32, #tpu.memory_space<hbm>>
      tpu.enqueue_dma source(%arg10 : memref<16x2048xf32, #tpu.memory_space<vmem>>) target(%dma_start3A_100 : memref<16x2048xf32, #tpu.memory_space<hbm>>) target_semaphore(%run_scoped3A : memref<!tpu.dma_semaphore, #tpu.memory_space<semaphore_mem>>)
      %dma_wait3A_101 = arith.constant 0 : i32
      %dma_wait3A_102 = tpu.memref_slice %arg6[%add3A_77, %dma_wait3A_101] : memref<2048x2048xf32, #tpu.memory_space<hbm>> -> memref<16x2048xf32, #tpu.memory_space<hbm>>
      %dma_wait3A_103 = arith.constant 0 : i32
      %dma_wait3A_104 = tpu.memref_slice %arg6[%add3A_77, %dma_wait3A_103] : memref<2048x2048xf32, #tpu.memory_space<hbm>> -> memref<16x2048xf32, #tpu.memory_space<hbm>>
      tpu.wait_dma2 semaphore(%run_scoped3A : memref<!tpu.dma_semaphore, #tpu.memory_space<semaphore_mem>>) src(%arg10 : memref<16x2048xf32, #tpu.memory_space<vmem>>) dst(%dma_wait3A_104 : memref<16x2048xf32, #tpu.memory_space<hbm>>)
      tpu.yield
    }) : () -> ()
    %dma_start3A_78 = arith.constant 48 : i32
    %dma_start3A_79 = tpu.memref_slice %arg8[%dma_start3A_78] : memref<64xi32, #tpu.memory_space<vmem>> -> memref<16xi32, #tpu.memory_space<vmem>>
    %dma_start3A_80 = arith.constant 0 : i32
    %dma_start3A_81 = arith.constant 0 : i32
    %dma_start3A_82 = tpu.memref_slice %arg4[%dma_start3A_80, %dma_start3A_81] : memref<5120x2048xf32, #tpu.memory_space<hbm>> -> memref<5120x2048xf32, #tpu.memory_space<hbm>>
    tpu.enqueue_indirect_dma source(%dma_start3A_82 : memref<5120x2048xf32, #tpu.memory_space<hbm>>) target(%arg10 : memref<16x2048xf32, #tpu.memory_space<vmem>>) offsets(%dma_start3A_79 : memref<16xi32, #tpu.memory_space<vmem>>) semaphore(%arg12 : memref<!tpu.dma_semaphore, #tpu.memory_space<semaphore_mem>>)
    %dma_wait3A_83 = arith.constant 48 : i32
    %dma_wait3A_84 = tpu.memref_slice %arg7[%dma_wait3A_83] : memref<64xi32, #tpu.memory_space<vmem>> -> memref<16xi32, #tpu.memory_space<vmem>>
    %dma_wait3A_85 = arith.constant 0 : i32
    %dma_wait3A_86 = arith.constant 0 : i32
    %dma_wait3A_87 = tpu.memref_slice %arg4[%dma_wait3A_85, %dma_wait3A_86] : memref<5120x2048xf32, #tpu.memory_space<hbm>> -> memref<5120x2048xf32, #tpu.memory_space<hbm>>
    tpu.wait_indirect_dma semaphore(%arg11 : memref<!tpu.dma_semaphore, #tpu.memory_space<semaphore_mem>>) src(%dma_wait3A_87 : memref<5120x2048xf32, #tpu.memory_space<hbm>>) dst(%arg9 : memref<16x2048xf32, #tpu.memory_space<vmem>>)
    %add3A_88 = arith.constant 48 : i32
    %add3A_89 = arith.addi %mul3A_2, %add3A_88 : i32
    "tpu.region"() ({
      %run_scoped3A = tpu.sem_alloc : memref<!tpu.dma_semaphore, #tpu.memory_space<semaphore_mem>>
      %dma_start3A_97 = arith.constant 0 : i32
      %dma_start3A_98 = tpu.memref_slice %arg5[%add3A_89, %dma_start3A_97] : memref<2048x2048xf32, #tpu.memory_space<hbm>> -> memref<16x2048xf32, #tpu.memory_space<hbm>>
      %dma_start3A_99 = arith.constant 0 : i32
      %dma_start3A_100 = tpu.memref_slice %arg5[%add3A_89, %dma_start3A_99] : memref<2048x2048xf32, #tpu.memory_space<hbm>> -> memref<16x2048xf32, #tpu.memory_space<hbm>>
      tpu.enqueue_dma source(%arg9 : memref<16x2048xf32, #tpu.memory_space<vmem>>) target(%dma_start3A_100 : memref<16x2048xf32, #tpu.memory_space<hbm>>) target_semaphore(%run_scoped3A : memref<!tpu.dma_semaphore, #tpu.memory_space<semaphore_mem>>)
      %dma_wait3A_101 = arith.constant 0 : i32
      %dma_wait3A_102 = tpu.memref_slice %arg5[%add3A_89, %dma_wait3A_101] : memref<2048x2048xf32, #tpu.memory_space<hbm>> -> memref<16x2048xf32, #tpu.memory_space<hbm>>
      %dma_wait3A_103 = arith.constant 0 : i32
      %dma_wait3A_104 = tpu.memref_slice %arg5[%add3A_89, %dma_wait3A_103] : memref<2048x2048xf32, #tpu.memory_space<hbm>> -> memref<16x2048xf32, #tpu.memory_space<hbm>>
      tpu.wait_dma2 semaphore(%run_scoped3A : memref<!tpu.dma_semaphore, #tpu.memory_space<semaphore_mem>>) src(%arg9 : memref<16x2048xf32, #tpu.memory_space<vmem>>) dst(%dma_wait3A_104 : memref<16x2048xf32, #tpu.memory_space<hbm>>)
      tpu.yield
    }) : () -> ()
    %dma_wait3A_90 = arith.constant 48 : i32
    %dma_wait3A_91 = tpu.memref_slice %arg8[%dma_wait3A_90] : memref<64xi32, #tpu.memory_space<vmem>> -> memref<16xi32, #tpu.memory_space<vmem>>
    %dma_wait3A_92 = arith.constant 0 : i32
    %dma_wait3A_93 = arith.constant 0 : i32
    %dma_wait3A_94 = tpu.memref_slice %arg4[%dma_wait3A_92, %dma_wait3A_93] : memref<5120x2048xf32, #tpu.memory_space<hbm>> -> memref<5120x2048xf32, #tpu.memory_space<hbm>>
    tpu.wait_indirect_dma semaphore(%arg12 : memref<!tpu.dma_semaphore, #tpu.memory_space<semaphore_mem>>) src(%dma_wait3A_94 : memref<5120x2048xf32, #tpu.memory_space<hbm>>) dst(%arg10 : memref<16x2048xf32, #tpu.memory_space<vmem>>)
    %add3A_95 = arith.constant 48 : i32
    %add3A_96 = arith.addi %mul3A_2, %add3A_95 : i32
    "tpu.region"() ({
      %run_scoped3A = tpu.sem_alloc : memref<!tpu.dma_semaphore, #tpu.memory_space<semaphore_mem>>
      %dma_start3A_97 = arith.constant 0 : i32
      %dma_start3A_98 = tpu.memref_slice %arg6[%add3A_96, %dma_start3A_97] : memref<2048x2048xf32, #tpu.memory_space<hbm>> -> memref<16x2048xf32, #tpu.memory_space<hbm>>
      %dma_start3A_99 = arith.constant 0 : i32
      %dma_start3A_100 = tpu.memref_slice %arg6[%add3A_96, %dma_start3A_99] : memref<2048x2048xf32, #tpu.memory_space<hbm>> -> memref<16x2048xf32, #tpu.memory_space<hbm>>
      tpu.enqueue_dma source(%arg10 : memref<16x2048xf32, #tpu.memory_space<vmem>>) target(%dma_start3A_100 : memref<16x2048xf32, #tpu.memory_space<hbm>>) target_semaphore(%run_scoped3A : memref<!tpu.dma_semaphore, #tpu.memory_space<semaphore_mem>>)
      %dma_wait3A_101 = arith.constant 0 : i32
      %dma_wait3A_102 = tpu.memref_slice %arg6[%add3A_96, %dma_wait3A_101] : memref<2048x2048xf32, #tpu.memory_space<hbm>> -> memref<16x2048xf32, #tpu.memory_space<hbm>>
      %dma_wait3A_103 = arith.constant 0 : i32
      %dma_wait3A_104 = tpu.memref_slice %arg6[%add3A_96, %dma_wait3A_103] : memref<2048x2048xf32, #tpu.memory_space<hbm>> -> memref<16x2048xf32, #tpu.memory_space<hbm>>
      tpu.wait_dma2 semaphore(%run_scoped3A : memref<!tpu.dma_semaphore, #tpu.memory_space<semaphore_mem>>) src(%arg10 : memref<16x2048xf32, #tpu.memory_space<vmem>>) dst(%dma_wait3A_104 : memref<16x2048xf32, #tpu.memory_space<hbm>>)
      tpu.yield
    }) : () -> ()
    return
  }
}

module attributes {stable_mosaic.version = 14 : i64} {
  func.func @_gate_body(%arg0: memref<2048x2048xf32, #tpu.memory_space<vmem>>, %arg1: memref<8x2048xf32, #tpu.memory_space<vmem>>, %arg2: memref<2048x8xi32, #tpu.memory_space<vmem>>, %arg3: memref<2048x8xf32, #tpu.memory_space<vmem>>) attributes {dimension_semantics = [], scalar_prefetch = 0 : i64, scratch_operands = 0 : i64, tpu.core_type = #tpu.core_type<tc>} {
    %get3A = arith.constant 0 : index
    %get3A_0 = arith.constant 0 : index
    %get3A_1 = vector.load %arg0[%get3A, %get3A_0] : memref<2048x2048xf32, #tpu.memory_space<vmem>>, vector<2048x2048xf32>
    %get3A_2 = arith.constant 0 : index
    %get3A_3 = arith.constant 0 : index
    %get3A_4 = vector.load %arg1[%get3A_2, %get3A_3] : memref<8x2048xf32, #tpu.memory_space<vmem>>, vector<8x2048xf32>
    %dot_general3A = arith.constant dense<0.000000e+00> : vector<2048x8xf32>
    %dot_general3A_5 = tpu.matmul %get3A_1, %get3A_4, %dot_general3A {dimension_numbers = #tpu.dot_dimension_numbers<[1], [1], [0], [0], [0, 0, 1, 0], [], []>, transpose_lhs_hint = false} : vector<2048x2048xf32>, vector<8x2048xf32>, vector<2048x8xf32> -> vector<2048x8xf32>
    %iota3A = tpu.iota {dimensions = array<i32: 1>} : vector<2048x8xi32>
    %reduce_max3A = arith.constant dense<0xFF800000> : vector<2048xf32>
    %reduce_max3A_6 = vector.multi_reduction <maximumf>, %dot_general3A_5, %reduce_max3A [1] : vector<2048x8xf32> to vector<2048xf32>
    %broadcast_in_dim3A = vector.shape_cast %reduce_max3A_6 : vector<2048xf32> to vector<2048x1xf32>
    %eq3A = vector.broadcast %broadcast_in_dim3A : vector<2048x1xf32> to vector<2048x8xf32>
    %eq3A_7 = arith.cmpf oeq, %dot_general3A_5, %eq3A : vector<2048x8xf32>
    %jit3A = arith.constant 8 : i32
    %broadcast_in_dim3A_8 = vector.broadcast %jit3A : i32 to vector<2048x8xi32>
    %select_n3A = arith.select %eq3A_7, %iota3A, %broadcast_in_dim3A_8 : vector<2048x8xi1>, vector<2048x8xi32>
    %reduce_min3A = arith.constant dense<2147483647> : vector<2048xi32>
    %reduce_min3A_9 = vector.multi_reduction <minsi>, %select_n3A, %reduce_min3A [1] : vector<2048x8xi32> to vector<2048xi32>
    %broadcast_in_dim3A_10 = vector.shape_cast %reduce_min3A_9 : vector<2048xi32> to vector<2048x1xi32>
    %eq3A_11 = vector.broadcast %broadcast_in_dim3A_10 : vector<2048x1xi32> to vector<2048x8xi32>
    %eq3A_12 = arith.cmpi eq, %iota3A, %eq3A_11 : vector<2048x8xi32>
    %jit3A_13 = arith.constant -1.000000e+30 : f32
    %broadcast_in_dim3A_14 = vector.broadcast %jit3A_13 : f32 to vector<2048x8xf32>
    %select_n3A_15 = arith.select %eq3A_12, %broadcast_in_dim3A_14, %dot_general3A_5 : vector<2048x8xi1>, vector<2048x8xf32>
    %reduce_max3A_16 = arith.constant dense<0xFF800000> : vector<2048xf32>
    %reduce_max3A_17 = vector.multi_reduction <maximumf>, %select_n3A_15, %reduce_max3A_16 [1] : vector<2048x8xf32> to vector<2048xf32>
    %broadcast_in_dim3A_18 = vector.shape_cast %reduce_max3A_17 : vector<2048xf32> to vector<2048x1xf32>
    %eq3A_19 = vector.broadcast %broadcast_in_dim3A_18 : vector<2048x1xf32> to vector<2048x8xf32>
    %eq3A_20 = arith.cmpf oeq, %select_n3A_15, %eq3A_19 : vector<2048x8xf32>
    %jit3A_21 = arith.constant 8 : i32
    %broadcast_in_dim3A_22 = vector.broadcast %jit3A_21 : i32 to vector<2048x8xi32>
    %select_n3A_23 = arith.select %eq3A_20, %iota3A, %broadcast_in_dim3A_22 : vector<2048x8xi1>, vector<2048x8xi32>
    %reduce_min3A_24 = arith.constant dense<2147483647> : vector<2048xi32>
    %reduce_min3A_25 = vector.multi_reduction <minsi>, %select_n3A_23, %reduce_min3A_24 [1] : vector<2048x8xi32> to vector<2048xi32>
    %broadcast_in_dim3A_26 = vector.shape_cast %reduce_min3A_25 : vector<2048xi32> to vector<2048x1xi32>
    %sub3A = arith.subf %broadcast_in_dim3A_18, %broadcast_in_dim3A : vector<2048x1xf32>
    %exp3A = math.exp %sub3A : vector<2048x1xf32>
    %add3A = arith.constant 1.000000e+00 : f32
    %add3A_27 = vector.broadcast %add3A : f32 to vector<2048x1xf32>
    %add3A_28 = arith.addf %add3A_27, %exp3A : vector<2048x1xf32>
    %div3A = arith.constant 1.000000e+00 : f32
    %div3A_29 = vector.broadcast %div3A : f32 to vector<2048x1xf32>
    %div3A_30 = arith.divf %div3A_29, %add3A_28 : vector<2048x1xf32>
    %sub3A_31 = arith.constant 1.000000e+00 : f32
    %sub3A_32 = vector.broadcast %sub3A_31 : f32 to vector<2048x1xf32>
    %sub3A_33 = arith.subf %sub3A_32, %div3A_30 : vector<2048x1xf32>
    %eq3A_34 = arith.constant 0 : i32
    %eq3A_35 = vector.broadcast %eq3A_34 : i32 to vector<2048x8xi32>
    %eq3A_36 = arith.cmpi eq, %iota3A, %eq3A_35 : vector<2048x8xi32>
    %eq3A_37 = arith.constant 1 : i32
    %eq3A_38 = vector.broadcast %eq3A_37 : i32 to vector<2048x8xi32>
    %eq3A_39 = arith.cmpi eq, %iota3A, %eq3A_38 : vector<2048x8xi32>
    %jit3A_40 = arith.constant 0 : i32
    %broadcast_in_dim3A_41 = vector.shape_cast %broadcast_in_dim3A_26 : vector<2048x1xi32> to vector<2048x1xi32>
    %broadcast_in_dim3A_42 = vector.broadcast %broadcast_in_dim3A_41 : vector<2048x1xi32> to vector<2048x8xi32>
    %broadcast_in_dim3A_43 = vector.broadcast %jit3A_40 : i32 to vector<2048x8xi32>
    %select_n3A_44 = arith.select %eq3A_39, %broadcast_in_dim3A_42, %broadcast_in_dim3A_43 : vector<2048x8xi1>, vector<2048x8xi32>
    %broadcast_in_dim3A_45 = vector.shape_cast %broadcast_in_dim3A_10 : vector<2048x1xi32> to vector<2048x1xi32>
    %broadcast_in_dim3A_46 = vector.broadcast %broadcast_in_dim3A_45 : vector<2048x1xi32> to vector<2048x8xi32>
    %select_n3A_47 = arith.select %eq3A_36, %broadcast_in_dim3A_46, %select_n3A_44 : vector<2048x8xi1>, vector<2048x8xi32>
    %swap3A = arith.constant 0 : index
    %swap3A_48 = arith.constant 0 : index
    %swap3A_49 = vector.load %arg2[%swap3A, %swap3A_48] : memref<2048x8xi32, #tpu.memory_space<vmem>>, vector<2048x8xi32>
    tpu.vector_store %arg2[%swap3A, %swap3A_48], %select_n3A_47 {strides = array<i32>} : memref<2048x8xi32, #tpu.memory_space<vmem>>, vector<2048x8xi32>,
    %eq3A_50 = arith.constant 0 : i32
    %eq3A_51 = vector.broadcast %eq3A_50 : i32 to vector<2048x8xi32>
    %eq3A_52 = arith.cmpi eq, %iota3A, %eq3A_51 : vector<2048x8xi32>
    %eq3A_53 = arith.constant 1 : i32
    %eq3A_54 = vector.broadcast %eq3A_53 : i32 to vector<2048x8xi32>
    %eq3A_55 = arith.cmpi eq, %iota3A, %eq3A_54 : vector<2048x8xi32>
    %jit3A_56 = arith.constant 0.000000e+00 : f32
    %broadcast_in_dim3A_57 = vector.shape_cast %sub3A_33 : vector<2048x1xf32> to vector<2048x1xf32>
    %broadcast_in_dim3A_58 = vector.broadcast %broadcast_in_dim3A_57 : vector<2048x1xf32> to vector<2048x8xf32>
    %broadcast_in_dim3A_59 = vector.broadcast %jit3A_56 : f32 to vector<2048x8xf32>
    %select_n3A_60 = arith.select %eq3A_55, %broadcast_in_dim3A_58, %broadcast_in_dim3A_59 : vector<2048x8xi1>, vector<2048x8xf32>
    %broadcast_in_dim3A_61 = vector.shape_cast %div3A_30 : vector<2048x1xf32> to vector<2048x1xf32>
    %broadcast_in_dim3A_62 = vector.broadcast %broadcast_in_dim3A_61 : vector<2048x1xf32> to vector<2048x8xf32>
    %select_n3A_63 = arith.select %eq3A_52, %broadcast_in_dim3A_62, %select_n3A_60 : vector<2048x8xi1>, vector<2048x8xf32>
    %swap3A_64 = arith.constant 0 : index
    %swap3A_65 = arith.constant 0 : index
    %swap3A_66 = vector.load %arg3[%swap3A_64, %swap3A_65] : memref<2048x8xf32, #tpu.memory_space<vmem>>, vector<2048x8xf32>
    tpu.vector_store %arg3[%swap3A_64, %swap3A_65], %select_n3A_63 {strides = array<i32>} : memref<2048x8xf32, #tpu.memory_space<vmem>>, vector<2048x8xf32>,
    return
  }
}

module attributes {stable_mosaic.version = 14 : i64} {
  func.func @_cast_body(%arg0: i32, %arg1: memref<512x2048xf32, #tpu.memory_space<vmem>>, %arg2: memref<512x2048xbf16, #tpu.memory_space<vmem>>) attributes {dimension_semantics = [#tpu.dimension_semantics<arbitrary>], iteration_bounds = array<i64: 10>, scalar_prefetch = 0 : i64, scratch_operands = 0 : i64, tpu.core_type = #tpu.core_type<tc>, window_params = [{transform_indices = @transform_0, window_bounds = array<i64: 512, 2048>}, {transform_indices = @transform_1, window_bounds = array<i64: 512, 2048>}]} {
    %get3A = arith.constant 0 : index
    %get3A_0 = arith.constant 0 : index
    %get3A_1 = vector.load %arg1[%get3A, %get3A_0] : memref<512x2048xf32, #tpu.memory_space<vmem>>, vector<512x2048xf32>
    %convert_element_type3A = arith.truncf %get3A_1 : vector<512x2048xf32> to vector<512x2048xbf16>
    %swap3A = arith.constant 0 : index
    %swap3A_2 = arith.constant 0 : index
    %swap3A_3 = vector.load %arg2[%swap3A, %swap3A_2] : memref<512x2048xbf16, #tpu.memory_space<vmem>>, vector<512x2048xbf16>
    tpu.vector_store %arg2[%swap3A, %swap3A_2], %convert_element_type3A {strides = array<i32>} : memref<512x2048xbf16, #tpu.memory_space<vmem>>, vector<512x2048xbf16>,
    return
  }
  func.func @transform_0(%arg0: i32) -> (i32, i32) {
    %c0_i32 = arith.constant 0 : i32
    %c0_i32_0 = arith.constant 0 : i32
    return %arg0, %c0_i32 : i32, i32
  }
  func.func @transform_1(%arg0: i32) -> (i32, i32) {
    %c0_i32 = arith.constant 0 : i32
    %c0_i32_0 = arith.constant 0 : i32
    return %arg0, %c0_i32 : i32, i32
  }
}

module attributes {stable_mosaic.version = 14 : i64} {
  func.func @_mlp_body(%arg0: i32, %arg1: i32, %arg2: memref<40xi32, #tpu.memory_space<smem>>, %arg3: memref<128x2048xbf16, #tpu.memory_space<vmem>>, %arg4: memref<1x512x2048xf32, #tpu.memory_space<vmem>>, %arg5: memref<1x2048x512xf32, #tpu.memory_space<vmem>>, %arg6: memref<5120x2048xf32, #tpu.memory_space<vmem>>, %arg7: memref<512x2048xbf16, #tpu.memory_space<vmem>>, %arg8: memref<2048x512xbf16, #tpu.memory_space<vmem>>) attributes {dimension_semantics = [#tpu.dimension_semantics<arbitrary>, #tpu.dimension_semantics<arbitrary>], iteration_bounds = array<i64: 8, 40>, scalar_prefetch = 1 : i64, scratch_operands = 2 : i64, tpu.core_type = #tpu.core_type<tc>, window_params = [{transform_indices = @transform_0, window_bounds = array<i64: 128, 2048>}, {transform_indices = @transform_1, window_bounds = array<i64: 1, 512, 2048>}, {transform_indices = @transform_2, window_bounds = array<i64: 1, 2048, 512>}, {pipeline_mode = #tpu.pipeline_mode<synchronous>, transform_indices = @transform_3, window_bounds = array<i64: 5120, 2048>}]} {
    %gt3A = arith.constant 0 : i32
    %gt3A_0 = arith.cmpi sgt, %arg1, %gt3A : i32
    %get3A = arith.index_cast %arg1 : i32 to index
    %get3A_1 = memref.load %arg2[%get3A] : memref<40xi32, #tpu.memory_space<smem>>
    %sub3A = arith.constant 1 : i32
    %sub3A_2 = arith.subi %arg1, %sub3A : i32
    %max3A = arith.constant 0 : i32
    %max3A_3 = arith.maxsi %sub3A_2, %max3A : i32
    %get3A_4 = arith.index_cast %max3A_3 : i32 to index
    %get3A_5 = memref.load %arg2[%get3A_4] : memref<40xi32, #tpu.memory_space<smem>>
    %eq3A = arith.cmpi eq, %get3A_1, %get3A_5 : i32
    %and3A = arith.andi %gt3A_0, %eq3A : i1
    %not3A = arith.constant true
    %not3A_6 = arith.xori %and3A, %not3A : i1
    %convert_element_type3A = arith.extui %not3A_6 : i1 to i32
    %cond3A = arith.constant 0 : i32
    %cond3A_7 = arith.cmpi ne, %convert_element_type3A, %cond3A : i32
    scf.if %cond3A_7 {
      %get3A_36 = arith.constant 0 : index
      %get3A_37 = arith.constant 0 : index
      %get3A_38 = arith.constant 0 : index
      %get3A_39 = vector.load %arg4[%get3A_36, %get3A_37, %get3A_38] : memref<1x512x2048xf32, #tpu.memory_space<vmem>>, vector<1x512x2048xf32>
      %get3A_40 = vector.shape_cast %get3A_39 : vector<1x512x2048xf32> to vector<512x2048xf32>
      %convert_element_type3A_41 = arith.truncf %get3A_40 : vector<512x2048xf32> to vector<512x2048xbf16>
      %swap3A = arith.constant 0 : index
      %swap3A_42 = arith.constant 0 : index
      %swap3A_43 = vector.load %arg7[%swap3A, %swap3A_42] : memref<512x2048xbf16, #tpu.memory_space<vmem>>, vector<512x2048xbf16>
      tpu.vector_store %arg7[%swap3A, %swap3A_42], %convert_element_type3A_41 {strides = array<i32>} : memref<512x2048xbf16, #tpu.memory_space<vmem>>, vector<512x2048xbf16>,
      %get3A_44 = arith.constant 0 : index
      %get3A_45 = arith.constant 0 : index
      %get3A_46 = arith.constant 0 : index
      %get3A_47 = vector.load %arg5[%get3A_44, %get3A_45, %get3A_46] : memref<1x2048x512xf32, #tpu.memory_space<vmem>>, vector<1x2048x512xf32>
      %get3A_48 = vector.shape_cast %get3A_47 : vector<1x2048x512xf32> to vector<2048x512xf32>
      %convert_element_type3A_49 = arith.truncf %get3A_48 : vector<2048x512xf32> to vector<2048x512xbf16>
      %swap3A_50 = arith.constant 0 : index
      %swap3A_51 = arith.constant 0 : index
      %swap3A_52 = vector.load %arg8[%swap3A_50, %swap3A_51] : memref<2048x512xbf16, #tpu.memory_space<vmem>>, vector<2048x512xbf16>
      tpu.vector_store %arg8[%swap3A_50, %swap3A_51], %convert_element_type3A_49 {strides = array<i32>} : memref<2048x512xbf16, #tpu.memory_space<vmem>>, vector<2048x512xbf16>,
    } else {
    }
    %get3A_8 = arith.constant 0 : index
    %get3A_9 = arith.constant 0 : index
    %get3A_10 = vector.load %arg3[%get3A_8, %get3A_9] : memref<128x2048xbf16, #tpu.memory_space<vmem>>, vector<128x2048xbf16>
    %get3A_11 = arith.constant 0 : index
    %get3A_12 = arith.constant 0 : index
    %get3A_13 = vector.load %arg7[%get3A_11, %get3A_12] : memref<512x2048xbf16, #tpu.memory_space<vmem>>, vector<512x2048xbf16>
    %dot_general3A = arith.constant dense<0.000000e+00> : vector<128x512xf32>
    %dot_general3A_14 = tpu.matmul %get3A_10, %get3A_13, %dot_general3A {dimension_numbers = #tpu.dot_dimension_numbers<[1], [1], [0], [0], [0, 0, 1, 0], [], []>, transpose_lhs_hint = false} : vector<128x2048xbf16>, vector<512x2048xbf16>, vector<128x512xf32> -> vector<128x512xf32>
    %neg3A = arith.constant 0.000000e+00 : f32
    %neg3A_15 = vector.broadcast %neg3A : f32 to vector<128x512xf32>
    %neg3A_16 = arith.subf %neg3A_15, %dot_general3A_14 : vector<128x512xf32>
    %exp3A = math.exp %neg3A_16 : vector<128x512xf32>
    %add3A = arith.constant 1.000000e+00 : f32
    %add3A_17 = vector.broadcast %add3A : f32 to vector<128x512xf32>
    %add3A_18 = arith.addf %add3A_17, %exp3A : vector<128x512xf32>
    %div3A = arith.constant 1.000000e+00 : f32
    %div3A_19 = vector.broadcast %div3A : f32 to vector<128x512xf32>
    %div3A_20 = arith.divf %div3A_19, %add3A_18 : vector<128x512xf32>
    %mul3A = arith.mulf %dot_general3A_14, %div3A_20 : vector<128x512xf32>
    %convert_element_type3A_21 = arith.truncf %mul3A : vector<128x512xf32> to vector<128x512xbf16>
    %get3A_22 = arith.constant 0 : index
    %get3A_23 = arith.constant 0 : index
    %get3A_24 = vector.load %arg8[%get3A_22, %get3A_23] : memref<2048x512xbf16, #tpu.memory_space<vmem>>, vector<2048x512xbf16>
    %dot_general3A_25 = arith.constant dense<0.000000e+00> : vector<128x2048xf32>
    %dot_general3A_26 = tpu.matmul %convert_element_type3A_21, %get3A_24, %dot_general3A_25 {dimension_numbers = #tpu.dot_dimension_numbers<[1], [1], [0], [0], [0, 0, 1, 0], [], []>, transpose_lhs_hint = false} : vector<128x512xbf16>, vector<2048x512xbf16>, vector<128x2048xf32> -> vector<128x2048xf32>
    %eq3A_27 = arith.constant 0 : i32
    %eq3A_28 = arith.cmpi eq, %arg0, %eq3A_27 : i32
    %convert_element_type3A_29 = arith.extui %eq3A_28 : i1 to i32
    %cond3A_30 = arith.constant 0 : i32
    %cond3A_31 = arith.cmpi ne, %convert_element_type3A_29, %cond3A_30 : i32
    scf.if %cond3A_31 {
      %mul3A_36 = arith.constant 128 : i32
      %mul3A_37 = arith.muli %arg1, %mul3A_36 : i32
      %swap3A = arith.index_cast %mul3A_37 : i32 to index
      %swap3A_38 = arith.constant 0 : index
      %swap3A_39 = vector.load %arg6[%swap3A, %swap3A_38] : memref<5120x2048xf32, #tpu.memory_space<vmem>>, vector<128x2048xf32>
      tpu.vector_store %arg6[%swap3A, %swap3A_38], %dot_general3A_26 {strides = array<i32>} : memref<5120x2048xf32, #tpu.memory_space<vmem>>, vector<128x2048xf32>,
    } else {
    }
    %ne3A = arith.constant 0 : i32
    %ne3A_32 = arith.cmpi ne, %arg0, %ne3A : i32
    %convert_element_type3A_33 = arith.extui %ne3A_32 : i1 to i32
    %cond3A_34 = arith.constant 0 : i32
    %cond3A_35 = arith.cmpi ne, %convert_element_type3A_33, %cond3A_34 : i32
    scf.if %cond3A_35 {
      %mul3A_36 = arith.constant 128 : i32
      %mul3A_37 = arith.muli %arg1, %mul3A_36 : i32
      %get3A_38 = arith.index_cast %mul3A_37 : i32 to index
      %get3A_39 = arith.constant 0 : index
      %get3A_40 = vector.load %arg6[%get3A_38, %get3A_39] : memref<5120x2048xf32, #tpu.memory_space<vmem>>, vector<128x2048xf32>
      %add3A_41 = arith.addf %get3A_40, %dot_general3A_26 : vector<128x2048xf32>
      %swap3A = arith.index_cast %mul3A_37 : i32 to index
      %swap3A_42 = arith.constant 0 : index
      %swap3A_43 = vector.load %arg6[%swap3A, %swap3A_42] : memref<5120x2048xf32, #tpu.memory_space<vmem>>, vector<128x2048xf32>
      tpu.vector_store %arg6[%swap3A, %swap3A_42], %add3A_41 {strides = array<i32>} : memref<5120x2048xf32, #tpu.memory_space<vmem>>, vector<128x2048xf32>,
    } else {
    }
    return
  }
  func.func @transform_0(%arg0: i32, %arg1: i32, %arg2: memref<40xi32, #tpu.memory_space<smem>>) -> (i32, i32) {
    %c0_i32 = arith.constant 0 : i32
    %c0_i32_0 = arith.constant 0 : i32
    return %arg1, %c0_i32 : i32, i32
  }
  func.func @transform_1(%arg0: i32, %arg1: i32, %arg2: memref<40xi32, #tpu.memory_space<smem>>) -> (i32, i32, i32) {
    %get3A = arith.index_cast %arg1 : i32 to index
    %get3A_0 = memref.load %arg2[%get3A] : memref<40xi32, #tpu.memory_space<smem>>
    %c0_i32 = arith.constant 0 : i32
    %c0_i32_1 = arith.constant 0 : i32
    return %get3A_0, %arg0, %c0_i32 : i32, i32, i32
  }
  func.func @transform_2(%arg0: i32, %arg1: i32, %arg2: memref<40xi32, #tpu.memory_space<smem>>) -> (i32, i32, i32) {
    %get3A = arith.index_cast %arg1 : i32 to index
    %get3A_0 = memref.load %arg2[%get3A] : memref<40xi32, #tpu.memory_space<smem>>
    %c0_i32 = arith.constant 0 : i32
    %c0_i32_1 = arith.constant 0 : i32
    return %get3A_0, %c0_i32, %arg0 : i32, i32, i32
  }
  func.func @transform_3(%arg0: i32, %arg1: i32, %arg2: memref<40xi32, #tpu.memory_space<smem>>) -> (i32, i32) {
    %c0_i32 = arith.constant 0 : i32
    %c0_i32_0 = arith.constant 0 : i32
    %c0_i32_1 = arith.constant 0 : i32
    return %c0_i32, %c0_i32_0 : i32, i32
  }
}

module attributes {stable_mosaic.version = 14 : i64} {
  func.func @_wadd_body(%arg0: i32, %arg1: memref<512x2048xf32, #tpu.memory_space<vmem>>, %arg2: memref<512x2048xf32, #tpu.memory_space<vmem>>, %arg3: memref<512x8xf32, #tpu.memory_space<vmem>>, %arg4: memref<512x2048xf32, #tpu.memory_space<vmem>>) attributes {dimension_semantics = [#tpu.dimension_semantics<arbitrary>], iteration_bounds = array<i64: 4>, scalar_prefetch = 0 : i64, scratch_operands = 0 : i64, tpu.core_type = #tpu.core_type<tc>, window_params = [{transform_indices = @transform_0, window_bounds = array<i64: 512, 2048>}, {transform_indices = @transform_1, window_bounds = array<i64: 512, 2048>}, {transform_indices = @transform_2, window_bounds = array<i64: 512, 8>}, {transform_indices = @transform_3, window_bounds = array<i64: 512, 2048>}]} {
    %get3A = arith.constant 0 : index
    %get3A_0 = arith.constant 0 : index
    %get3A_1 = vector.load %arg3[%get3A, %get3A_0] : memref<512x8xf32, #tpu.memory_space<vmem>>, vector<512x1xf32>
    %get3A_2 = arith.constant 0 : index
    %get3A_3 = arith.constant 1 : index
    %get3A_4 = vector.load %arg3[%get3A_2, %get3A_3] : memref<512x8xf32, #tpu.memory_space<vmem>>, vector<512x1xf32>
    %get3A_5 = arith.constant 0 : index
    %get3A_6 = arith.constant 0 : index
    %get3A_7 = vector.load %arg1[%get3A_5, %get3A_6] : memref<512x2048xf32, #tpu.memory_space<vmem>>, vector<512x2048xf32>
    %mul3A = vector.broadcast %get3A_1 : vector<512x1xf32> to vector<512x2048xf32>
    %mul3A_8 = arith.mulf %mul3A, %get3A_7 : vector<512x2048xf32>
    %get3A_9 = arith.constant 0 : index
    %get3A_10 = arith.constant 0 : index
    %get3A_11 = vector.load %arg2[%get3A_9, %get3A_10] : memref<512x2048xf32, #tpu.memory_space<vmem>>, vector<512x2048xf32>
    %mul3A_12 = vector.broadcast %get3A_4 : vector<512x1xf32> to vector<512x2048xf32>
    %mul3A_13 = arith.mulf %mul3A_12, %get3A_11 : vector<512x2048xf32>
    %add3A = arith.addf %mul3A_8, %mul3A_13 : vector<512x2048xf32>
    %swap3A = arith.constant 0 : index
    %swap3A_14 = arith.constant 0 : index
    %swap3A_15 = vector.load %arg4[%swap3A, %swap3A_14] : memref<512x2048xf32, #tpu.memory_space<vmem>>, vector<512x2048xf32>
    tpu.vector_store %arg4[%swap3A, %swap3A_14], %add3A {strides = array<i32>} : memref<512x2048xf32, #tpu.memory_space<vmem>>, vector<512x2048xf32>,
    return
  }
  func.func @transform_0(%arg0: i32) -> (i32, i32) {
    %c0_i32 = arith.constant 0 : i32
    %c0_i32_0 = arith.constant 0 : i32
    return %arg0, %c0_i32 : i32, i32
  }
  func.func @transform_1(%arg0: i32) -> (i32, i32) {
    %c0_i32 = arith.constant 0 : i32
    %c0_i32_0 = arith.constant 0 : i32
    return %arg0, %c0_i32 : i32, i32
  }
  func.func @transform_2(%arg0: i32) -> (i32, i32) {
    %c0_i32 = arith.constant 0 : i32
    %c0_i32_0 = arith.constant 0 : i32
    return %arg0, %c0_i32 : i32, i32
  }
  func.func @transform_3(%arg0: i32) -> (i32, i32) {
    %c0_i32 = arith.constant 0 : i32
    %c0_i32_0 = arith.constant 0 : i32
    return %arg0, %c0_i32 : i32, i32
  }
}

</mosaic_0001>

<sc_bundles>
// kernel: gather_offload_async_start
scs
__scs_entry_jumppad:
0x0: {  	(pc) =	sbr.rel $0x88, $3  }
0x1: {  	(tag) =	ssettag $0x0;
	lr =	simm.s32 $0x1  }
0x2: {  	[smem:$0x3F9D] =	sst lr;
	_ =	strace $0xD0000000  }
0x3: {  	_ = 	snop  }
0x4: {  	_ = 	snop  }
0x5: {  	_ = 	snop  }
0x6: {  	_ = 	snop  }
0x7: {  	_ = 	snop  }
__scs_overlays_trampoline_lowered:
0x8: {  	[smem:$0x3FAC] =	sst s0  }
0x9: {  	[smem:$0x3FAD] =	sst s1  }
0xa: {  	[smem:$0x3FAE] =	sst s2  }
0xb: {  	[smem:$0x3FAF] =	sst s3  }
0xc: {  	[smem:$0x3FB0] =	sst s4  }
0xd: {  	[smem:$0x3FB1] =	sst s5  }
0xe: {  	[smem:$0x3FB2] =	sst s6  }
0xf: {  	[smem:$0x3FB3] =	sst s7  }
0x10: {  	[smem:$0x3FB4] =	sst s8  }
0x11: {  	[smem:$0x3FB5] =	sst s9;
	s0 =	simm.s32 @!p0 $0x0  }
0x12: {  	s1 =	sld [smem:$0x3F9B];
	s0 =	simm.s32 @p0 $0x1  }
0x13: {  	[smem:$0x3FB6] =	sst s0;
	s0 =	simm.s32 @!p1 $0x0  }
0x14: {  	s2 =	sld [smem:$0x3F9A];
	s0 =	simm.s32 @p1 $0x1  }
0x15: {  	[smem:$0x3FB7] =	sst s0;
	s0 =	simm.s32 @!p2 $0x0  }
0x16: {  	s3 =	sld [smem:$0x3FDB];
	s0 =	simm.s32 @p2 $0x1  }
0x17: {  	s4 =	simm.s32 $0x1BF5;
	[smem:$0x3FB9] =	sst s0  }
0x18: {  	s0 =	sld [smem:$0x3F9C];
	_ =	swait.ge [sflag:s4], $0x0  }
0x19: {  	s7 =	sld [smem:$0x3F9D]  }
0x1a: {  	s8 =	sadd.s32 $0xFFFFE003, lr  }
0x1b: {  	s9 =	sadd.s32 $0xFFFFFEF7, lr;
	s5 =	simm.s32 $0xFFFFFFFF;
	p2 =	slt.u32 s8, $0xFFFFF086  }
0x1c: {  	p1 =	slt.u32 s9, $0xF7A;
	s5 =	simm.s32 @!p2 $0x0  }
0x1d: {  	s5 =	simm.s32 @p1 $0x1;
	p0 =	seq.s32 s7, s2  }
0x1e: {  	s7 =	smul.u32 @!p0 $0xF7A, s2;
	p2 =	seq.s32 @!p0 s5, $0x0  }
0x1f: {  	s9 =	smul.u32 $0xF7A, s1;
	s8 =	simm.s32 @!p0 $0x1BF5;
	p2 =	por !p2, p0  }
0x20: {  	[sflag:s8] =	ssyncset.s32 @!p0 $0xFFFFF086;
	s6 =	sadd.s32 @!p0 s3, s7;
	s7 =	simm.s32 @!p0 $0x108  }
0x21: {  	s3 =	sadd.s32 s3, s9;
	s6 =	sadd.s32 @!p0 $0x88, s6;
	s7 =	simm.s32 @p2 $0x1082  }
0x22: {  	[simem:s7], [sflag:s8] =	dma.local @!p0 [hbm:s6], $0xF7A  }
0x23: {  	s9 =	sor.u32 $0xD0000000, s2;
	s6 =	simm.s32 $0x108;
	_ =	swait.ge @!p0 [sflag:s8], $0x0  }
0x24: {  	s3 =	sadd.s32 $0x88, s3;
	s6 =	simm.s32 @!p1 $0x1082;
	[sflag:s4] =	ssyncset.s32 $0xFFFFF086  }
0x25: {  	[simem:s6], [sflag:s4] =	dma.local [hbm:s3], $0xF7A  }
0x26: {  	[smem:$0x3F9D] =	sst s1;
	(tag) =	ssettag s2;
	_ =	strace s9  }
0x27: {  	s1 =	sld [smem:$0x3FAD]  }
0x28: {  	s2 =	sld [smem:$0x3FAE]  }
0x29: {  	s4 =	sld [smem:$0x3FB0]  }
0x2a: {  	p0 =	seq.s32 s5, $0x0;
	s5 =	sld [smem:$0x3FB1]  }
0x2b: {  	s6 =	sld [smem:$0x3FB2]  }
0x2c: {  	s7 =	sld [smem:$0x3FB3]  }
0x2d: {  	s3 =	simm.s32 $0x108;
	s8 =	sld [smem:$0x3FB4]  }
0x2e: {  	s3 =	simm.s32 @!p0 $0x1082;
	s9 =	sld [smem:$0x3FB5]  }
0x2f: {  	lr =	sadd.s32 s0, s3;
	s0 =	sld [smem:$0x3FAC]  }
0x30: {  	s3 =	sld [smem:$0x3FAF]  }
0x31: {  	[smem:$0x3FB8] =	sst s10  }
0x32: {  	s10 =	sld [smem:$0x3FB6];
	_ =	sdelay $0x3  }
0x33: {  	p0 =	seq.s32 s10, $0x1;
	s10 =	sld [smem:$0x3FB8];
	_ =	sdelay $0x3  }
0x34: {  	[smem:$0x3FB8] =	sst s10  }
0x35: {  	s10 =	sld [smem:$0x3FB7];
	_ =	sdelay $0x3  }
0x36: {  	p1 =	seq.s32 s10, $0x1;
	s10 =	sld [smem:$0x3FB8];
	_ =	sdelay $0x3  }
0x37: {  	[smem:$0x3FB8] =	sst s10  }
0x38: {  	s10 =	sld [smem:$0x3FB9]  }
0x39: {  	_ = 	snop;
	(pc) =	sbr.ind lr, $3  }
0x3a: {  	_ = 	snop  }
0x3b: {  	_ = 	snop  }
0x3c: {  	p2 =	seq.s32 s10, $0x1;
	s10 =	sld [smem:$0x3FB8]  }
0x3d: {  	_ =	shalt  }
0x3e: {  	_ =	shalt  }
0x3f: {  	_ =	shalt  }
0x40: {  	_ =	shalt  }
0x41: {  	_ =	shalt  }
0x42: {  	_ =	shalt  }
0x43: {  	_ =	shalt  }
0x44: {  	_ =	shalt  }
0x45: {  	_ =	shalt  }
0x46: {  	_ =	shalt  }
0x47: {  	_ =	shalt  }
0x48: {  	_ =	shalt  }
0x49: {  	_ =	shalt  }
0x4a: {  	_ =	shalt  }
0x4b: {  	_ =	shalt  }
0x4c: {  	_ =	shalt  }
0x4d: {  	_ =	shalt  }
0x4e: {  	_ =	shalt  }
0x4f: {  	_ =	shalt  }
0x50: {  	_ =	shalt  }
0x51: {  	_ =	shalt  }
0x52: {  	_ =	shalt  }
0x53: {  	_ =	shalt  }
0x54: {  	_ =	shalt  }
0x55: {  	_ =	shalt  }
0x56: {  	_ =	shalt  }
0x57: {  	_ =	shalt  }
0x58: {  	_ =	shalt  }
0x59: {  	_ =	shalt  }
0x5a: {  	_ =	shalt  }
0x5b: {  	_ =	shalt  }
0x5c: {  	_ =	shalt  }
0x5d: {  	_ =	shalt  }
0x5e: {  	_ =	shalt  }
0x5f: {  	_ =	shalt  }
0x60: {  	_ =	shalt  }
0x61: {  	_ =	shalt  }
0x62: {  	_ =	shalt  }
0x63: {  	_ =	shalt  }
0x64: {  	_ =	shalt  }
0x65: {  	_ =	shalt  }
0x66: {  	_ =	shalt  }
0x67: {  	_ =	shalt  }
0x68: {  	_ =	shalt  }
0x69: {  	_ =	shalt  }
0x6a: {  	_ =	shalt  }
0x6b: {  	_ =	shalt  }
0x6c: {  	_ =	shalt  }
0x6d: {  	_ =	shalt  }
0x6e: {  	_ =	shalt  }
0x6f: {  	_ =	shalt  }
0x70: {  	_ =	shalt  }
0x71: {  	_ =	shalt  }
0x72: {  	_ =	shalt  }
0x73: {  	_ =	shalt  }
0x74: {  	_ =	shalt  }
0x75: {  	_ =	shalt  }
0x76: {  	_ =	shalt  }
0x77: {  	_ =	shalt  }
0x78: {  	_ =	shalt  }
0x79: {  	_ =	shalt  }
0x7a: {  	_ =	shalt  }
0x7b: {  	_ =	shalt  }
0x7c: {  	_ =	shalt  }
0x7d: {  	_ =	shalt  }
0x7e: {  	_ =	shalt  }
0x7f: {  	_ =	shalt  }
0x80: {  	_ =	shalt  }
0x81: {  	_ =	shalt  }
0x82: {  	_ =	shalt  }
0x83: {  	_ =	shalt  }
0x84: {  	_ =	shalt  }
0x85: {  	_ =	shalt  }
0x86: {  	_ =	shalt  }
0x87: {  	_ =	shalt  }
.Lfunc_end0:
.L_simem_size_0:
called_computation_lowered:
.L_overlay_start_0:
0x88: {  	s2 =	sld [smem:$0x3FD9]  }
0x89: {  	s3 =	sld [smem:$0x3FFE];
	_ =	sdelay $0x1  }
0x8a: {  	s1 =	srdreg.scid  }
0x8b: {  	s0 =	sand.u32 $0x1, s1  }
0x8c: {  	s17 =	sshll.u32 s0, $0xA;
	s2 =	sadd.s32 s3, s2  }
0x8d: {  	s2 =	sadd.s32 s2, s17  }
0x8e: {  	[smem:$0x3FC4] =	sst s2  }
0x8f: {  	_ = 	snop  }
0x90: {  	s2 =	sld [smem:$0x3FD0];
	(tm) =	ssettm $0x1  }
0x91: {  	s18 =	sld [smem:$0x3FFB];
	_ =	sdelay $0x3  }
0x92: {  	_ =	strace s18  }
0x93: {  	s3 =	sld [smem:$0x3FFC];
	_ =	sdelay $0x3  }
0x94: {  	_ =	strace s3  }
0x95: {  	s3 =	sld [smem:$0x3FFD];
	_ =	sdelay $0x3  }
0x96: {  	_ =	strace s3  }
0x97: {  	_ =	strace $0x8FFFFFFF  }
0x98: {  	s19 =	sld [smem:$0x3FDB];
	_ =	sdelay $0x1  }
0x99: {  	s4 =	simm.s32 $_scs_section_size  }
0x9a: {  	s5 =	simm.s32 $_size__tile_overlayer_lowered;
	s6 =	simm.s32 $_tile_overlayer_lowered  }
0x9b: {  	s22 =	simm.s32 $0x1BFF;
	s21 =	sshll.u32 s6, $0x1;
	s3 =	sadd.s32 s4, s19  }
0x9c: {  	s7 =	simm.s32 $0x0;
	s20 =	sshll.u32 s5, $0x1;
	s5 =	sadd.s32 s21, s3  }
0x9d: {  	[timem:s7], [sflag:s22] =	dma.local [hbm:s5], s20  }
0x9e: {  	_ =	swait.ge [sflag:s22], s20  }
0x9f: {  	s4 =	ssub.s32 $0x0, s20;
	[sflag:s22] =	ssyncset.done $0x0  }
0xa0: {  	[sflag:s22] =	ssyncadd.s32 s4;
	_ =	sdelay $0x1  }
0xa1: {  	s23 =	simm.s32 $0x1B8B  }
0xa2: {  	_ =	swait.ge [sflag:s23], $0x1  }
0xa3: {  	[sflag:s23] =	ssyncset.done $0x0  }
0xa4: {  	s25 =	simm.s32 $0x1B8E;
	s24 =	sld [smem:$0x3FFE];
	[sflag:s23] =	ssyncadd.s32 $0xFFFFFFFF  }
0xa5: {  	s26 =	simm.s32 $execute0_lowered;
	[smem:$0x3FD2] =	sst s25  }
0xa6: {  	s5 =	sshll.u32 s26, $0x1;
	_ =	strace $0x80000046;
	[dreg:$0x1] =	wrdreg $0xFFFFFFFF  }
0xa7: {  	s28 =	simm.s32 $_size_execute0_lowered;
	s3 =	sadd.s32 s3, s5;
	[dreg:$0x0] =	wrdreg $0x0  }
0xa8: {  	s5 =	sshll.u32 s28, $0x1;
	[dreg:$0x2] =	wrdreg s3  }
0xa9: {  	[dreg:$0x3] =	wrdreg s5  }
0xaa: {  	[dreg:$0x4] =	wrdreg $0xC0  }
0xab: {  	_ =	task [dreg:s7], $0x5FFFF  }
0xac: {  	[dreg:$0x1] =	wrdreg $0xFFFFFFFF  }
0xad: {  	[dreg:$0x0] =	wrdreg $0x60  }
0xae: {  	[dreg:$0x2] =	wrdreg s2  }
0xaf: {  	[dreg:$0x3] =	wrdreg s24  }
0xb0: {  	[dreg:$0x4] =	wrdreg $0x9  }
0xb1: {  	_ =	task.clear_ibuf [dreg:s7], $0x5FFFF;
	_ =	strace $0x90000046  }
0xb2: {  	s29 =	simm.s32 $0x9;
	_ =	strace $0x80000048  }
0xb3: {  	_ =	swait.ge [sflag:s29], $0x1  }
0xb4: {  	[sflag:s29] =	ssyncadd.s32 $0xFFFFFFFF  }
0xb5: {  	_ =	strace $0x90000048  }
0xb6: {  	_ =	sfence  }
0xb7: {  	s30 =	sld [smem:$0x0];
	_ =	sdelay $0x2  }
0xb8: {  	s31 =	sshll.u32 s1, $0xD;
	s1 =	sshrl.u32 s1, $0x2  }
0xb9: {  	s3 =	sand.u32 $0x4000, s31;
	s1 =	sadd.s32 s1, s30  }
0xba: {  	s0 =	sor.u32 s3, s0;
	s1 =	sshll.u32 s1, $0x11  }
0xbb: {  	s0 =	sor.u32 s1, s0  }
0xbc: {  	s0 =	sadd.s32 $0x8F2B, s0  }
0xbd: {  	[sflag:s0] =	ssyncadd.remote.s32 $0x1  }
0xbe: {  	_ =	sfence.sel $0xFFFF  }
0xbf: {  	[dreg:$0x0] =	wrdreg $0xFFFFFFFF;
	(pc) =	sbr.abs _section_cstart, $3  }
0xc0: {  	[dreg:$0x1] =	wrdreg $0xFFFFFFFF  }
0xc1: {  	_ =	task.clear_ibuf [dreg:s7], $0x2FFFF;
	_ =	strace $0x9FFFFFFF  }
0xc2: {  	(tm) =	ssettm $0x7FFFFFFF  }
0xc3: {  	_ =	shalt  }
tec
execute0_lowered:
.L_overlay_start_1:
0x0: {  	(tag) =	ssettag $0x1  }
0x1: {  	s1 =	srdreg.scid;
	s2 =	rddreg [dreg:$0x0]  }
0x2: {  	s0 =	stileid.u32;
	s5 =	rddreg [dreg:$0x1];
	s6 =	simm.s32 $0x1  }
0x3: {  	s9 =	simm.s32 $0x1;
	s10 =	simm.s32 $0x3;
	s1 =	sshll.u32 s1, $0x6  }
0x4: {  	s13 =	simm.s32 $0x0;
	s3 =	sshll.u32 s0, $0x7;
	s4 =	sand.u32 $0x40, s1  }
0x5: {  	s12 =	simm.s32 $0x0;
	s1 =	rddreg [dreg:$0x2];
	s3 =	sor.u32 s3, s4  }
0x6: {  	_ =	strace $0x80000047;
	s4 =	sadd.s32 $0x18C00, s5;
	s8 =	ssub.s32 $0x1000, s3  }
.Ltmp0:
0x7: {  	s5 =	sadd.s32 $0xAC00, s5;
	s7 =	sand.u32 $0x7C0, s8;
	(pc) =	sbr.rel .LBB2_1-.Ltmp0, $4  }
0x8: {  	[sflag:s6] =	ssyncpa.u1 $0x0;
	s11 =	smov.u32 s3;
	p0 =	sne.s32 s7, $0x0  }
0x9: {  	s8 =	sshrl.u32 s8, $0xB;
	s7 =	simm.s32 $0x2;
	s9 =	simm.s32 @!p0 $0x0  }
0xa: {  	[sflag:s7] =	ssyncpa.u1 $0x0;
	p0 =	por $0x0, $0x0;
	s8 =	sadd.s32 s9, s8  }
0xb: {  	vm0 =	vmmov $0xffff;
	[sflag:s10] =	ssyncpa.u1 $0x0;
	s10 =	simm.s32 $0x0;
	s9 =	sadd.s32 $0x1, s8  }
.LBB2_4:
0xc: {  	v5 =	vshrl.u32 v1, $0xC;
	v6 =	vshll.u32 v1, $0x7  }
0xd: {  	vm1 =	veq.s32 v1, $0x80000000;
	v58 =	vand.u32 $0x7, v5;
	v59 =	vand.u32 $0x7FF80, v6  }
0xe: {  	v1 =	vsel vm1, $0xFFFFFFFF, v58;
	v5 =	vsel vm1, $0xFFFFFF80, v59  }
0xf: {  	v3 =	vor.u32 v4, v3;
	v60 =	vand.u32 $0xFFFFFC00, v5;
	v61 =	vand.u32 $0xFFFFFC00, v1  }
0x10: {  	v2 =	vor.u32 v2, v3;
	v63 =	vand.u32 $0x380, v5;
	v62 =	vadd.s32 v61, v60  }
0x11: {  	v1 =	vand.u32 $0x7F, v1;
	v3 =	vor.u32 v63, v62  }
0x12: {  	v1 =	vor.u32 v1, v3  }
0x13: {  	[tilespmem:s15], [sflag:$0x1] =	stream.indirect_vreg.gather [hbm4b:s2+s10], $0x1, v0, vm0, $0x4038;
	[tilespmem:$0x100] =	vst v63  }
0x14: {  	(ifvalue) =	ssetifvalue $0x7FFFFFFF  }
0x15: {  	[tilespmem:s16], [sflag:$0x1] =	stream.indirect_vreg.gather [hbm4b:s2+s10], $0x1, v2, vm0, $0x4038;
	[tilespmem:$0x100] =	vst v63  }
0x16: {  	s29 =	sadd.s32 $0x10, s16;
	(ifvalue) =	ssetifvalue $0x7FFFFFFF  }
0x17: {  	[tilespmem:s29], [sflag:$0x1] =	stream.indirect_vreg.gather [hbm4b:s2+s10], $0x1, v1, vm0, $0x4038;
	[tilespmem:$0x100] =	vst v63  }
0x18: {  	_ =	swait.ge [sflag:s6], $0x40  }
0x19: {  	s30 =	sshrl.u32 s13, $0x3;
	[sflag:s6] =	ssyncset.done $0x0  }
0x1a: {  	s31 =	sand.u32 $0x7, s13;
	s15 =	sadd.s32 s5, s30;
	[sflag:s6] =	ssyncadd.s32 $0xFFFFFFC0  }
0x1b: {  	[hbm4b:s15+s31] =	stream.linear.scatter [tilespmem:s14], [sflag:$0x3], $0x40, $0x38;
	[tilespmem:$0x100] =	vst v63  }
.LBB2_5:
0x1c: {  	s15 =	sadd.s32 $0x800, s11  }
0x1d: {  	p2 =	sgt.s32 s15, $0xFFF  }
0x1e: {  	s15 =	smov.u32 @p2 s3;
	p2 =	sne.s32 s12, s9  }
.Ltmp1:
0x1f: {  	p1 =	slt.u32 s12, $0x2;
	(pc) =	sbr.rel @!p2 .LBB2_6-.Ltmp1, $4  }
0x20: {  	s14 =	simm.s32 @!p1 $0x3  }
0x21: {  	s16 =	sadd.s32 $0x1, s12;
	_ =	swait.ge @!p1 [sflag:s14], $0x40  }
0x22: {  	s13 =	smov.u32 s11;
	p0 =	por !p0, !p0;
	[sflag:s14] =	ssyncset.done @!p1 $0x0  }
0x23: {  	s12 =	smov.u32 s16;
	s11 =	smov.u32 s15;
	[sflag:s14] =	ssyncadd.s32 @!p1 $0xFFFFFFC0  }
.LBB2_1:
0x24: {  	p1 =	sge.u32 s12, s8  }
0x25: {  	s14 =	sxor.u32 @!p1 $0xFFFFFFFF, s12  }
0x26: {  	s31 =	sadd.s32 $0xFFFFFFFF, s12;
	s15 =	sshrl.u32 @!p1 s11, $0x3;
	s14 =	sshll.u32 @!p1 s14, $0x6  }
0x27: {  	s16 =	sand.u32 @!p1 $0x7, s11;
	s15 =	sadd.s32 @!p1 s4, s15;
	s14 =	sand.u32 @!p1 $0x40, s14  }
0x28: {  	[tilespmem:s14], [sflag:$0x2] =	stream.linear.gather @!p1 [hbm4b:s15+s16], $0x40, $0x38;
	[tilespmem:$0x100] =	vst v63  }
0x29: {  	p1 =	sge.u32 s31, s8  }
.Ltmp2:
0x2a: {  	_ = 	snop;
	(pc) =	sbr.rel @p1 .LBB2_5-.Ltmp2, $1  }
0x2b: {  	_ =	sdelay $0x3  }
0x2c: {  	s14 =	simm.s32 $0x1  }
0x2d: {  	_ =	swait.ge [sflag:s7], $0x40;
	s14 =	simm.s32 @!p0 $0x0  }
0x2e: {  	[sflag:s7] =	ssyncset.done $0x0;
	s14 =	sshll.u32 s14, $0x6  }
0x2f: {  	[sflag:s7] =	ssyncadd.s32 $0xFFFFFFC0;
	(ifvalue) =	ssetifvalue $0x7FFFFFFF;
	v0 =	vld.msk [tilespmem:s14+$0x0 ss:$0x1], $0xffff;
	_ =	sdelay $0x4  }
0x30: {  	s15 =	sadd.s32 $0x10, s14;
	v2 =	vshrl.u32 v0, $0xC;
	v3 =	vshll.u32 v0, $0x7  }
0x31: {  	v1 =	vld.msk [tilespmem:s15+$0x0 ss:$0x1], $0xffff;
	vm1 =	veq.s32 v0, $0x80000000;
	v0 =	vand.u32 $0x7, v2;
	v2 =	vand.u32 $0x7FF80, v3  }
0x32: {  	v0 =	vsel vm1, $0xFFFFFFFF, v0;
	v2 =	vsel vm1, $0xFFFFFF80, v2  }
0x33: {  	v3 =	vand.u32 $0xFFFFFC00, v2;
	v4 =	vand.u32 $0xFFFFFC00, v0  }
0x34: {  	v2 =	vand.u32 $0x380, v2;
	v3 =	vadd.s32 v4, v3  }
0x35: {  	v0 =	vand.u32 $0x7F, v0;
	v2 =	vor.u32 v2, v3  }
0x36: {  	v5 =	vshll.u32 v1, $0x7;
	v4 =	vshrl.u32 v1, $0xC;
	v0 =	vor.u32 v0, v2  }
0x37: {  	s16 =	sshll.u32 s12, $0x6;
	vm1 =	veq.s32 v1, $0x80000000;
	v1 =	vand.u32 $0x7, v4;
	v4 =	vand.u32 $0x7FF80, v5  }
0x38: {  	s16 =	sand.u32 $0x40, s16;
	s18 =	sadd.s32 $0x10, s15;
	v3 =	vsel vm1, $0xFFFFFFFF, v1;
	v4 =	vsel vm1, $0xFFFFFF80, v4  }
0x39: {  	s17 =	simm.s32 $0x20;
	s15 =	sor.u32 $0x80, s14;
	s14 =	sor.u32 $0x80, s16;
	v1 =	vld.msk [tilespmem:s18+$0x0 ss:$0x1], $0xffff;
	v5 =	vand.u32 $0xFFFFFC00, v4;
	v6 =	vand.u32 $0xFFFFFC00, v3  }
0x3a: {  	s16 =	sadd.s32 $0x10, s15;
	s18 =	sadd.s32 $0x10, s18;
	(ifvalue) =	ssetifvalue $0x7FFFFFFF;
	v2 =	vand.u32 $0x7F, v3;
	v4 =	vand.u32 $0x380, v4;
	v3 =	vadd.s32 v6, v5  }
.LBB2_3:
0x3b: {  	[tilespmem:s15], [sflag:$0x1] =	stream.indirect_vreg.gather [hbm4b:s2+s10], $0x1, v0, vm0, $0x4038;
	[tilespmem:$0x100] =	vst v63  }
0x3c: {  	s17 =	sadd.s32 $0x10, s17  }
0x3d: {  	v3 =	vor.u32 v4, v3;
	p1 =	slt.u32 s17, $0x30  }
.Ltmp3:
0x3e: {  	v4 =	vshrl.u32 v1, $0xC;
	v5 =	vshll.u32 v1, $0x7;
	s15 =	smov.u32 s16;
	v0 =	vor.u32 v2, v3;
	v2 =	vmovc v1;
	v1 =	vld.msk [tilespmem:s18+$0x0 ss:$0x1], $0xffff;
	(pc) =	sbr.rel @p1 .LBB2_3-.Ltmp3, $4  }
0x3f: {  	v3 =	vand.u32 $0x7FF80, v5;
	vm1 =	veq.s32 v2, $0x80000000;
	v2 =	vand.u32 $0x7, v4  }
0x40: {  	v4 =	vsel vm1, $0xFFFFFFFF, v2;
	v5 =	vsel vm1, $0xFFFFFF80, v3  }
0x41: {  	v2 =	vand.u32 $0x7F, v4;
	v3 =	vand.u32 $0xFFFFFC00, v5;
	v4 =	vand.u32 $0xFFFFFC00, v4  }
0x42: {  	s16 =	sadd.s32 $0x10, s16;
	s18 =	sadd.s32 $0x10, s18;
	v3 =	vadd.s32 v4, v3;
	v4 =	vand.u32 $0x380, v5;
	(ifvalue) =	ssetifvalue $0x7FFFFFFF  }
.Ltmp4:
0x43: {  	_ = 	snop;
	(pc) =	sbr.rel .LBB2_4-.Ltmp4, $1  }
0x44: {  	_ =	sdelay $0x3  }
.LBB2_6:
0x45: {  	_ =	sfence.sel $0x180000  }
0x46: {  	s2 =	simm.s32 $0x2;
	[bflag:$0x0] =	sbarrier.arrive $0xFFFF  }
0x47: {  	s30 =	simm.s32 $0x3;
	[sflag:s2] =	ssyncpa.u1 $0x1  }
0x48: {  	s31 =	simm.s32 $0x1;
	[sflag:s30] =	ssyncpa.u1 $0x1  }
0x49: {  	[sflag:s31] =	ssyncpa.u1 $0x1  }
0x4a: {  	p0 =	sne.s32 s0, $0x0;
	_ =	strace $0x90000047  }
0x4b: {  	s0 =	sadd.s32 @!p0 $0x100000, s1;
	[bflag:$0x2] =	sbarrier.arrive $0xFFFF  }
0x4c: {  	[sflag:s0] =	ssyncadd.tile.s32 @!p0 $0x1;
	_ =	shalt  }
.Lfunc_end2:
_tile_overlayer_lowered:
.L_overlay_start_2:
0x4d: {  	(tag) =	ssettag $0x2  }
0x4e: {  	s0 =	rddreg [dreg:$0x0];
	s2 =	stileid.u32  }
0x4f: {  	s1 =	rddreg [dreg:$0x1];
	p0 =	sne.s32 s2, $0x0  }
0x50: {  	s3 =	rddreg [dreg:$0x2];
	[bflag:$0x3] =	sbarrier.arrive $0xFFFF;
	s2 =	simm.s32 @!p0 $0x1C01  }
0x51: {  	[timem:s3], [sflag:s2] =	dma.local @!p0 [hbm:s0], s1  }
0x52: {  	s0 =	simm.s32 @!p0 $0x1  }
0x53: {  	_ =	swait.ge @!p0 [sflag:s0], s1  }
0x54: {  	s1 =	ssub.s32 @!p0 $0x0, s1;
	[sflag:s0] =	ssyncset.done @!p0 $0x0  }
0x55: {  	[sflag:s0] =	ssyncadd.s32 @!p0 s1  }
0x56: {  	[bflag:$0x3] =	sbarrier.arrive $0xFFFF  }
0x57: {  	_ =	shalt  }

// kernel: kernel.11.cloned.1.call-start
scs
__scs_entry_jumppad:
0x0: {  	(pc) =	sbr.rel $0x88, $3  }
0x1: {  	(tag) =	ssettag $0x0;
	lr =	simm.s32 $0x1  }
0x2: {  	[smem:$0x3F9D] =	sst lr;
	_ =	strace $0xD0000000  }
0x3: {  	_ = 	snop  }
0x4: {  	_ = 	snop  }
0x5: {  	_ = 	snop  }
0x6: {  	_ = 	snop  }
0x7: {  	_ = 	snop  }
__scs_overlays_trampoline_lowered:
0x8: {  	[smem:$0x3FAC] =	sst s0  }
0x9: {  	[smem:$0x3FAD] =	sst s1  }
0xa: {  	[smem:$0x3FAE] =	sst s2  }
0xb: {  	[smem:$0x3FAF] =	sst s3  }
0xc: {  	[smem:$0x3FB0] =	sst s4  }
0xd: {  	[smem:$0x3FB1] =	sst s5  }
0xe: {  	[smem:$0x3FB2] =	sst s6  }
0xf: {  	[smem:$0x3FB3] =	sst s7  }
0x10: {  	[smem:$0x3FB4] =	sst s8  }
0x11: {  	[smem:$0x3FB5] =	sst s9;
	s0 =	simm.s32 @!p0 $0x0  }
0x12: {  	s1 =	sld [smem:$0x3F9B];
	s0 =	simm.s32 @p0 $0x1  }
0x13: {  	[smem:$0x3FB6] =	sst s0;
	s0 =	simm.s32 @!p1 $0x0  }
0x14: {  	s2 =	sld [smem:$0x3F9A];
	s0 =	simm.s32 @p1 $0x1  }
0x15: {  	[smem:$0x3FB7] =	sst s0;
	s0 =	simm.s32 @!p2 $0x0  }
0x16: {  	s3 =	sld [smem:$0x3FDB];
	s0 =	simm.s32 @p2 $0x1  }
0x17: {  	s4 =	simm.s32 $0x1BF5;
	[smem:$0x3FB9] =	sst s0  }
0x18: {  	s0 =	sld [smem:$0x3F9C];
	_ =	swait.ge [sflag:s4], $0x0  }
0x19: {  	s7 =	sld [smem:$0x3F9D]  }
0x1a: {  	s8 =	sadd.s32 $0xFFFFE003, lr  }
0x1b: {  	s9 =	sadd.s32 $0xFFFFFEF7, lr;
	s5 =	simm.s32 $0xFFFFFFFF;
	p2 =	slt.u32 s8, $0xFFFFF086  }
0x1c: {  	p1 =	slt.u32 s9, $0xF7A;
	s5 =	simm.s32 @!p2 $0x0  }
0x1d: {  	s5 =	simm.s32 @p1 $0x1;
	p0 =	seq.s32 s7, s2  }
0x1e: {  	s7 =	smul.u32 @!p0 $0xF7A, s2;
	p2 =	seq.s32 @!p0 s5, $0x0  }
0x1f: {  	s9 =	smul.u32 $0xF7A, s1;
	s8 =	simm.s32 @!p0 $0x1BF5;
	p2 =	por !p2, p0  }
0x20: {  	[sflag:s8] =	ssyncset.s32 @!p0 $0xFFFFF086;
	s6 =	sadd.s32 @!p0 s3, s7;
	s7 =	simm.s32 @!p0 $0x108  }
0x21: {  	s3 =	sadd.s32 s3, s9;
	s6 =	sadd.s32 @!p0 $0x88, s6;
	s7 =	simm.s32 @p2 $0x1082  }
0x22: {  	[simem:s7], [sflag:s8] =	dma.local @!p0 [hbm:s6], $0xF7A  }
0x23: {  	s9 =	sor.u32 $0xD0000000, s2;
	s6 =	simm.s32 $0x108;
	_ =	swait.ge @!p0 [sflag:s8], $0x0  }
0x24: {  	s3 =	sadd.s32 $0x88, s3;
	s6 =	simm.s32 @!p1 $0x1082;
	[sflag:s4] =	ssyncset.s32 $0xFFFFF086  }
0x25: {  	[simem:s6], [sflag:s4] =	dma.local [hbm:s3], $0xF7A  }
0x26: {  	[smem:$0x3F9D] =	sst s1;
	(tag) =	ssettag s2;
	_ =	strace s9  }
0x27: {  	s1 =	sld [smem:$0x3FAD]  }
0x28: {  	s2 =	sld [smem:$0x3FAE]  }
0x29: {  	s4 =	sld [smem:$0x3FB0]  }
0x2a: {  	p0 =	seq.s32 s5, $0x0;
	s5 =	sld [smem:$0x3FB1]  }
0x2b: {  	s6 =	sld [smem:$0x3FB2]  }
0x2c: {  	s7 =	sld [smem:$0x3FB3]  }
0x2d: {  	s3 =	simm.s32 $0x108;
	s8 =	sld [smem:$0x3FB4]  }
0x2e: {  	s3 =	simm.s32 @!p0 $0x1082;
	s9 =	sld [smem:$0x3FB5]  }
0x2f: {  	lr =	sadd.s32 s0, s3;
	s0 =	sld [smem:$0x3FAC]  }
0x30: {  	s3 =	sld [smem:$0x3FAF]  }
0x31: {  	[smem:$0x3FB8] =	sst s10  }
0x32: {  	s10 =	sld [smem:$0x3FB6];
	_ =	sdelay $0x3  }
0x33: {  	p0 =	seq.s32 s10, $0x1;
	s10 =	sld [smem:$0x3FB8];
	_ =	sdelay $0x3  }
0x34: {  	[smem:$0x3FB8] =	sst s10  }
0x35: {  	s10 =	sld [smem:$0x3FB7];
	_ =	sdelay $0x3  }
0x36: {  	p1 =	seq.s32 s10, $0x1;
	s10 =	sld [smem:$0x3FB8];
	_ =	sdelay $0x3  }
0x37: {  	[smem:$0x3FB8] =	sst s10  }
0x38: {  	s10 =	sld [smem:$0x3FB9]  }
0x39: {  	_ = 	snop;
	(pc) =	sbr.ind lr, $3  }
0x3a: {  	_ = 	snop  }
0x3b: {  	_ = 	snop  }
0x3c: {  	p2 =	seq.s32 s10, $0x1;
	s10 =	sld [smem:$0x3FB8]  }
0x3d: {  	_ =	shalt  }
0x3e: {  	_ =	shalt  }
0x3f: {  	_ =	shalt  }
0x40: {  	_ =	shalt  }
0x41: {  	_ =	shalt  }
0x42: {  	_ =	shalt  }
0x43: {  	_ =	shalt  }
0x44: {  	_ =	shalt  }
0x45: {  	_ =	shalt  }
0x46: {  	_ =	shalt  }
0x47: {  	_ =	shalt  }
0x48: {  	_ =	shalt  }
0x49: {  	_ =	shalt  }
0x4a: {  	_ =	shalt  }
0x4b: {  	_ =	shalt  }
0x4c: {  	_ =	shalt  }
0x4d: {  	_ =	shalt  }
0x4e: {  	_ =	shalt  }
0x4f: {  	_ =	shalt  }
0x50: {  	_ =	shalt  }
0x51: {  	_ =	shalt  }
0x52: {  	_ =	shalt  }
0x53: {  	_ =	shalt  }
0x54: {  	_ =	shalt  }
0x55: {  	_ =	shalt  }
0x56: {  	_ =	shalt  }
0x57: {  	_ =	shalt  }
0x58: {  	_ =	shalt  }
0x59: {  	_ =	shalt  }
0x5a: {  	_ =	shalt  }
0x5b: {  	_ =	shalt  }
0x5c: {  	_ =	shalt  }
0x5d: {  	_ =	shalt  }
0x5e: {  	_ =	shalt  }
0x5f: {  	_ =	shalt  }
0x60: {  	_ =	shalt  }
0x61: {  	_ =	shalt  }
0x62: {  	_ =	shalt  }
0x63: {  	_ =	shalt  }
0x64: {  	_ =	shalt  }
0x65: {  	_ =	shalt  }
0x66: {  	_ =	shalt  }
0x67: {  	_ =	shalt  }
0x68: {  	_ =	shalt  }
0x69: {  	_ =	shalt  }
0x6a: {  	_ =	shalt  }
0x6b: {  	_ =	shalt  }
0x6c: {  	_ =	shalt  }
0x6d: {  	_ =	shalt  }
0x6e: {  	_ =	shalt  }
0x6f: {  	_ =	shalt  }
0x70: {  	_ =	shalt  }
0x71: {  	_ =	shalt  }
0x72: {  	_ =	shalt  }
0x73: {  	_ =	shalt  }
0x74: {  	_ =	shalt  }
0x75: {  	_ =	shalt  }
0x76: {  	_ =	shalt  }
0x77: {  	_ =	shalt  }
0x78: {  	_ =	shalt  }
0x79: {  	_ =	shalt  }
0x7a: {  	_ =	shalt  }
0x7b: {  	_ =	shalt  }
0x7c: {  	_ =	shalt  }
0x7d: {  	_ =	shalt  }
0x7e: {  	_ =	shalt  }
0x7f: {  	_ =	shalt  }
0x80: {  	_ =	shalt  }
0x81: {  	_ =	shalt  }
0x82: {  	_ =	shalt  }
0x83: {  	_ =	shalt  }
0x84: {  	_ =	shalt  }
0x85: {  	_ =	shalt  }
0x86: {  	_ =	shalt  }
0x87: {  	_ =	shalt  }
.Lfunc_end0:
.L_simem_size_0:
called_computation.2_lowered:
.L_overlay_start_0:
0x88: {  	s2 =	sld [smem:$0x3FD9]  }
0x89: {  	s3 =	sld [smem:$0x3FFE];
	_ =	sdelay $0x1  }
0x8a: {  	s1 =	srdreg.scid  }
0x8b: {  	s0 =	sand.u32 $0x1, s1  }
0x8c: {  	s17 =	sshll.u32 s0, $0xA;
	s2 =	sadd.s32 s3, s2  }
0x8d: {  	s2 =	sadd.s32 s2, s17  }
0x8e: {  	[smem:$0x3FC4] =	sst s2  }
0x8f: {  	_ = 	snop  }
0x90: {  	s2 =	sld [smem:$0x3FD0];
	(tm) =	ssettm $0x1  }
0x91: {  	s18 =	sld [smem:$0x3FFB];
	_ =	sdelay $0x3  }
0x92: {  	_ =	strace s18  }
0x93: {  	s3 =	sld [smem:$0x3FFC];
	_ =	sdelay $0x3  }
0x94: {  	_ =	strace s3  }
0x95: {  	s3 =	sld [smem:$0x3FFD];
	_ =	sdelay $0x3  }
0x96: {  	_ =	strace s3  }
0x97: {  	_ =	strace $0x8FFFFFFF  }
0x98: {  	s19 =	sld [smem:$0x3FDB];
	_ =	sdelay $0x1  }
0x99: {  	s4 =	simm.s32 $_scs_section_size  }
0x9a: {  	s5 =	simm.s32 $_size__tile_overlayer_lowered;
	s6 =	simm.s32 $_tile_overlayer_lowered  }
0x9b: {  	s22 =	simm.s32 $0x1BFF;
	s21 =	sshll.u32 s6, $0x1;
	s3 =	sadd.s32 s4, s19  }
0x9c: {  	s7 =	simm.s32 $0x0;
	s20 =	sshll.u32 s5, $0x1;
	s5 =	sadd.s32 s21, s3  }
0x9d: {  	[timem:s7], [sflag:s22] =	dma.local [hbm:s5], s20  }
0x9e: {  	_ =	swait.ge [sflag:s22], s20  }
0x9f: {  	s4 =	ssub.s32 $0x0, s20;
	[sflag:s22] =	ssyncset.done $0x0  }
0xa0: {  	[sflag:s22] =	ssyncadd.s32 s4;
	_ =	sdelay $0x1  }
0xa1: {  	s23 =	simm.s32 $0x1B8B  }
0xa2: {  	_ =	swait.ge [sflag:s23], $0x1  }
0xa3: {  	[sflag:s23] =	ssyncset.done $0x0  }
0xa4: {  	s25 =	simm.s32 $0x1B8E;
	s24 =	sld [smem:$0x3FFE];
	[sflag:s23] =	ssyncadd.s32 $0xFFFFFFFF  }
0xa5: {  	s26 =	simm.s32 $execute0_lowered;
	[smem:$0x3FD2] =	sst s25  }
0xa6: {  	s5 =	sshll.u32 s26, $0x1;
	_ =	strace $0x8000004C;
	[dreg:$0x1] =	wrdreg $0xFFFFFFFF  }
0xa7: {  	s28 =	simm.s32 $_size_execute0_lowered;
	s3 =	sadd.s32 s3, s5;
	[dreg:$0x0] =	wrdreg $0x0  }
0xa8: {  	s5 =	sshll.u32 s28, $0x1;
	[dreg:$0x2] =	wrdreg s3  }
0xa9: {  	[dreg:$0x3] =	wrdreg s5  }
0xaa: {  	[dreg:$0x4] =	wrdreg $0xC0  }
0xab: {  	_ =	task [dreg:s7], $0x5FFFF  }
0xac: {  	[dreg:$0x1] =	wrdreg $0xFFFFFFFF  }
0xad: {  	[dreg:$0x0] =	wrdreg $0x60  }
0xae: {  	[dreg:$0x2] =	wrdreg s24  }
0xaf: {  	[dreg:$0x3] =	wrdreg s2  }
0xb0: {  	[dreg:$0x4] =	wrdreg $0x9  }
0xb1: {  	_ =	task.clear_ibuf [dreg:s7], $0x5FFFF;
	_ =	strace $0x9000004C  }
0xb2: {  	s29 =	simm.s32 $0x9;
	_ =	strace $0x8000004E  }
0xb3: {  	_ =	swait.ge [sflag:s29], $0x1  }
0xb4: {  	[sflag:s29] =	ssyncadd.s32 $0xFFFFFFFF  }
0xb5: {  	_ =	strace $0x9000004E  }
0xb6: {  	_ =	sfence  }
0xb7: {  	s30 =	sld [smem:$0x0];
	_ =	sdelay $0x2  }
0xb8: {  	s31 =	sshll.u32 s1, $0xD;
	s1 =	sshrl.u32 s1, $0x2  }
0xb9: {  	s3 =	sand.u32 $0x4000, s31;
	s1 =	sadd.s32 s1, s30  }
0xba: {  	s0 =	sor.u32 s3, s0;
	s1 =	sshll.u32 s1, $0x11  }
0xbb: {  	s0 =	sor.u32 s1, s0  }
0xbc: {  	s0 =	sadd.s32 $0x8F2B, s0  }
0xbd: {  	[sflag:s0] =	ssyncadd.remote.s32 $0x1  }
0xbe: {  	_ =	sfence.sel $0xFFFF  }
0xbf: {  	[dreg:$0x0] =	wrdreg $0xFFFFFFFF;
	(pc) =	sbr.abs _section_cstart, $3  }
0xc0: {  	[dreg:$0x1] =	wrdreg $0xFFFFFFFF  }
0xc1: {  	_ =	task.clear_ibuf [dreg:s7], $0x2FFFF;
	_ =	strace $0x9FFFFFFF  }
0xc2: {  	(tm) =	ssettm $0x7FFFFFFF  }
0xc3: {  	_ =	shalt  }
tec
execute0_lowered:
.L_overlay_start_1:
0x0: {  	(tag) =	ssettag $0x1  }
0x1: {  	s0 =	rddreg [dreg:$0x0]  }
0x2: {  	s1 =	rddreg [dreg:$0x1]  }
0x3: {  	s2 =	srdreg.scid;
	s3 =	stileid.u32  }
0x4: {  	s31 =	simm.s32 $0x80;
	s30 =	simm.s32 $0x8100;
	s28 =	simm.s32 $0x2  }
0x5: {  	s14 =	simm.s32 $0x2100;
	s15 =	simm.s32 $0x2900;
	s16 =	simm.s32 $0x3100  }
0x6: {  	s17 =	simm.s32 $0x3900;
	s18 =	simm.s32 $0x4100;
	s19 =	simm.s32 $0x4900  }
0x7: {  	s4 =	sand.u32 $0x1, s2;
	s2 =	simm.s32 $0x0;
	s3 =	sshll.u32 s3, $0x7  }
0x8: {  	s11 =	sadd.s32 $0xAC00, s0;
	s5 =	sshll.u32 s4, $0x6;
	[smem:$0x7FF] =	sst s2  }
0x9: {  	s4 =	ssub.s32 $0x2, s4;
	s5 =	sor.u32 s5, s3;
	_ =	strace $0x8000004D  }
0xa: {  	s7 =	sshrl.u32 s4, $0x1;
	[dreg:$0xd] =	wrdreg s31;
	s3 =	sshrl.u32 s5, $0x3  }
0xb: {  	s12 =	ssub.s32 s4, s7;
	s4 =	sadd.s32 $0x14B300, s0;
	s9 =	sshll.u32 s5, $0x8  }
0xc: {  	s5 =	sadd.s32 $0x14B400, s0;
	s7 =	sadd.s32 $0x14B600, s0;
	s6 =	sadd.s32 s3, s0  }
0xd: {  	s3 =	sadd.s32 $0x14B200, s0;
	s21 =	sadd.s32 s1, s9;
	s22 =	sadd.s32 s11, s9  }
0xe: {  	s10 =	sor.u32 $0x1000, s9;
	s13 =	sor.u32 $0x2000, s9;
	s26 =	sor.u32 $0x3000, s9  }
0xf: {  	s9 =	sadd.s32 $0x14B800, s0;
	s8 =	sadd.s32 $0x14B000, s6;
	[dreg:$0x5] =	wrdreg s21  }
0x10: {  	s20 =	sadd.s32 $0x14AE00, s6;
	s6 =	sadd.s32 $0x14B500, s0;
	[dreg:$0x6] =	wrdreg s22  }
0x11: {  	s23 =	sadd.s32 s1, s10;
	s10 =	sadd.s32 s11, s10;
	[dreg:$0x3] =	wrdreg s8  }
0x12: {  	s24 =	sadd.s32 s1, s13;
	s25 =	sadd.s32 s11, s13;
	[dreg:$0x4] =	wrdreg s20  }
0x13: {  	s1 =	sadd.s32 s1, s26;
	s29 =	sadd.s32 s11, s26;
	[dreg:$0x7] =	wrdreg s23  }
0x14: {  	s11 =	smax.u32 s12, $0x1;
	s12 =	simm.s32 $0x3;
	[dreg:$0x8] =	wrdreg s10  }
0x15: {  	s13 =	simm.s32 $0x100;
	s26 =	simm.s32 $0x1;
	[dreg:$0x9] =	wrdreg s24  }
0x16: {  	s21 =	simm.s32 $0x5900;
	s22 =	simm.s32 $0x6100;
	[dreg:$0xa] =	wrdreg s25  }
0x17: {  	v2 =	vlaneseq.u32;
	s8 =	sadd.s32 $0x14B700, s0;
	s10 =	sadd.s32 $0x14B900, s0;
	[dreg:$0xb] =	wrdreg s1  }
0x18: {  	vm0 =	vmmov $0xffff;
	v1 =	vshrl.u32 v2, $0x3;
	[dreg:$0xc] =	wrdreg s29;
	s1 =	simm.s32 $0x1900;
	s20 =	simm.s32 $0x5100  }
0x19: {  	v0 =	vand.u32 $0x7, v2;
	v2 =	vor.u32 $0x8, v2;
	v1 =	vmul.u32 $0x8, v1;
	s23 =	simm.s32 $0x6900;
	s24 =	simm.s32 $0x7100;
	s25 =	simm.s32 $0x7900  }
.LBB2_1:
0x1a: {  	s29 =	rddreg [dreg:$0x3]  }
0x1b: {  	[tilespmem:s2], [sflag:$0x3] =	stream.linear.gather [hbm4b:s29+s2], $0x40, $0x38;
	[tilespmem:$0x10100] =	vst v63  }
0x1c: {  	_ =	swait.ge [sflag:s12], $0x40  }
0x1d: {  	s0 =	rddreg [dreg:$0x4];
	[sflag:s12] =	ssyncset.done $0x0  }
0x1e: {  	s31 =	rddreg [dreg:$0xd];
	[sflag:s12] =	ssyncadd.s32 $0xFFFFFFC0  }
0x1f: {  	[tilespmem:s31], [sflag:$0x3] =	stream.linear.gather [hbm4b:s0+s2], $0x40, $0x38;
	[tilespmem:$0x10100] =	vst v63  }
0x20: {  	_ =	swait.ge [sflag:s12], $0x40  }
0x21: {  	[sflag:s12] =	ssyncset.done $0x0  }
0x22: {  	[sflag:s12] =	ssyncadd.s32 $0xFFFFFFC0  }
0x23: {  	v3 =	vld [tilespmem:$0x0];
	_ =	sdelay $0x4  }
0x24: {  	v4 =	vshll.u32 v3, $0x4  }
0x25: {  	v3 =	vand.u32 $0x7, v3;
	v4 =	vand.u32 $0xFFFFFF80, v4  }
0x26: {  	v3 =	vor.u32 v3, v4  }
0x27: {  	v4 =	vperm.xlane v3, v0;
	_ =	sdelay $0x1  }
0x28: {  	v4 =	vadd.s32 v1, v4;
	_ =	sdelay $0x4  }
0x29: {  	[tilespmem:s13], [sflag:$0x1] =	stream.indirect_vreg.gather [hbm4b:s3+s2], $0x80, v4, vm0, $0xb8;
	[tilespmem:$0x10100] =	vst v63  }
0x2a: {  	s31 =	simm.s32 $0x900  }
0x2b: {  	[tilespmem:s31], [sflag:$0x1] =	stream.indirect_vreg.gather [hbm4b:s4+s2], $0x80, v4, vm0, $0xb8;
	[tilespmem:$0x10100] =	vst v63  }
0x2c: {  	s0 =	simm.s32 $0x1100  }
0x2d: {  	[tilespmem:s0], [sflag:$0x1] =	stream.indirect_vreg.gather [hbm4b:s5+s2], $0x80, v4, vm0, $0xb8;
	[tilespmem:$0x10100] =	vst v63  }
0x2e: {  	_ = 	snop  }
0x2f: {  	[tilespmem:s1], [sflag:$0x1] =	stream.indirect_vreg.gather [hbm4b:s6+s2], $0x80, v4, vm0, $0xb8;
	[tilespmem:$0x10100] =	vst v63  }
0x30: {  	_ = 	snop  }
0x31: {  	[tilespmem:s14], [sflag:$0x1] =	stream.indirect_vreg.gather [hbm4b:s7+s2], $0x80, v4, vm0, $0xb8;
	[tilespmem:$0x10100] =	vst v63  }
0x32: {  	v3 =	vperm.xlane v3, v2  }
0x33: {  	[tilespmem:s15], [sflag:$0x1] =	stream.indirect_vreg.gather [hbm4b:s8+s2], $0x80, v4, vm0, $0xb8;
	[tilespmem:$0x10100] =	vst v63  }
0x34: {  	v3 =	vadd.s32 v1, v3  }
0x35: {  	[tilespmem:s16], [sflag:$0x1] =	stream.indirect_vreg.gather [hbm4b:s9+s2], $0x80, v4, vm0, $0xb8;
	[tilespmem:$0x10100] =	vst v63  }
0x36: {  	_ = 	snop  }
0x37: {  	[tilespmem:s17], [sflag:$0x1] =	stream.indirect_vreg.gather [hbm4b:s10+s2], $0x80, v4, vm0, $0xb8;
	[tilespmem:$0x10100] =	vst v63  }
0x38: {  	_ = 	snop  }
0x39: {  	[tilespmem:s18], [sflag:$0x1] =	stream.indirect_vreg.gather [hbm4b:s3+s2], $0x80, v3, vm0, $0xb8;
	[tilespmem:$0x10100] =	vst v63  }
0x3a: {  	_ = 	snop  }
0x3b: {  	[tilespmem:s19], [sflag:$0x1] =	stream.indirect_vreg.gather [hbm4b:s4+s2], $0x80, v3, vm0, $0xb8;
	[tilespmem:$0x10100] =	vst v63  }
0x3c: {  	_ = 	snop  }
0x3d: {  	[tilespmem:s20], [sflag:$0x1] =	stream.indirect_vreg.gather [hbm4b:s5+s2], $0x80, v3, vm0, $0xb8;
	[tilespmem:$0x10100] =	vst v63  }
0x3e: {  	_ = 	snop  }
0x3f: {  	[tilespmem:s21], [sflag:$0x1] =	stream.indirect_vreg.gather [hbm4b:s6+s2], $0x80, v3, vm0, $0xb8;
	[tilespmem:$0x10100] =	vst v63  }
0x40: {  	_ = 	snop  }
0x41: {  	[tilespmem:s22], [sflag:$0x1] =	stream.indirect_vreg.gather [hbm4b:s7+s2], $0x80, v3, vm0, $0xb8;
	[tilespmem:$0x10100] =	vst v63  }
0x42: {  	_ = 	snop  }
0x43: {  	[tilespmem:s23], [sflag:$0x1] =	stream.indirect_vreg.gather [hbm4b:s8+s2], $0x80, v3, vm0, $0xb8;
	[tilespmem:$0x10100] =	vst v63  }
0x44: {  	_ = 	snop  }
0x45: {  	[tilespmem:s24], [sflag:$0x1] =	stream.indirect_vreg.gather [hbm4b:s9+s2], $0x80, v3, vm0, $0xb8;
	[tilespmem:$0x10100] =	vst v63  }
0x46: {  	_ = 	snop  }
0x47: {  	[tilespmem:s25], [sflag:$0x1] =	stream.indirect_vreg.gather [hbm4b:s10+s2], $0x80, v3, vm0, $0xb8;
	[tilespmem:$0x10100] =	vst v63  }
0x48: {  	v3 =	vld [tilespmem:$0x80];
	_ =	sdelay $0x4  }
0x49: {  	v57 =	vshll.u32 v3, $0x4  }
0x4a: {  	v3 =	vand.u32 $0x7, v3;
	v4 =	vand.u32 $0xFFFFFF80, v57  }
0x4b: {  	v3 =	vor.u32 v3, v4  }
0x4c: {  	v4 =	vperm.xlane v3, v0;
	_ =	sdelay $0x1  }
0x4d: {  	v4 =	vadd.s32 v1, v4;
	_ =	sdelay $0x4  }
0x4e: {  	[tilespmem:s30], [sflag:$0x2] =	stream.indirect_vreg.gather [hbm4b:s3+s2], $0x80, v4, vm0, $0xb8;
	[tilespmem:$0x10100] =	vst v63  }
0x4f: {  	s29 =	simm.s32 $0x8900  }
0x50: {  	[tilespmem:s29], [sflag:$0x2] =	stream.indirect_vreg.gather [hbm4b:s4+s2], $0x80, v4, vm0, $0xb8;
	[tilespmem:$0x10100] =	vst v63  }
0x51: {  	s29 =	simm.s32 $0x9100  }
0x52: {  	[tilespmem:s29], [sflag:$0x2] =	stream.indirect_vreg.gather [hbm4b:s5+s2], $0x80, v4, vm0, $0xb8;
	[tilespmem:$0x10100] =	vst v63  }
0x53: {  	s29 =	simm.s32 $0x9900  }
0x54: {  	[tilespmem:s29], [sflag:$0x2] =	stream.indirect_vreg.gather [hbm4b:s6+s2], $0x80, v4, vm0, $0xb8;
	[tilespmem:$0x10100] =	vst v63  }
0x55: {  	s29 =	simm.s32 $0xA100  }
0x56: {  	[tilespmem:s29], [sflag:$0x2] =	stream.indirect_vreg.gather [hbm4b:s7+s2], $0x80, v4, vm0, $0xb8;
	[tilespmem:$0x10100] =	vst v63  }
0x57: {  	v3 =	vperm.xlane v3, v2;
	s29 =	simm.s32 $0xA900  }
0x58: {  	[tilespmem:s29], [sflag:$0x2] =	stream.indirect_vreg.gather [hbm4b:s8+s2], $0x80, v4, vm0, $0xb8;
	[tilespmem:$0x10100] =	vst v63  }
0x59: {  	v3 =	vadd.s32 v1, v3;
	s29 =	simm.s32 $0xB100  }
0x5a: {  	[tilespmem:s29], [sflag:$0x2] =	stream.indirect_vreg.gather [hbm4b:s9+s2], $0x80, v4, vm0, $0xb8;
	[tilespmem:$0x10100] =	vst v63  }
0x5b: {  	s29 =	simm.s32 $0xB900  }
0x5c: {  	[tilespmem:s29], [sflag:$0x2] =	stream.indirect_vreg.gather [hbm4b:s10+s2], $0x80, v4, vm0, $0xb8;
	[tilespmem:$0x10100] =	vst v63  }
0x5d: {  	s29 =	simm.s32 $0xC100  }
0x5e: {  	[tilespmem:s29], [sflag:$0x2] =	stream.indirect_vreg.gather [hbm4b:s3+s2], $0x80, v3, vm0, $0xb8;
	[tilespmem:$0x10100] =	vst v63  }
0x5f: {  	s29 =	simm.s32 $0xC900  }
0x60: {  	[tilespmem:s29], [sflag:$0x2] =	stream.indirect_vreg.gather [hbm4b:s4+s2], $0x80, v3, vm0, $0xb8;
	[tilespmem:$0x10100] =	vst v63  }
0x61: {  	s29 =	simm.s32 $0xD100  }
0x62: {  	[tilespmem:s29], [sflag:$0x2] =	stream.indirect_vreg.gather [hbm4b:s5+s2], $0x80, v3, vm0, $0xb8;
	[tilespmem:$0x10100] =	vst v63  }
0x63: {  	s29 =	simm.s32 $0xD900  }
0x64: {  	[tilespmem:s29], [sflag:$0x2] =	stream.indirect_vreg.gather [hbm4b:s6+s2], $0x80, v3, vm0, $0xb8;
	[tilespmem:$0x10100] =	vst v63  }
0x65: {  	s29 =	simm.s32 $0xE100  }
0x66: {  	[tilespmem:s29], [sflag:$0x2] =	stream.indirect_vreg.gather [hbm4b:s7+s2], $0x80, v3, vm0, $0xb8;
	[tilespmem:$0x10100] =	vst v63  }
0x67: {  	s29 =	simm.s32 $0xE900  }
0x68: {  	[tilespmem:s29], [sflag:$0x2] =	stream.indirect_vreg.gather [hbm4b:s8+s2], $0x80, v3, vm0, $0xb8;
	[tilespmem:$0x10100] =	vst v63  }
0x69: {  	s29 =	simm.s32 $0xF100  }
0x6a: {  	[tilespmem:s29], [sflag:$0x2] =	stream.indirect_vreg.gather [hbm4b:s9+s2], $0x80, v3, vm0, $0xb8;
	[tilespmem:$0x10100] =	vst v63  }
0x6b: {  	s29 =	simm.s32 $0xF900  }
0x6c: {  	[tilespmem:s29], [sflag:$0x2] =	stream.indirect_vreg.gather [hbm4b:s10+s2], $0x80, v3, vm0, $0xb8;
	[tilespmem:$0x10100] =	vst v63  }
0x6d: {  	_ =	swait.ge [sflag:s26], $0x8000  }
0x6e: {  	[sflag:s26] =	ssyncset.done $0x0  }
0x6f: {  	s29 =	rddreg [dreg:$0x5];
	[sflag:s26] =	ssyncadd.s32 $0xFFFF8000  }
0x70: {  	[hbm4b:s29+s2] =	stream.linear.scatter [tilespmem:s13], [sflag:$0x3], $0x8000, $0x38;
	[tilespmem:$0x10100] =	vst v63  }
0x71: {  	_ =	swait.ge [sflag:s12], $0x8000  }
0x72: {  	[sflag:s12] =	ssyncset.done $0x0  }
0x73: {  	[sflag:s12] =	ssyncadd.s32 $0xFFFF8000  }
0x74: {  	v3 =	vld [tilespmem:$0x10];
	_ =	sdelay $0x4  }
0x75: {  	v58 =	vshll.u32 v3, $0x4  }
0x76: {  	v3 =	vand.u32 $0x7, v3;
	v4 =	vand.u32 $0xFFFFFF80, v58  }
0x77: {  	v3 =	vor.u32 v3, v4  }
0x78: {  	v4 =	vperm.xlane v3, v0;
	_ =	sdelay $0x1  }
0x79: {  	v4 =	vadd.s32 v1, v4;
	_ =	sdelay $0x4  }
0x7a: {  	[tilespmem:s13], [sflag:$0x1] =	stream.indirect_vreg.gather [hbm4b:s3+s2], $0x80, v4, vm0, $0xb8;
	[tilespmem:$0x10100] =	vst v63  }
0x7b: {  	_ = 	snop  }
0x7c: {  	[tilespmem:s31], [sflag:$0x1] =	stream.indirect_vreg.gather [hbm4b:s4+s2], $0x80, v4, vm0, $0xb8;
	[tilespmem:$0x10100] =	vst v63  }
0x7d: {  	_ = 	snop  }
0x7e: {  	[tilespmem:s0], [sflag:$0x1] =	stream.indirect_vreg.gather [hbm4b:s5+s2], $0x80, v4, vm0, $0xb8;
	[tilespmem:$0x10100] =	vst v63  }
0x7f: {  	_ = 	snop  }
0x80: {  	[tilespmem:s1], [sflag:$0x1] =	stream.indirect_vreg.gather [hbm4b:s6+s2], $0x80, v4, vm0, $0xb8;
	[tilespmem:$0x10100] =	vst v63  }
0x81: {  	_ = 	snop  }
0x82: {  	[tilespmem:s14], [sflag:$0x1] =	stream.indirect_vreg.gather [hbm4b:s7+s2], $0x80, v4, vm0, $0xb8;
	[tilespmem:$0x10100] =	vst v63  }
0x83: {  	v3 =	vperm.xlane v3, v2  }
0x84: {  	[tilespmem:s15], [sflag:$0x1] =	stream.indirect_vreg.gather [hbm4b:s8+s2], $0x80, v4, vm0, $0xb8;
	[tilespmem:$0x10100] =	vst v63  }
0x85: {  	v3 =	vadd.s32 v1, v3  }
0x86: {  	[tilespmem:s16], [sflag:$0x1] =	stream.indirect_vreg.gather [hbm4b:s9+s2], $0x80, v4, vm0, $0xb8;
	[tilespmem:$0x10100] =	vst v63  }
0x87: {  	_ = 	snop  }
0x88: {  	[tilespmem:s17], [sflag:$0x1] =	stream.indirect_vreg.gather [hbm4b:s10+s2], $0x80, v4, vm0, $0xb8;
	[tilespmem:$0x10100] =	vst v63  }
0x89: {  	_ = 	snop  }
0x8a: {  	[tilespmem:s18], [sflag:$0x1] =	stream.indirect_vreg.gather [hbm4b:s3+s2], $0x80, v3, vm0, $0xb8;
	[tilespmem:$0x10100] =	vst v63  }
0x8b: {  	_ = 	snop  }
0x8c: {  	[tilespmem:s19], [sflag:$0x1] =	stream.indirect_vreg.gather [hbm4b:s4+s2], $0x80, v3, vm0, $0xb8;
	[tilespmem:$0x10100] =	vst v63  }
0x8d: {  	_ = 	snop  }
0x8e: {  	[tilespmem:s20], [sflag:$0x1] =	stream.indirect_vreg.gather [hbm4b:s5+s2], $0x80, v3, vm0, $0xb8;
	[tilespmem:$0x10100] =	vst v63  }
0x8f: {  	_ = 	snop  }
0x90: {  	[tilespmem:s21], [sflag:$0x1] =	stream.indirect_vreg.gather [hbm4b:s6+s2], $0x80, v3, vm0, $0xb8;
	[tilespmem:$0x10100] =	vst v63  }
0x91: {  	_ = 	snop  }
0x92: {  	[tilespmem:s22], [sflag:$0x1] =	stream.indirect_vreg.gather [hbm4b:s7+s2], $0x80, v3, vm0, $0xb8;
	[tilespmem:$0x10100] =	vst v63  }
0x93: {  	_ = 	snop  }
0x94: {  	[tilespmem:s23], [sflag:$0x1] =	stream.indirect_vreg.gather [hbm4b:s8+s2], $0x80, v3, vm0, $0xb8;
	[tilespmem:$0x10100] =	vst v63  }
0x95: {  	_ = 	snop  }
0x96: {  	[tilespmem:s24], [sflag:$0x1] =	stream.indirect_vreg.gather [hbm4b:s9+s2], $0x80, v3, vm0, $0xb8;
	[tilespmem:$0x10100] =	vst v63  }
0x97: {  	_ = 	snop  }
0x98: {  	[tilespmem:s25], [sflag:$0x1] =	stream.indirect_vreg.gather [hbm4b:s10+s2], $0x80, v3, vm0, $0xb8;
	[tilespmem:$0x10100] =	vst v63  }
0x99: {  	_ =	swait.ge [sflag:s28], $0x8000  }
0x9a: {  	[sflag:s28] =	ssyncset.done $0x0  }
0x9b: {  	s29 =	rddreg [dreg:$0x6];
	[sflag:s28] =	ssyncadd.s32 $0xFFFF8000  }
0x9c: {  	[hbm4b:s29+s2] =	stream.linear.scatter [tilespmem:s30], [sflag:$0x3], $0x8000, $0x38;
	[tilespmem:$0x10100] =	vst v63  }
0x9d: {  	_ =	swait.ge [sflag:s12], $0x8000  }
0x9e: {  	[sflag:s12] =	ssyncset.done $0x0  }
0x9f: {  	[sflag:s12] =	ssyncadd.s32 $0xFFFF8000  }
0xa0: {  	v3 =	vld [tilespmem:$0x90];
	_ =	sdelay $0x4  }
0xa1: {  	v59 =	vshll.u32 v3, $0x4  }
0xa2: {  	v3 =	vand.u32 $0x7, v3;
	v4 =	vand.u32 $0xFFFFFF80, v59  }
0xa3: {  	v3 =	vor.u32 v3, v4  }
0xa4: {  	v4 =	vperm.xlane v3, v0;
	_ =	sdelay $0x1  }
0xa5: {  	v4 =	vadd.s32 v1, v4;
	_ =	sdelay $0x4  }
0xa6: {  	[tilespmem:s30], [sflag:$0x2] =	stream.indirect_vreg.gather [hbm4b:s3+s2], $0x80, v4, vm0, $0xb8;
	[tilespmem:$0x10100] =	vst v63  }
0xa7: {  	s29 =	simm.s32 $0x8900  }
0xa8: {  	[tilespmem:s29], [sflag:$0x2] =	stream.indirect_vreg.gather [hbm4b:s4+s2], $0x80, v4, vm0, $0xb8;
	[tilespmem:$0x10100] =	vst v63  }
0xa9: {  	s29 =	simm.s32 $0x9100  }
0xaa: {  	[tilespmem:s29], [sflag:$0x2] =	stream.indirect_vreg.gather [hbm4b:s5+s2], $0x80, v4, vm0, $0xb8;
	[tilespmem:$0x10100] =	vst v63  }
0xab: {  	s29 =	simm.s32 $0x9900  }
0xac: {  	[tilespmem:s29], [sflag:$0x2] =	stream.indirect_vreg.gather [hbm4b:s6+s2], $0x80, v4, vm0, $0xb8;
	[tilespmem:$0x10100] =	vst v63  }
0xad: {  	s29 =	simm.s32 $0xA100  }
0xae: {  	[tilespmem:s29], [sflag:$0x2] =	stream.indirect_vreg.gather [hbm4b:s7+s2], $0x80, v4, vm0, $0xb8;
	[tilespmem:$0x10100] =	vst v63  }
0xaf: {  	v3 =	vperm.xlane v3, v2;
	s29 =	simm.s32 $0xA900  }
0xb0: {  	[tilespmem:s29], [sflag:$0x2] =	stream.indirect_vreg.gather [hbm4b:s8+s2], $0x80, v4, vm0, $0xb8;
	[tilespmem:$0x10100] =	vst v63  }
0xb1: {  	v3 =	vadd.s32 v1, v3;
	s29 =	simm.s32 $0xB100  }
0xb2: {  	[tilespmem:s29], [sflag:$0x2] =	stream.indirect_vreg.gather [hbm4b:s9+s2], $0x80, v4, vm0, $0xb8;
	[tilespmem:$0x10100] =	vst v63  }
0xb3: {  	s29 =	simm.s32 $0xB900  }
0xb4: {  	[tilespmem:s29], [sflag:$0x2] =	stream.indirect_vreg.gather [hbm4b:s10+s2], $0x80, v4, vm0, $0xb8;
	[tilespmem:$0x10100] =	vst v63  }
0xb5: {  	s29 =	simm.s32 $0xC100  }
0xb6: {  	[tilespmem:s29], [sflag:$0x2] =	stream.indirect_vreg.gather [hbm4b:s3+s2], $0x80, v3, vm0, $0xb8;
	[tilespmem:$0x10100] =	vst v63  }
0xb7: {  	s29 =	simm.s32 $0xC900  }
0xb8: {  	[tilespmem:s29], [sflag:$0x2] =	stream.indirect_vreg.gather [hbm4b:s4+s2], $0x80, v3, vm0, $0xb8;
	[tilespmem:$0x10100] =	vst v63  }
0xb9: {  	s29 =	simm.s32 $0xD100  }
0xba: {  	[tilespmem:s29], [sflag:$0x2] =	stream.indirect_vreg.gather [hbm4b:s5+s2], $0x80, v3, vm0, $0xb8;
	[tilespmem:$0x10100] =	vst v63  }
0xbb: {  	s29 =	simm.s32 $0xD900  }
0xbc: {  	[tilespmem:s29], [sflag:$0x2] =	stream.indirect_vreg.gather [hbm4b:s6+s2], $0x80, v3, vm0, $0xb8;
	[tilespmem:$0x10100] =	vst v63  }
0xbd: {  	s29 =	simm.s32 $0xE100  }
0xbe: {  	[tilespmem:s29], [sflag:$0x2] =	stream.indirect_vreg.gather [hbm4b:s7+s2], $0x80, v3, vm0, $0xb8;
	[tilespmem:$0x10100] =	vst v63  }
0xbf: {  	s29 =	simm.s32 $0xE900  }
0xc0: {  	[tilespmem:s29], [sflag:$0x2] =	stream.indirect_vreg.gather [hbm4b:s8+s2], $0x80, v3, vm0, $0xb8;
	[tilespmem:$0x10100] =	vst v63  }
0xc1: {  	s29 =	simm.s32 $0xF100  }
0xc2: {  	[tilespmem:s29], [sflag:$0x2] =	stream.indirect_vreg.gather [hbm4b:s9+s2], $0x80, v3, vm0, $0xb8;
	[tilespmem:$0x10100] =	vst v63  }
0xc3: {  	s29 =	simm.s32 $0xF900  }
0xc4: {  	[tilespmem:s29], [sflag:$0x2] =	stream.indirect_vreg.gather [hbm4b:s10+s2], $0x80, v3, vm0, $0xb8;
	[tilespmem:$0x10100] =	vst v63  }
0xc5: {  	_ =	swait.ge [sflag:s26], $0x8000  }
0xc6: {  	[sflag:s26] =	ssyncset.done $0x0  }
0xc7: {  	s29 =	rddreg [dreg:$0x7];
	[sflag:s26] =	ssyncadd.s32 $0xFFFF8000  }
0xc8: {  	[hbm4b:s29+s2] =	stream.linear.scatter [tilespmem:s13], [sflag:$0x3], $0x8000, $0x38;
	[tilespmem:$0x10100] =	vst v63  }
0xc9: {  	_ =	swait.ge [sflag:s12], $0x8000  }
0xca: {  	[sflag:s12] =	ssyncset.done $0x0  }
0xcb: {  	[sflag:s12] =	ssyncadd.s32 $0xFFFF8000  }
0xcc: {  	v3 =	vld [tilespmem:$0x20];
	_ =	sdelay $0x4  }
0xcd: {  	v60 =	vshll.u32 v3, $0x4  }
0xce: {  	v3 =	vand.u32 $0x7, v3;
	v4 =	vand.u32 $0xFFFFFF80, v60  }
0xcf: {  	v3 =	vor.u32 v3, v4  }
0xd0: {  	v4 =	vperm.xlane v3, v0;
	_ =	sdelay $0x1  }
0xd1: {  	v4 =	vadd.s32 v1, v4;
	_ =	sdelay $0x4  }
0xd2: {  	[tilespmem:s13], [sflag:$0x1] =	stream.indirect_vreg.gather [hbm4b:s3+s2], $0x80, v4, vm0, $0xb8;
	[tilespmem:$0x10100] =	vst v63  }
0xd3: {  	_ = 	snop  }
0xd4: {  	[tilespmem:s31], [sflag:$0x1] =	stream.indirect_vreg.gather [hbm4b:s4+s2], $0x80, v4, vm0, $0xb8;
	[tilespmem:$0x10100] =	vst v63  }
0xd5: {  	_ = 	snop  }
0xd6: {  	[tilespmem:s0], [sflag:$0x1] =	stream.indirect_vreg.gather [hbm4b:s5+s2], $0x80, v4, vm0, $0xb8;
	[tilespmem:$0x10100] =	vst v63  }
0xd7: {  	_ = 	snop  }
0xd8: {  	[tilespmem:s1], [sflag:$0x1] =	stream.indirect_vreg.gather [hbm4b:s6+s2], $0x80, v4, vm0, $0xb8;
	[tilespmem:$0x10100] =	vst v63  }
0xd9: {  	_ = 	snop  }
0xda: {  	[tilespmem:s14], [sflag:$0x1] =	stream.indirect_vreg.gather [hbm4b:s7+s2], $0x80, v4, vm0, $0xb8;
	[tilespmem:$0x10100] =	vst v63  }
0xdb: {  	v3 =	vperm.xlane v3, v2  }
0xdc: {  	[tilespmem:s15], [sflag:$0x1] =	stream.indirect_vreg.gather [hbm4b:s8+s2], $0x80, v4, vm0, $0xb8;
	[tilespmem:$0x10100] =	vst v63  }
0xdd: {  	v3 =	vadd.s32 v1, v3  }
0xde: {  	[tilespmem:s16], [sflag:$0x1] =	stream.indirect_vreg.gather [hbm4b:s9+s2], $0x80, v4, vm0, $0xb8;
	[tilespmem:$0x10100] =	vst v63  }
0xdf: {  	_ = 	snop  }
0xe0: {  	[tilespmem:s17], [sflag:$0x1] =	stream.indirect_vreg.gather [hbm4b:s10+s2], $0x80, v4, vm0, $0xb8;
	[tilespmem:$0x10100] =	vst v63  }
0xe1: {  	_ = 	snop  }
0xe2: {  	[tilespmem:s18], [sflag:$0x1] =	stream.indirect_vreg.gather [hbm4b:s3+s2], $0x80, v3, vm0, $0xb8;
	[tilespmem:$0x10100] =	vst v63  }
0xe3: {  	_ = 	snop  }
0xe4: {  	[tilespmem:s19], [sflag:$0x1] =	stream.indirect_vreg.gather [hbm4b:s4+s2], $0x80, v3, vm0, $0xb8;
	[tilespmem:$0x10100] =	vst v63  }
0xe5: {  	_ = 	snop  }
0xe6: {  	[tilespmem:s20], [sflag:$0x1] =	stream.indirect_vreg.gather [hbm4b:s5+s2], $0x80, v3, vm0, $0xb8;
	[tilespmem:$0x10100] =	vst v63  }
0xe7: {  	_ = 	snop  }
0xe8: {  	[tilespmem:s21], [sflag:$0x1] =	stream.indirect_vreg.gather [hbm4b:s6+s2], $0x80, v3, vm0, $0xb8;
	[tilespmem:$0x10100] =	vst v63  }
0xe9: {  	_ = 	snop  }
0xea: {  	[tilespmem:s22], [sflag:$0x1] =	stream.indirect_vreg.gather [hbm4b:s7+s2], $0x80, v3, vm0, $0xb8;
	[tilespmem:$0x10100] =	vst v63  }
0xeb: {  	_ = 	snop  }
0xec: {  	[tilespmem:s23], [sflag:$0x1] =	stream.indirect_vreg.gather [hbm4b:s8+s2], $0x80, v3, vm0, $0xb8;
	[tilespmem:$0x10100] =	vst v63  }
0xed: {  	_ = 	snop  }
0xee: {  	[tilespmem:s24], [sflag:$0x1] =	stream.indirect_vreg.gather [hbm4b:s9+s2], $0x80, v3, vm0, $0xb8;
	[tilespmem:$0x10100] =	vst v63  }
0xef: {  	_ = 	snop  }
0xf0: {  	[tilespmem:s25], [sflag:$0x1] =	stream.indirect_vreg.gather [hbm4b:s10+s2], $0x80, v3, vm0, $0xb8;
	[tilespmem:$0x10100] =	vst v63  }
0xf1: {  	_ =	swait.ge [sflag:s28], $0x8000  }
0xf2: {  	[sflag:s28] =	ssyncset.done $0x0  }
0xf3: {  	s29 =	rddreg [dreg:$0x8];
	[sflag:s28] =	ssyncadd.s32 $0xFFFF8000  }
0xf4: {  	[hbm4b:s29+s2] =	stream.linear.scatter [tilespmem:s30], [sflag:$0x3], $0x8000, $0x38;
	[tilespmem:$0x10100] =	vst v63  }
0xf5: {  	_ =	swait.ge [sflag:s12], $0x8000  }
0xf6: {  	[sflag:s12] =	ssyncset.done $0x0  }
0xf7: {  	[sflag:s12] =	ssyncadd.s32 $0xFFFF8000  }
0xf8: {  	v3 =	vld [tilespmem:$0xA0];
	_ =	sdelay $0x4  }
0xf9: {  	v61 =	vshll.u32 v3, $0x4  }
0xfa: {  	v3 =	vand.u32 $0x7, v3;
	v4 =	vand.u32 $0xFFFFFF80, v61  }
0xfb: {  	v3 =	vor.u32 v3, v4  }
0xfc: {  	v4 =	vperm.xlane v3, v0;
	_ =	sdelay $0x1  }
0xfd: {  	v4 =	vadd.s32 v1, v4;
	_ =	sdelay $0x4  }
0xfe: {  	[tilespmem:s30], [sflag:$0x2] =	stream.indirect_vreg.gather [hbm4b:s3+s2], $0x80, v4, vm0, $0xb8;
	[tilespmem:$0x10100] =	vst v63  }
0xff: {  	s29 =	simm.s32 $0x8900  }
0x100: {  	[tilespmem:s29], [sflag:$0x2] =	stream.indirect_vreg.gather [hbm4b:s4+s2], $0x80, v4, vm0, $0xb8;
	[tilespmem:$0x10100] =	vst v63  }
0x101: {  	s29 =	simm.s32 $0x9100  }
0x102: {  	[tilespmem:s29], [sflag:$0x2] =	stream.indirect_vreg.gather [hbm4b:s5+s2], $0x80, v4, vm0, $0xb8;
	[tilespmem:$0x10100] =	vst v63  }
0x103: {  	s29 =	simm.s32 $0x9900  }
0x104: {  	[tilespmem:s29], [sflag:$0x2] =	stream.indirect_vreg.gather [hbm4b:s6+s2], $0x80, v4, vm0, $0xb8;
	[tilespmem:$0x10100] =	vst v63  }
0x105: {  	s29 =	simm.s32 $0xA100  }
0x106: {  	[tilespmem:s29], [sflag:$0x2] =	stream.indirect_vreg.gather [hbm4b:s7+s2], $0x80, v4, vm0, $0xb8;
	[tilespmem:$0x10100] =	vst v63  }
0x107: {  	v3 =	vperm.xlane v3, v2;
	s29 =	simm.s32 $0xA900  }
0x108: {  	[tilespmem:s29], [sflag:$0x2] =	stream.indirect_vreg.gather [hbm4b:s8+s2], $0x80, v4, vm0, $0xb8;
	[tilespmem:$0x10100] =	vst v63  }
0x109: {  	v3 =	vadd.s32 v1, v3;
	s29 =	simm.s32 $0xB100  }
0x10a: {  	[tilespmem:s29], [sflag:$0x2] =	stream.indirect_vreg.gather [hbm4b:s9+s2], $0x80, v4, vm0, $0xb8;
	[tilespmem:$0x10100] =	vst v63  }
0x10b: {  	s29 =	simm.s32 $0xB900  }
0x10c: {  	[tilespmem:s29], [sflag:$0x2] =	stream.indirect_vreg.gather [hbm4b:s10+s2], $0x80, v4, vm0, $0xb8;
	[tilespmem:$0x10100] =	vst v63  }
0x10d: {  	s29 =	simm.s32 $0xC100  }
0x10e: {  	[tilespmem:s29], [sflag:$0x2] =	stream.indirect_vreg.gather [hbm4b:s3+s2], $0x80, v3, vm0, $0xb8;
	[tilespmem:$0x10100] =	vst v63  }
0x10f: {  	s29 =	simm.s32 $0xC900  }
0x110: {  	[tilespmem:s29], [sflag:$0x2] =	stream.indirect_vreg.gather [hbm4b:s4+s2], $0x80, v3, vm0, $0xb8;
	[tilespmem:$0x10100] =	vst v63  }
0x111: {  	s29 =	simm.s32 $0xD100  }
0x112: {  	[tilespmem:s29], [sflag:$0x2] =	stream.indirect_vreg.gather [hbm4b:s5+s2], $0x80, v3, vm0, $0xb8;
	[tilespmem:$0x10100] =	vst v63  }
0x113: {  	s29 =	simm.s32 $0xD900  }
0x114: {  	[tilespmem:s29], [sflag:$0x2] =	stream.indirect_vreg.gather [hbm4b:s6+s2], $0x80, v3, vm0, $0xb8;
	[tilespmem:$0x10100] =	vst v63  }
0x115: {  	s29 =	simm.s32 $0xE100  }
0x116: {  	[tilespmem:s29], [sflag:$0x2] =	stream.indirect_vreg.gather [hbm4b:s7+s2], $0x80, v3, vm0, $0xb8;
	[tilespmem:$0x10100] =	vst v63  }
0x117: {  	s29 =	simm.s32 $0xE900  }
0x118: {  	[tilespmem:s29], [sflag:$0x2] =	stream.indirect_vreg.gather [hbm4b:s8+s2], $0x80, v3, vm0, $0xb8;
	[tilespmem:$0x10100] =	vst v63  }
0x119: {  	s29 =	simm.s32 $0xF100  }
0x11a: {  	[tilespmem:s29], [sflag:$0x2] =	stream.indirect_vreg.gather [hbm4b:s9+s2], $0x80, v3, vm0, $0xb8;
	[tilespmem:$0x10100] =	vst v63  }
0x11b: {  	s29 =	simm.s32 $0xF900  }
0x11c: {  	[tilespmem:s29], [sflag:$0x2] =	stream.indirect_vreg.gather [hbm4b:s10+s2], $0x80, v3, vm0, $0xb8;
	[tilespmem:$0x10100] =	vst v63  }
0x11d: {  	_ =	swait.ge [sflag:s26], $0x8000  }
0x11e: {  	[sflag:s26] =	ssyncset.done $0x0  }
0x11f: {  	s29 =	rddreg [dreg:$0x9];
	[sflag:s26] =	ssyncadd.s32 $0xFFFF8000  }
0x120: {  	[hbm4b:s29+s2] =	stream.linear.scatter [tilespmem:s13], [sflag:$0x3], $0x8000, $0x38;
	[tilespmem:$0x10100] =	vst v63  }
0x121: {  	_ =	swait.ge [sflag:s12], $0x8000  }
0x122: {  	[sflag:s12] =	ssyncset.done $0x0  }
0x123: {  	[sflag:s12] =	ssyncadd.s32 $0xFFFF8000  }
0x124: {  	v3 =	vld [tilespmem:$0x30];
	_ =	sdelay $0x4  }
0x125: {  	v62 =	vshll.u32 v3, $0x4  }
0x126: {  	v3 =	vand.u32 $0x7, v3;
	v4 =	vand.u32 $0xFFFFFF80, v62  }
0x127: {  	v3 =	vor.u32 v3, v4  }
0x128: {  	v4 =	vperm.xlane v3, v0;
	_ =	sdelay $0x1  }
0x129: {  	v4 =	vadd.s32 v1, v4;
	_ =	sdelay $0x4  }
0x12a: {  	[tilespmem:s13], [sflag:$0x1] =	stream.indirect_vreg.gather [hbm4b:s3+s2], $0x80, v4, vm0, $0xb8;
	[tilespmem:$0x10100] =	vst v63  }
0x12b: {  	_ = 	snop  }
0x12c: {  	[tilespmem:s31], [sflag:$0x1] =	stream.indirect_vreg.gather [hbm4b:s4+s2], $0x80, v4, vm0, $0xb8;
	[tilespmem:$0x10100] =	vst v63  }
0x12d: {  	_ = 	snop  }
0x12e: {  	[tilespmem:s0], [sflag:$0x1] =	stream.indirect_vreg.gather [hbm4b:s5+s2], $0x80, v4, vm0, $0xb8;
	[tilespmem:$0x10100] =	vst v63  }
0x12f: {  	_ = 	snop  }
0x130: {  	[tilespmem:s1], [sflag:$0x1] =	stream.indirect_vreg.gather [hbm4b:s6+s2], $0x80, v4, vm0, $0xb8;
	[tilespmem:$0x10100] =	vst v63  }
0x131: {  	_ = 	snop  }
0x132: {  	[tilespmem:s14], [sflag:$0x1] =	stream.indirect_vreg.gather [hbm4b:s7+s2], $0x80, v4, vm0, $0xb8;
	[tilespmem:$0x10100] =	vst v63  }
0x133: {  	v3 =	vperm.xlane v3, v2  }
0x134: {  	[tilespmem:s15], [sflag:$0x1] =	stream.indirect_vreg.gather [hbm4b:s8+s2], $0x80, v4, vm0, $0xb8;
	[tilespmem:$0x10100] =	vst v63  }
0x135: {  	v3 =	vadd.s32 v1, v3  }
0x136: {  	[tilespmem:s16], [sflag:$0x1] =	stream.indirect_vreg.gather [hbm4b:s9+s2], $0x80, v4, vm0, $0xb8;
	[tilespmem:$0x10100] =	vst v63  }
0x137: {  	_ = 	snop  }
0x138: {  	[tilespmem:s17], [sflag:$0x1] =	stream.indirect_vreg.gather [hbm4b:s10+s2], $0x80, v4, vm0, $0xb8;
	[tilespmem:$0x10100] =	vst v63  }
0x139: {  	_ = 	snop  }
0x13a: {  	[tilespmem:s18], [sflag:$0x1] =	stream.indirect_vreg.gather [hbm4b:s3+s2], $0x80, v3, vm0, $0xb8;
	[tilespmem:$0x10100] =	vst v63  }
0x13b: {  	_ = 	snop  }
0x13c: {  	[tilespmem:s19], [sflag:$0x1] =	stream.indirect_vreg.gather [hbm4b:s4+s2], $0x80, v3, vm0, $0xb8;
	[tilespmem:$0x10100] =	vst v63  }
0x13d: {  	_ = 	snop  }
0x13e: {  	[tilespmem:s20], [sflag:$0x1] =	stream.indirect_vreg.gather [hbm4b:s5+s2], $0x80, v3, vm0, $0xb8;
	[tilespmem:$0x10100] =	vst v63  }
0x13f: {  	_ = 	snop  }
0x140: {  	[tilespmem:s21], [sflag:$0x1] =	stream.indirect_vreg.gather [hbm4b:s6+s2], $0x80, v3, vm0, $0xb8;
	[tilespmem:$0x10100] =	vst v63  }
0x141: {  	_ = 	snop  }
0x142: {  	[tilespmem:s22], [sflag:$0x1] =	stream.indirect_vreg.gather [hbm4b:s7+s2], $0x80, v3, vm0, $0xb8;
	[tilespmem:$0x10100] =	vst v63  }
0x143: {  	_ = 	snop  }
0x144: {  	[tilespmem:s23], [sflag:$0x1] =	stream.indirect_vreg.gather [hbm4b:s8+s2], $0x80, v3, vm0, $0xb8;
	[tilespmem:$0x10100] =	vst v63  }
0x145: {  	_ = 	snop  }
0x146: {  	[tilespmem:s24], [sflag:$0x1] =	stream.indirect_vreg.gather [hbm4b:s9+s2], $0x80, v3, vm0, $0xb8;
	[tilespmem:$0x10100] =	vst v63  }
0x147: {  	_ = 	snop  }
0x148: {  	[tilespmem:s25], [sflag:$0x1] =	stream.indirect_vreg.gather [hbm4b:s10+s2], $0x80, v3, vm0, $0xb8;
	[tilespmem:$0x10100] =	vst v63  }
0x149: {  	_ =	swait.ge [sflag:s28], $0x8000  }
0x14a: {  	[sflag:s28] =	ssyncset.done $0x0  }
0x14b: {  	s0 =	rddreg [dreg:$0xa];
	[sflag:s28] =	ssyncadd.s32 $0xFFFF8000  }
0x14c: {  	[hbm4b:s0+s2] =	stream.linear.scatter [tilespmem:s30], [sflag:$0x3], $0x8000, $0x38;
	[tilespmem:$0x10100] =	vst v63  }
0x14d: {  	_ =	swait.ge [sflag:s12], $0x8000  }
0x14e: {  	[sflag:s12] =	ssyncset.done $0x0  }
0x14f: {  	[sflag:s12] =	ssyncadd.s32 $0xFFFF8000  }
0x150: {  	v3 =	vld [tilespmem:$0xB0];
	_ =	sdelay $0x4  }
0x151: {  	v63 =	vshll.u32 v3, $0x4  }
0x152: {  	v3 =	vand.u32 $0x7, v3;
	v4 =	vand.u32 $0xFFFFFF80, v63  }
0x153: {  	v3 =	vor.u32 v3, v4  }
0x154: {  	v4 =	vperm.xlane v3, v0;
	_ =	sdelay $0x1  }
0x155: {  	v4 =	vadd.s32 v1, v4;
	_ =	sdelay $0x4  }
0x156: {  	[tilespmem:s30], [sflag:$0x2] =	stream.indirect_vreg.gather [hbm4b:s3+s2], $0x80, v4, vm0, $0xb8;
	[tilespmem:$0x10100] =	vst v63  }
0x157: {  	s31 =	simm.s32 $0x8900  }
0x158: {  	[tilespmem:s31], [sflag:$0x2] =	stream.indirect_vreg.gather [hbm4b:s4+s2], $0x80, v4, vm0, $0xb8;
	[tilespmem:$0x10100] =	vst v63  }
0x159: {  	s29 =	simm.s32 $0x9100  }
0x15a: {  	[tilespmem:s29], [sflag:$0x2] =	stream.indirect_vreg.gather [hbm4b:s5+s2], $0x80, v4, vm0, $0xb8;
	[tilespmem:$0x10100] =	vst v63  }
0x15b: {  	s31 =	simm.s32 $0x9900  }
0x15c: {  	[tilespmem:s31], [sflag:$0x2] =	stream.indirect_vreg.gather [hbm4b:s6+s2], $0x80, v4, vm0, $0xb8;
	[tilespmem:$0x10100] =	vst v63  }
0x15d: {  	s29 =	simm.s32 $0xA100  }
0x15e: {  	[tilespmem:s29], [sflag:$0x2] =	stream.indirect_vreg.gather [hbm4b:s7+s2], $0x80, v4, vm0, $0xb8;
	[tilespmem:$0x10100] =	vst v63  }
0x15f: {  	v3 =	vperm.xlane v3, v2;
	s31 =	simm.s32 $0xA900  }
0x160: {  	[tilespmem:s31], [sflag:$0x2] =	stream.indirect_vreg.gather [hbm4b:s8+s2], $0x80, v4, vm0, $0xb8;
	[tilespmem:$0x10100] =	vst v63  }
0x161: {  	v3 =	vadd.s32 v1, v3;
	s29 =	simm.s32 $0xB100  }
0x162: {  	[tilespmem:s29], [sflag:$0x2] =	stream.indirect_vreg.gather [hbm4b:s9+s2], $0x80, v4, vm0, $0xb8;
	[tilespmem:$0x10100] =	vst v63  }
0x163: {  	s31 =	simm.s32 $0xB900  }
0x164: {  	[tilespmem:s31], [sflag:$0x2] =	stream.indirect_vreg.gather [hbm4b:s10+s2], $0x80, v4, vm0, $0xb8;
	[tilespmem:$0x10100] =	vst v63  }
0x165: {  	s29 =	simm.s32 $0xC100  }
0x166: {  	[tilespmem:s29], [sflag:$0x2] =	stream.indirect_vreg.gather [hbm4b:s3+s2], $0x80, v3, vm0, $0xb8;
	[tilespmem:$0x10100] =	vst v63  }
0x167: {  	s31 =	simm.s32 $0xC900  }
0x168: {  	[tilespmem:s31], [sflag:$0x2] =	stream.indirect_vreg.gather [hbm4b:s4+s2], $0x80, v3, vm0, $0xb8;
	[tilespmem:$0x10100] =	vst v63  }
0x169: {  	s29 =	simm.s32 $0xD100  }
0x16a: {  	[tilespmem:s29], [sflag:$0x2] =	stream.indirect_vreg.gather [hbm4b:s5+s2], $0x80, v3, vm0, $0xb8;
	[tilespmem:$0x10100] =	vst v63  }
0x16b: {  	s31 =	simm.s32 $0xD900  }
0x16c: {  	[tilespmem:s31], [sflag:$0x2] =	stream.indirect_vreg.gather [hbm4b:s6+s2], $0x80, v3, vm0, $0xb8;
	[tilespmem:$0x10100] =	vst v63  }
0x16d: {  	s29 =	simm.s32 $0xE100  }
0x16e: {  	[tilespmem:s29], [sflag:$0x2] =	stream.indirect_vreg.gather [hbm4b:s7+s2], $0x80, v3, vm0, $0xb8;
	[tilespmem:$0x10100] =	vst v63  }
0x16f: {  	s31 =	simm.s32 $0xE900  }
0x170: {  	[tilespmem:s31], [sflag:$0x2] =	stream.indirect_vreg.gather [hbm4b:s8+s2], $0x80, v3, vm0, $0xb8;
	[tilespmem:$0x10100] =	vst v63  }
0x171: {  	s29 =	simm.s32 $0xF100  }
0x172: {  	[tilespmem:s29], [sflag:$0x2] =	stream.indirect_vreg.gather [hbm4b:s9+s2], $0x80, v3, vm0, $0xb8;
	[tilespmem:$0x10100] =	vst v63  }
0x173: {  	s31 =	simm.s32 $0xF900  }
0x174: {  	[tilespmem:s31], [sflag:$0x2] =	stream.indirect_vreg.gather [hbm4b:s10+s2], $0x80, v3, vm0, $0xb8;
	[tilespmem:$0x10100] =	vst v63  }
0x175: {  	_ =	swait.ge [sflag:s26], $0x8000  }
0x176: {  	[sflag:s26] =	ssyncset.done $0x0  }
0x177: {  	s0 =	rddreg [dreg:$0xb];
	[sflag:s26] =	ssyncadd.s32 $0xFFFF8000  }
0x178: {  	[hbm4b:s0+s2] =	stream.linear.scatter [tilespmem:s13], [sflag:$0x3], $0x8000, $0x38;
	[tilespmem:$0x10100] =	vst v63  }
0x179: {  	_ =	swait.ge [sflag:s12], $0x8000  }
0x17a: {  	[sflag:s12] =	ssyncset.done $0x0  }
0x17b: {  	[sflag:s12] =	ssyncadd.s32 $0xFFFF8000  }
0x17c: {  	_ =	swait.ge [sflag:s28], $0x8000  }
0x17d: {  	p0 =	sne.s32 s11, $0x1;
	[sflag:s28] =	ssyncset.done $0x0  }
.Ltmp0:
0x17e: {  	s31 =	rddreg [dreg:$0xc];
	[sflag:s28] =	ssyncadd.s32 $0xFFFF8000;
	(pc) =	sbr.rel @p0 .LBB2_1-.Ltmp0, $4  }
0x17f: {  	[hbm4b:s31+s2] =	stream.linear.scatter [tilespmem:s30], [sflag:$0x3], $0x8000, $0x38;
	[tilespmem:$0x10100] =	vst v63  }
0x180: {  	_ =	swait.ge [sflag:s12], $0x8000  }
0x181: {  	[sflag:s12] =	ssyncset.done $0x0  }
0x182: {  	s11 =	sadd.s32 $0xFFFFFFFF, s11;
	[sflag:s12] =	ssyncadd.s32 $0xFFFF8000  }
0x183: {  	_ =	sfence.sel $0x180000  }
0x184: {  	[bflag:$0x0] =	sbarrier.arrive $0xFFFF  }
0x185: {  	_ =	strace $0x9000004D  }
0x186: {  	s0 =	stileid.u32;
	[bflag:$0x2] =	sbarrier.arrive $0xFFFF  }
0x187: {  	p0 =	sne.s32 s0, $0x0;
	s0 =	rddreg [dreg:$0x2]  }
0x188: {  	s0 =	sadd.s32 @!p0 $0x100000, s0  }
0x189: {  	[sflag:s0] =	ssyncadd.tile.s32 @!p0 $0x1;
	_ =	shalt  }
.Lfunc_end2:
_tile_overlayer_lowered:
.L_overlay_start_2:
0x18a: {  	(tag) =	ssettag $0x2  }
0x18b: {  	s0 =	rddreg [dreg:$0x0];
	s2 =	stileid.u32  }
0x18c: {  	s1 =	rddreg [dreg:$0x1];
	p0 =	sne.s32 s2, $0x0  }
0x18d: {  	s3 =	rddreg [dreg:$0x2];
	[bflag:$0x3] =	sbarrier.arrive $0xFFFF;
	s2 =	simm.s32 @!p0 $0x1C03  }
0x18e: {  	[timem:s3], [sflag:s2] =	dma.local @!p0 [hbm:s0], s1  }
0x18f: {  	s0 =	simm.s32 @!p0 $0x3  }
0x190: {  	_ =	swait.ge @!p0 [sflag:s0], s1  }
0x191: {  	s1 =	ssub.s32 @!p0 $0x0, s1;
	[sflag:s0] =	ssyncset.done @!p0 $0x0  }
0x192: {  	[sflag:s0] =	ssyncadd.s32 @!p0 s1  }
0x193: {  	[bflag:$0x3] =	sbarrier.arrive $0xFFFF  }
0x194: {  	_ =	shalt  }

// kernel: kernel.8.cloned.1.call-start
scs
__scs_entry_jumppad:
0x0: {  	(pc) =	sbr.rel $0x88, $3  }
0x1: {  	(tag) =	ssettag $0x0;
	lr =	simm.s32 $0x1  }
0x2: {  	[smem:$0x3F9D] =	sst lr;
	_ =	strace $0xD0000000  }
0x3: {  	_ = 	snop  }
0x4: {  	_ = 	snop  }
0x5: {  	_ = 	snop  }
0x6: {  	_ = 	snop  }
0x7: {  	_ = 	snop  }
__scs_overlays_trampoline_lowered:
0x8: {  	[smem:$0x3FAC] =	sst s0  }
0x9: {  	[smem:$0x3FAD] =	sst s1  }
0xa: {  	[smem:$0x3FAE] =	sst s2  }
0xb: {  	[smem:$0x3FAF] =	sst s3  }
0xc: {  	[smem:$0x3FB0] =	sst s4  }
0xd: {  	[smem:$0x3FB1] =	sst s5  }
0xe: {  	[smem:$0x3FB2] =	sst s6  }
0xf: {  	[smem:$0x3FB3] =	sst s7  }
0x10: {  	[smem:$0x3FB4] =	sst s8  }
0x11: {  	[smem:$0x3FB5] =	sst s9;
	s0 =	simm.s32 @!p0 $0x0  }
0x12: {  	s1 =	sld [smem:$0x3F9B];
	s0 =	simm.s32 @p0 $0x1  }
0x13: {  	[smem:$0x3FB6] =	sst s0;
	s0 =	simm.s32 @!p1 $0x0  }
0x14: {  	s2 =	sld [smem:$0x3F9A];
	s0 =	simm.s32 @p1 $0x1  }
0x15: {  	[smem:$0x3FB7] =	sst s0;
	s0 =	simm.s32 @!p2 $0x0  }
0x16: {  	s3 =	sld [smem:$0x3FDB];
	s0 =	simm.s32 @p2 $0x1  }
0x17: {  	s4 =	simm.s32 $0x1BF5;
	[smem:$0x3FB9] =	sst s0  }
0x18: {  	s0 =	sld [smem:$0x3F9C];
	_ =	swait.ge [sflag:s4], $0x0  }
0x19: {  	s7 =	sld [smem:$0x3F9D]  }
0x1a: {  	s8 =	sadd.s32 $0xFFFFE003, lr  }
0x1b: {  	s9 =	sadd.s32 $0xFFFFFEF7, lr;
	s5 =	simm.s32 $0xFFFFFFFF;
	p2 =	slt.u32 s8, $0xFFFFF086  }
0x1c: {  	p1 =	slt.u32 s9, $0xF7A;
	s5 =	simm.s32 @!p2 $0x0  }
0x1d: {  	s5 =	simm.s32 @p1 $0x1;
	p0 =	seq.s32 s7, s2  }
0x1e: {  	s7 =	smul.u32 @!p0 $0xF7A, s2;
	p2 =	seq.s32 @!p0 s5, $0x0  }
0x1f: {  	s9 =	smul.u32 $0xF7A, s1;
	s8 =	simm.s32 @!p0 $0x1BF5;
	p2 =	por !p2, p0  }
0x20: {  	[sflag:s8] =	ssyncset.s32 @!p0 $0xFFFFF086;
	s6 =	sadd.s32 @!p0 s3, s7;
	s7 =	simm.s32 @!p0 $0x108  }
0x21: {  	s3 =	sadd.s32 s3, s9;
	s6 =	sadd.s32 @!p0 $0x88, s6;
	s7 =	simm.s32 @p2 $0x1082  }
0x22: {  	[simem:s7], [sflag:s8] =	dma.local @!p0 [hbm:s6], $0xF7A  }
0x23: {  	s9 =	sor.u32 $0xD0000000, s2;
	s6 =	simm.s32 $0x108;
	_ =	swait.ge @!p0 [sflag:s8], $0x0  }
0x24: {  	s3 =	sadd.s32 $0x88, s3;
	s6 =	simm.s32 @!p1 $0x1082;
	[sflag:s4] =	ssyncset.s32 $0xFFFFF086  }
0x25: {  	[simem:s6], [sflag:s4] =	dma.local [hbm:s3], $0xF7A  }
0x26: {  	[smem:$0x3F9D] =	sst s1;
	(tag) =	ssettag s2;
	_ =	strace s9  }
0x27: {  	s1 =	sld [smem:$0x3FAD]  }
0x28: {  	s2 =	sld [smem:$0x3FAE]  }
0x29: {  	s4 =	sld [smem:$0x3FB0]  }
0x2a: {  	p0 =	seq.s32 s5, $0x0;
	s5 =	sld [smem:$0x3FB1]  }
0x2b: {  	s6 =	sld [smem:$0x3FB2]  }
0x2c: {  	s7 =	sld [smem:$0x3FB3]  }
0x2d: {  	s3 =	simm.s32 $0x108;
	s8 =	sld [smem:$0x3FB4]  }
0x2e: {  	s3 =	simm.s32 @!p0 $0x1082;
	s9 =	sld [smem:$0x3FB5]  }
0x2f: {  	lr =	sadd.s32 s0, s3;
	s0 =	sld [smem:$0x3FAC]  }
0x30: {  	s3 =	sld [smem:$0x3FAF]  }
0x31: {  	[smem:$0x3FB8] =	sst s10  }
0x32: {  	s10 =	sld [smem:$0x3FB6];
	_ =	sdelay $0x3  }
0x33: {  	p0 =	seq.s32 s10, $0x1;
	s10 =	sld [smem:$0x3FB8];
	_ =	sdelay $0x3  }
0x34: {  	[smem:$0x3FB8] =	sst s10  }
0x35: {  	s10 =	sld [smem:$0x3FB7];
	_ =	sdelay $0x3  }
0x36: {  	p1 =	seq.s32 s10, $0x1;
	s10 =	sld [smem:$0x3FB8];
	_ =	sdelay $0x3  }
0x37: {  	[smem:$0x3FB8] =	sst s10  }
0x38: {  	s10 =	sld [smem:$0x3FB9]  }
0x39: {  	_ = 	snop;
	(pc) =	sbr.ind lr, $3  }
0x3a: {  	_ = 	snop  }
0x3b: {  	_ = 	snop  }
0x3c: {  	p2 =	seq.s32 s10, $0x1;
	s10 =	sld [smem:$0x3FB8]  }
0x3d: {  	_ =	shalt  }
0x3e: {  	_ =	shalt  }
0x3f: {  	_ =	shalt  }
0x40: {  	_ =	shalt  }
0x41: {  	_ =	shalt  }
0x42: {  	_ =	shalt  }
0x43: {  	_ =	shalt  }
0x44: {  	_ =	shalt  }
0x45: {  	_ =	shalt  }
0x46: {  	_ =	shalt  }
0x47: {  	_ =	shalt  }
0x48: {  	_ =	shalt  }
0x49: {  	_ =	shalt  }
0x4a: {  	_ =	shalt  }
0x4b: {  	_ =	shalt  }
0x4c: {  	_ =	shalt  }
0x4d: {  	_ =	shalt  }
0x4e: {  	_ =	shalt  }
0x4f: {  	_ =	shalt  }
0x50: {  	_ =	shalt  }
0x51: {  	_ =	shalt  }
0x52: {  	_ =	shalt  }
0x53: {  	_ =	shalt  }
0x54: {  	_ =	shalt  }
0x55: {  	_ =	shalt  }
0x56: {  	_ =	shalt  }
0x57: {  	_ =	shalt  }
0x58: {  	_ =	shalt  }
0x59: {  	_ =	shalt  }
0x5a: {  	_ =	shalt  }
0x5b: {  	_ =	shalt  }
0x5c: {  	_ =	shalt  }
0x5d: {  	_ =	shalt  }
0x5e: {  	_ =	shalt  }
0x5f: {  	_ =	shalt  }
0x60: {  	_ =	shalt  }
0x61: {  	_ =	shalt  }
0x62: {  	_ =	shalt  }
0x63: {  	_ =	shalt  }
0x64: {  	_ =	shalt  }
0x65: {  	_ =	shalt  }
0x66: {  	_ =	shalt  }
0x67: {  	_ =	shalt  }
0x68: {  	_ =	shalt  }
0x69: {  	_ =	shalt  }
0x6a: {  	_ =	shalt  }
0x6b: {  	_ =	shalt  }
0x6c: {  	_ =	shalt  }
0x6d: {  	_ =	shalt  }
0x6e: {  	_ =	shalt  }
0x6f: {  	_ =	shalt  }
0x70: {  	_ =	shalt  }
0x71: {  	_ =	shalt  }
0x72: {  	_ =	shalt  }
0x73: {  	_ =	shalt  }
0x74: {  	_ =	shalt  }
0x75: {  	_ =	shalt  }
0x76: {  	_ =	shalt  }
0x77: {  	_ =	shalt  }
0x78: {  	_ =	shalt  }
0x79: {  	_ =	shalt  }
0x7a: {  	_ =	shalt  }
0x7b: {  	_ =	shalt  }
0x7c: {  	_ =	shalt  }
0x7d: {  	_ =	shalt  }
0x7e: {  	_ =	shalt  }
0x7f: {  	_ =	shalt  }
0x80: {  	_ =	shalt  }
0x81: {  	_ =	shalt  }
0x82: {  	_ =	shalt  }
0x83: {  	_ =	shalt  }
0x84: {  	_ =	shalt  }
0x85: {  	_ =	shalt  }
0x86: {  	_ =	shalt  }
0x87: {  	_ =	shalt  }
.Lfunc_end0:
.L_simem_size_0:
called_computation.1_lowered:
.L_overlay_start_0:
0x88: {  	s2 =	sld [smem:$0x3FD9]  }
0x89: {  	s3 =	sld [smem:$0x3FFE];
	_ =	sdelay $0x1  }
0x8a: {  	s1 =	srdreg.scid  }
0x8b: {  	s0 =	sand.u32 $0x1, s1  }
0x8c: {  	s17 =	sshll.u32 s0, $0xA;
	s2 =	sadd.s32 s3, s2  }
0x8d: {  	s2 =	sadd.s32 s2, s17  }
0x8e: {  	[smem:$0x3FC4] =	sst s2  }
0x8f: {  	_ = 	snop  }
0x90: {  	s2 =	sld [smem:$0x3FC9]  }
0x91: {  	s18 =	sld [smem:$0x3FD0];
	(tm) =	ssettm $0x1  }
0x92: {  	s4 =	sld [smem:$0x3FFB];
	_ =	sdelay $0x3  }
0x93: {  	_ =	strace s4  }
0x94: {  	s4 =	sld [smem:$0x3FFC];
	_ =	sdelay $0x3  }
0x95: {  	_ =	strace s4  }
0x96: {  	s4 =	sld [smem:$0x3FFD];
	_ =	sdelay $0x3  }
0x97: {  	_ =	strace s4  }
0x98: {  	_ =	strace $0x8FFFFFFF  }
0x99: {  	s19 =	sld [smem:$0x3FDB];
	_ =	sdelay $0x1  }
0x9a: {  	s5 =	simm.s32 $_scs_section_size  }
0x9b: {  	s6 =	simm.s32 $_size__tile_overlayer_lowered;
	s7 =	simm.s32 $_tile_overlayer_lowered  }
0x9c: {  	s22 =	simm.s32 $0x1BFF;
	s21 =	sshll.u32 s7, $0x1;
	s4 =	sadd.s32 s5, s19  }
0x9d: {  	s8 =	simm.s32 $0x0;
	s20 =	sshll.u32 s6, $0x1;
	s6 =	sadd.s32 s21, s4  }
0x9e: {  	[timem:s8], [sflag:s22] =	dma.local [hbm:s6], s20  }
0x9f: {  	_ =	swait.ge [sflag:s22], s20  }
0xa0: {  	s5 =	ssub.s32 $0x0, s20;
	[sflag:s22] =	ssyncset.done $0x0  }
0xa1: {  	[sflag:s22] =	ssyncadd.s32 s5;
	_ =	sdelay $0x1  }
0xa2: {  	s23 =	simm.s32 $0x1B8B  }
0xa3: {  	_ =	swait.ge [sflag:s23], $0x1  }
0xa4: {  	[sflag:s23] =	ssyncset.done $0x0  }
0xa5: {  	s25 =	simm.s32 $0x1B8E;
	s24 =	sld [smem:$0x3FFE];
	[sflag:s23] =	ssyncadd.s32 $0xFFFFFFFF  }
0xa6: {  	s26 =	simm.s32 $execute0_lowered;
	[smem:$0x3FD2] =	sst s25  }
0xa7: {  	s6 =	sshll.u32 s26, $0x1;
	_ =	strace $0x80000049;
	[dreg:$0x1] =	wrdreg $0xFFFFFFFF  }
0xa8: {  	s28 =	simm.s32 $_size_execute0_lowered;
	s4 =	sadd.s32 s4, s6;
	[dreg:$0x0] =	wrdreg $0x0  }
0xa9: {  	s6 =	sshll.u32 s28, $0x1;
	[dreg:$0x2] =	wrdreg s4  }
0xaa: {  	[dreg:$0x3] =	wrdreg s6  }
0xab: {  	[dreg:$0x4] =	wrdreg $0xC0  }
0xac: {  	_ =	task [dreg:s8], $0x5FFFF  }
0xad: {  	[dreg:$0x1] =	wrdreg $0xFFFFFFFF  }
0xae: {  	[dreg:$0x0] =	wrdreg $0x60  }
0xaf: {  	[dreg:$0x2] =	wrdreg s18  }
0xb0: {  	[dreg:$0x3] =	wrdreg s2  }
0xb1: {  	[dreg:$0x4] =	wrdreg s24  }
0xb2: {  	[dreg:$0x5] =	wrdreg $0x9  }
0xb3: {  	_ =	task.clear_ibuf [dreg:s8], $0x6FFFF;
	_ =	strace $0x90000049  }
0xb4: {  	s29 =	simm.s32 $0x9;
	_ =	strace $0x8000004B  }
0xb5: {  	_ =	swait.ge [sflag:s29], $0x1  }
0xb6: {  	[sflag:s29] =	ssyncadd.s32 $0xFFFFFFFF  }
0xb7: {  	_ =	strace $0x9000004B  }
0xb8: {  	_ =	sfence  }
0xb9: {  	s30 =	sld [smem:$0x0];
	_ =	sdelay $0x2  }
0xba: {  	s31 =	sshll.u32 s1, $0xD;
	s1 =	sshrl.u32 s1, $0x2  }
0xbb: {  	s3 =	sand.u32 $0x4000, s31;
	s1 =	sadd.s32 s1, s30  }
0xbc: {  	s0 =	sor.u32 s3, s0;
	s1 =	sshll.u32 s1, $0x11  }
0xbd: {  	s0 =	sor.u32 s1, s0  }
0xbe: {  	s0 =	sadd.s32 $0x8F2B, s0  }
0xbf: {  	[sflag:s0] =	ssyncadd.remote.s32 $0x1  }
0xc0: {  	_ =	sfence.sel $0xFFFF  }
0xc1: {  	[dreg:$0x0] =	wrdreg $0xFFFFFFFF;
	(pc) =	sbr.abs _section_cstart, $3  }
0xc2: {  	[dreg:$0x1] =	wrdreg $0xFFFFFFFF  }
0xc3: {  	_ =	task.clear_ibuf [dreg:s8], $0x2FFFF;
	_ =	strace $0x9FFFFFFF  }
0xc4: {  	(tm) =	ssettm $0x7FFFFFFF  }
0xc5: {  	_ =	shalt  }
tec
execute0_lowered:
.L_overlay_start_1:
0x0: {  	(tag) =	ssettag $0x1  }
0x1: {  	s0 =	srdreg.scid;
	s1 =	rddreg [dreg:$0x0]  }
0x2: {  	s2 =	stileid.u32;
	s5 =	rddreg [dreg:$0x2]  }
0x3: {  	s13 =	simm.s32 $0x3;
	s0 =	sand.u32 $0x1, s0;
	s3 =	sshll.u32 s2, $0x1  }
0x4: {  	s31 =	simm.s32 $0x8100;
	s28 =	simm.s32 $0x1;
	s4 =	sor.u32 s0, s3  }
0x5: {  	s29 =	simm.s32 $0x2;
	s2 =	rddreg [dreg:$0x1];
	s6 =	smul.u32 $0x14, s4  }
0x6: {  	s5 =	sadd.s32 $0xAC00, s5;
	s3 =	simm.s32 $0x0;
	s7 =	smul.u32 $0xA000, s4  }
0x7: {  	s0 =	ssub.s32 $0x2, s0;
	[smem:$0x7FF] =	sst s3;
	s4 =	smul.u32 $0x50000, s4  }
0x8: {  	s8 =	sadd.s32 $0x400, s2;
	_ =	strace $0x8000004A;
	s1 =	sadd.s32 s1, s6  }
0x9: {  	s17 =	sadd.s32 s5, s7;
	s4 =	sshrl.u32 s4, $0x3;
	[dreg:$0x4] =	wrdreg s1  }
0xa: {  	[dreg:$0xe] =	wrdreg s17;
	s18 =	sadd.s32 $0x1000, s17;
	s4 =	sadd.s32 s5, s4  }
0xb: {  	s9 =	sadd.s32 $0x500, s2;
	[dreg:$0x5] =	wrdreg s18;
	s19 =	sadd.s32 $0x2000, s4  }
0xc: {  	s10 =	sadd.s32 $0x600, s2;
	s21 =	sadd.s32 $0x3000, s4;
	[dreg:$0x6] =	wrdreg s19  }
0xd: {  	s11 =	sadd.s32 $0x700, s2;
	s22 =	sadd.s32 $0x4000, s4;
	[dreg:$0x7] =	wrdreg s21  }
0xe: {  	s20 =	sshrl.u32 s0, $0x1;
	s23 =	sadd.s32 $0x5000, s4;
	[dreg:$0x8] =	wrdreg s22  }
0xf: {  	s0 =	ssub.s32 s0, s20;
	s24 =	sadd.s32 $0x6000, s4;
	[dreg:$0x9] =	wrdreg s23  }
0x10: {  	s6 =	sadd.s32 $0x200, s2;
	s25 =	sadd.s32 $0x7000, s4;
	[dreg:$0xa] =	wrdreg s24  }
0x11: {  	v2 =	vlaneseq.u32;
	s7 =	sadd.s32 $0x300, s2;
	s26 =	sadd.s32 $0x8000, s4;
	[dreg:$0xb] =	wrdreg s25  }
0x12: {  	vm0 =	vmmov $0xffff;
	v1 =	vshrl.u32 v2, $0x3;
	s12 =	smax.u32 s0, $0x1;
	s30 =	sadd.s32 $0x9000, s4;
	[dreg:$0xc] =	wrdreg s26  }
0x13: {  	v0 =	vand.u32 $0x7, v2;
	v2 =	vor.u32 $0x8, v2;
	v1 =	vmul.u32 $0x8, v1;
	s5 =	sadd.s32 $0x100, s2;
	[dreg:$0xd] =	wrdreg s30;
	s26 =	simm.s32 $0x100  }
.LBB2_1:
0x14: {  	s30 =	rddreg [dreg:$0x4]  }
0x15: {  	[tilespmem:s3], [sflag:$0x3] =	stream.linear.gather [hbm4b:s30+s3], $0xA0, $0x38;
	[tilespmem:$0x10100] =	vst v63  }
0x16: {  	_ =	swait.ge [sflag:s13], $0xA0  }
0x17: {  	[sflag:s13] =	ssyncset.done $0x0  }
0x18: {  	[sflag:s13] =	ssyncadd.s32 $0xFFFFFF60  }
0x19: {  	v3 =	vld [tilespmem:$0x0];
	_ =	sdelay $0x4  }
0x1a: {  	v4 =	vshll.u32 v3, $0x4  }
0x1b: {  	v3 =	vand.u32 $0x7, v3;
	v4 =	vand.u32 $0xFFFFFF80, v4  }
0x1c: {  	v3 =	vor.u32 v3, v4  }
0x1d: {  	v4 =	vperm.xlane v3, v0;
	_ =	sdelay $0x1  }
0x1e: {  	v4 =	vadd.s32 v1, v4;
	_ =	sdelay $0x4  }
0x1f: {  	[tilespmem:s26], [sflag:$0x1] =	stream.indirect_vreg.gather [hbm4b:s2+s3], $0x80, v4, vm0, $0xb8;
	[tilespmem:$0x10100] =	vst v63  }
0x20: {  	s0 =	simm.s32 $0x900  }
0x21: {  	[tilespmem:s0], [sflag:$0x1] =	stream.indirect_vreg.gather [hbm4b:s5+s3], $0x80, v4, vm0, $0xb8;
	[tilespmem:$0x10100] =	vst v63  }
0x22: {  	s18 =	simm.s32 $0x1100  }
0x23: {  	[tilespmem:s18], [sflag:$0x1] =	stream.indirect_vreg.gather [hbm4b:s6+s3], $0x80, v4, vm0, $0xb8;
	[tilespmem:$0x10100] =	vst v63  }
0x24: {  	s19 =	simm.s32 $0x1900  }
0x25: {  	[tilespmem:s19], [sflag:$0x1] =	stream.indirect_vreg.gather [hbm4b:s7+s3], $0x80, v4, vm0, $0xb8;
	[tilespmem:$0x10100] =	vst v63  }
0x26: {  	s20 =	simm.s32 $0x2100  }
0x27: {  	[tilespmem:s20], [sflag:$0x1] =	stream.indirect_vreg.gather [hbm4b:s8+s3], $0x80, v4, vm0, $0xb8;
	[tilespmem:$0x10100] =	vst v63  }
0x28: {  	s21 =	simm.s32 $0x2900;
	v3 =	vperm.xlane v3, v2  }
0x29: {  	[tilespmem:s21], [sflag:$0x1] =	stream.indirect_vreg.gather [hbm4b:s9+s3], $0x80, v4, vm0, $0xb8;
	[tilespmem:$0x10100] =	vst v63  }
0x2a: {  	s22 =	simm.s32 $0x3100;
	v3 =	vadd.s32 v1, v3  }
0x2b: {  	[tilespmem:s22], [sflag:$0x1] =	stream.indirect_vreg.gather [hbm4b:s10+s3], $0x80, v4, vm0, $0xb8;
	[tilespmem:$0x10100] =	vst v63  }
0x2c: {  	s23 =	simm.s32 $0x3900  }
0x2d: {  	[tilespmem:s23], [sflag:$0x1] =	stream.indirect_vreg.gather [hbm4b:s11+s3], $0x80, v4, vm0, $0xb8;
	[tilespmem:$0x10100] =	vst v63  }
0x2e: {  	s24 =	simm.s32 $0x4100  }
0x2f: {  	[tilespmem:s24], [sflag:$0x1] =	stream.indirect_vreg.gather [hbm4b:s2+s3], $0x80, v3, vm0, $0xb8;
	[tilespmem:$0x10100] =	vst v63  }
0x30: {  	s25 =	simm.s32 $0x4900  }
0x31: {  	[tilespmem:s25], [sflag:$0x1] =	stream.indirect_vreg.gather [hbm4b:s5+s3], $0x80, v3, vm0, $0xb8;
	[tilespmem:$0x10100] =	vst v63  }
0x32: {  	s30 =	simm.s32 $0x5100  }
0x33: {  	[tilespmem:s30], [sflag:$0x1] =	stream.indirect_vreg.gather [hbm4b:s6+s3], $0x80, v3, vm0, $0xb8;
	[tilespmem:$0x10100] =	vst v63  }
0x34: {  	s1 =	simm.s32 $0x5900  }
0x35: {  	[tilespmem:s1], [sflag:$0x1] =	stream.indirect_vreg.gather [hbm4b:s7+s3], $0x80, v3, vm0, $0xb8;
	[tilespmem:$0x10100] =	vst v63  }
0x36: {  	s4 =	simm.s32 $0x6100  }
0x37: {  	[tilespmem:s4], [sflag:$0x1] =	stream.indirect_vreg.gather [hbm4b:s8+s3], $0x80, v3, vm0, $0xb8;
	[tilespmem:$0x10100] =	vst v63  }
0x38: {  	s16 =	simm.s32 $0x6900  }
0x39: {  	[tilespmem:s16], [sflag:$0x1] =	stream.indirect_vreg.gather [hbm4b:s9+s3], $0x80, v3, vm0, $0xb8;
	[tilespmem:$0x10100] =	vst v63  }
0x3a: {  	s17 =	simm.s32 $0x7100  }
0x3b: {  	[tilespmem:s17], [sflag:$0x1] =	stream.indirect_vreg.gather [hbm4b:s10+s3], $0x80, v3, vm0, $0xb8;
	[tilespmem:$0x10100] =	vst v63  }
0x3c: {  	s18 =	simm.s32 $0x7900  }
0x3d: {  	[tilespmem:s18], [sflag:$0x1] =	stream.indirect_vreg.gather [hbm4b:s11+s3], $0x80, v3, vm0, $0xb8;
	[tilespmem:$0x10100] =	vst v63  }
0x3e: {  	v3 =	vld [tilespmem:$0x10];
	_ =	sdelay $0x4  }
0x3f: {  	v55 =	vshll.u32 v3, $0x4  }
0x40: {  	v3 =	vand.u32 $0x7, v3;
	v4 =	vand.u32 $0xFFFFFF80, v55  }
0x41: {  	v3 =	vor.u32 v3, v4  }
0x42: {  	v4 =	vperm.xlane v3, v0;
	_ =	sdelay $0x1  }
0x43: {  	v4 =	vadd.s32 v1, v4;
	_ =	sdelay $0x4  }
0x44: {  	[tilespmem:s31], [sflag:$0x2] =	stream.indirect_vreg.gather [hbm4b:s2+s3], $0x80, v4, vm0, $0xb8;
	[tilespmem:$0x10100] =	vst v63  }
0x45: {  	s19 =	simm.s32 $0x8900  }
0x46: {  	[tilespmem:s19], [sflag:$0x2] =	stream.indirect_vreg.gather [hbm4b:s5+s3], $0x80, v4, vm0, $0xb8;
	[tilespmem:$0x10100] =	vst v63  }
0x47: {  	s20 =	simm.s32 $0x9100  }
0x48: {  	[tilespmem:s20], [sflag:$0x2] =	stream.indirect_vreg.gather [hbm4b:s6+s3], $0x80, v4, vm0, $0xb8;
	[tilespmem:$0x10100] =	vst v63  }
0x49: {  	s21 =	simm.s32 $0x9900  }
0x4a: {  	[tilespmem:s21], [sflag:$0x2] =	stream.indirect_vreg.gather [hbm4b:s7+s3], $0x80, v4, vm0, $0xb8;
	[tilespmem:$0x10100] =	vst v63  }
0x4b: {  	s22 =	simm.s32 $0xA100  }
0x4c: {  	[tilespmem:s22], [sflag:$0x2] =	stream.indirect_vreg.gather [hbm4b:s8+s3], $0x80, v4, vm0, $0xb8;
	[tilespmem:$0x10100] =	vst v63  }
0x4d: {  	s24 =	simm.s32 $0xA900;
	v3 =	vperm.xlane v3, v2  }
0x4e: {  	[tilespmem:s24], [sflag:$0x2] =	stream.indirect_vreg.gather [hbm4b:s9+s3], $0x80, v4, vm0, $0xb8;
	[tilespmem:$0x10100] =	vst v63  }
0x4f: {  	s25 =	simm.s32 $0xB100;
	v3 =	vadd.s32 v1, v3  }
0x50: {  	[tilespmem:s25], [sflag:$0x2] =	stream.indirect_vreg.gather [hbm4b:s10+s3], $0x80, v4, vm0, $0xb8;
	[tilespmem:$0x10100] =	vst v63  }
0x51: {  	s0 =	simm.s32 $0xB900  }
0x52: {  	[tilespmem:s0], [sflag:$0x2] =	stream.indirect_vreg.gather [hbm4b:s11+s3], $0x80, v4, vm0, $0xb8;
	[tilespmem:$0x10100] =	vst v63  }
0x53: {  	s1 =	simm.s32 $0xC100  }
0x54: {  	[tilespmem:s1], [sflag:$0x2] =	stream.indirect_vreg.gather [hbm4b:s2+s3], $0x80, v3, vm0, $0xb8;
	[tilespmem:$0x10100] =	vst v63  }
0x55: {  	s4 =	simm.s32 $0xC900  }
0x56: {  	[tilespmem:s4], [sflag:$0x2] =	stream.indirect_vreg.gather [hbm4b:s5+s3], $0x80, v3, vm0, $0xb8;
	[tilespmem:$0x10100] =	vst v63  }
0x57: {  	s16 =	simm.s32 $0xD100  }
0x58: {  	[tilespmem:s16], [sflag:$0x2] =	stream.indirect_vreg.gather [hbm4b:s6+s3], $0x80, v3, vm0, $0xb8;
	[tilespmem:$0x10100] =	vst v63  }
0x59: {  	s17 =	simm.s32 $0xD900  }
0x5a: {  	[tilespmem:s17], [sflag:$0x2] =	stream.indirect_vreg.gather [hbm4b:s7+s3], $0x80, v3, vm0, $0xb8;
	[tilespmem:$0x10100] =	vst v63  }
0x5b: {  	s18 =	simm.s32 $0xE100  }
0x5c: {  	[tilespmem:s18], [sflag:$0x2] =	stream.indirect_vreg.gather [hbm4b:s8+s3], $0x80, v3, vm0, $0xb8;
	[tilespmem:$0x10100] =	vst v63  }
0x5d: {  	s19 =	simm.s32 $0xE900  }
0x5e: {  	[tilespmem:s19], [sflag:$0x2] =	stream.indirect_vreg.gather [hbm4b:s9+s3], $0x80, v3, vm0, $0xb8;
	[tilespmem:$0x10100] =	vst v63  }
0x5f: {  	s20 =	simm.s32 $0xF100  }
0x60: {  	[tilespmem:s20], [sflag:$0x2] =	stream.indirect_vreg.gather [hbm4b:s10+s3], $0x80, v3, vm0, $0xb8;
	[tilespmem:$0x10100] =	vst v63  }
0x61: {  	s21 =	simm.s32 $0xF900  }
0x62: {  	[tilespmem:s21], [sflag:$0x2] =	stream.indirect_vreg.gather [hbm4b:s11+s3], $0x80, v3, vm0, $0xb8;
	[tilespmem:$0x10100] =	vst v63  }
0x63: {  	_ =	swait.ge [sflag:s28], $0x8000  }
0x64: {  	[sflag:s28] =	ssyncset.done $0x0  }
0x65: {  	s22 =	rddreg [dreg:$0xe];
	[sflag:s28] =	ssyncadd.s32 $0xFFFF8000  }
0x66: {  	[hbm4b:s22+s3] =	stream.linear.scatter [tilespmem:s26], [sflag:$0x3], $0x8000, $0x38;
	[tilespmem:$0x10100] =	vst v63  }
0x67: {  	_ =	swait.ge [sflag:s13], $0x8000  }
0x68: {  	[sflag:s13] =	ssyncset.done $0x0  }
0x69: {  	[sflag:s13] =	ssyncadd.s32 $0xFFFF8000  }
0x6a: {  	v3 =	vld [tilespmem:$0x20];
	_ =	sdelay $0x4  }
0x6b: {  	v56 =	vshll.u32 v3, $0x4  }
0x6c: {  	v3 =	vand.u32 $0x7, v3;
	v4 =	vand.u32 $0xFFFFFF80, v56  }
0x6d: {  	v3 =	vor.u32 v3, v4  }
0x6e: {  	v4 =	vperm.xlane v3, v0;
	_ =	sdelay $0x1  }
0x6f: {  	v4 =	vadd.s32 v1, v4;
	_ =	sdelay $0x4  }
0x70: {  	[tilespmem:s26], [sflag:$0x1] =	stream.indirect_vreg.gather [hbm4b:s2+s3], $0x80, v4, vm0, $0xb8;
	[tilespmem:$0x10100] =	vst v63  }
0x71: {  	s0 =	simm.s32 $0x900  }
0x72: {  	[tilespmem:s0], [sflag:$0x1] =	stream.indirect_vreg.gather [hbm4b:s5+s3], $0x80, v4, vm0, $0xb8;
	[tilespmem:$0x10100] =	vst v63  }
0x73: {  	s1 =	simm.s32 $0x1100  }
0x74: {  	[tilespmem:s1], [sflag:$0x1] =	stream.indirect_vreg.gather [hbm4b:s6+s3], $0x80, v4, vm0, $0xb8;
	[tilespmem:$0x10100] =	vst v63  }
0x75: {  	s4 =	simm.s32 $0x1900  }
0x76: {  	[tilespmem:s4], [sflag:$0x1] =	stream.indirect_vreg.gather [hbm4b:s7+s3], $0x80, v4, vm0, $0xb8;
	[tilespmem:$0x10100] =	vst v63  }
0x77: {  	s14 =	simm.s32 $0x2100  }
0x78: {  	[tilespmem:s14], [sflag:$0x1] =	stream.indirect_vreg.gather [hbm4b:s8+s3], $0x80, v4, vm0, $0xb8;
	[tilespmem:$0x10100] =	vst v63  }
0x79: {  	s15 =	simm.s32 $0x2900;
	v3 =	vperm.xlane v3, v2  }
0x7a: {  	[tilespmem:s15], [sflag:$0x1] =	stream.indirect_vreg.gather [hbm4b:s9+s3], $0x80, v4, vm0, $0xb8;
	[tilespmem:$0x10100] =	vst v63  }
0x7b: {  	v3 =	vadd.s32 v1, v3;
	s14 =	simm.s32 $0x3100  }
0x7c: {  	[tilespmem:s14], [sflag:$0x1] =	stream.indirect_vreg.gather [hbm4b:s10+s3], $0x80, v4, vm0, $0xb8;
	[tilespmem:$0x10100] =	vst v63  }
0x7d: {  	s15 =	simm.s32 $0x3900  }
0x7e: {  	[tilespmem:s15], [sflag:$0x1] =	stream.indirect_vreg.gather [hbm4b:s11+s3], $0x80, v4, vm0, $0xb8;
	[tilespmem:$0x10100] =	vst v63  }
0x7f: {  	s16 =	simm.s32 $0x4100  }
0x80: {  	[tilespmem:s16], [sflag:$0x1] =	stream.indirect_vreg.gather [hbm4b:s2+s3], $0x80, v3, vm0, $0xb8;
	[tilespmem:$0x10100] =	vst v63  }
0x81: {  	s17 =	simm.s32 $0x4900  }
0x82: {  	[tilespmem:s17], [sflag:$0x1] =	stream.indirect_vreg.gather [hbm4b:s5+s3], $0x80, v3, vm0, $0xb8;
	[tilespmem:$0x10100] =	vst v63  }
0x83: {  	s18 =	simm.s32 $0x5100  }
0x84: {  	[tilespmem:s18], [sflag:$0x1] =	stream.indirect_vreg.gather [hbm4b:s6+s3], $0x80, v3, vm0, $0xb8;
	[tilespmem:$0x10100] =	vst v63  }
0x85: {  	s19 =	simm.s32 $0x5900  }
0x86: {  	[tilespmem:s19], [sflag:$0x1] =	stream.indirect_vreg.gather [hbm4b:s7+s3], $0x80, v3, vm0, $0xb8;
	[tilespmem:$0x10100] =	vst v63  }
0x87: {  	s20 =	simm.s32 $0x6100  }
0x88: {  	[tilespmem:s20], [sflag:$0x1] =	stream.indirect_vreg.gather [hbm4b:s8+s3], $0x80, v3, vm0, $0xb8;
	[tilespmem:$0x10100] =	vst v63  }
0x89: {  	s21 =	simm.s32 $0x6900  }
0x8a: {  	[tilespmem:s21], [sflag:$0x1] =	stream.indirect_vreg.gather [hbm4b:s9+s3], $0x80, v3, vm0, $0xb8;
	[tilespmem:$0x10100] =	vst v63  }
0x8b: {  	s22 =	simm.s32 $0x7100  }
0x8c: {  	[tilespmem:s22], [sflag:$0x1] =	stream.indirect_vreg.gather [hbm4b:s10+s3], $0x80, v3, vm0, $0xb8;
	[tilespmem:$0x10100] =	vst v63  }
0x8d: {  	s23 =	simm.s32 $0x7900  }
0x8e: {  	[tilespmem:s23], [sflag:$0x1] =	stream.indirect_vreg.gather [hbm4b:s11+s3], $0x80, v3, vm0, $0xb8;
	[tilespmem:$0x10100] =	vst v63  }
0x8f: {  	_ =	swait.ge [sflag:s29], $0x8000  }
0x90: {  	[sflag:s29] =	ssyncset.done $0x0  }
0x91: {  	s23 =	rddreg [dreg:$0x5];
	[sflag:s29] =	ssyncadd.s32 $0xFFFF8000  }
0x92: {  	[hbm4b:s23+s3] =	stream.linear.scatter [tilespmem:s31], [sflag:$0x3], $0x8000, $0x38;
	[tilespmem:$0x10100] =	vst v63  }
0x93: {  	_ =	swait.ge [sflag:s13], $0x8000  }
0x94: {  	[sflag:s13] =	ssyncset.done $0x0  }
0x95: {  	[sflag:s13] =	ssyncadd.s32 $0xFFFF8000  }
0x96: {  	v3 =	vld [tilespmem:$0x30];
	_ =	sdelay $0x4  }
0x97: {  	v57 =	vshll.u32 v3, $0x4  }
0x98: {  	v3 =	vand.u32 $0x7, v3;
	v4 =	vand.u32 $0xFFFFFF80, v57  }
0x99: {  	v3 =	vor.u32 v3, v4  }
0x9a: {  	v4 =	vperm.xlane v3, v0;
	_ =	sdelay $0x1  }
0x9b: {  	v4 =	vadd.s32 v1, v4;
	_ =	sdelay $0x4  }
0x9c: {  	[tilespmem:s31], [sflag:$0x2] =	stream.indirect_vreg.gather [hbm4b:s2+s3], $0x80, v4, vm0, $0xb8;
	[tilespmem:$0x10100] =	vst v63  }
0x9d: {  	s30 =	simm.s32 $0x8900  }
0x9e: {  	[tilespmem:s30], [sflag:$0x2] =	stream.indirect_vreg.gather [hbm4b:s5+s3], $0x80, v4, vm0, $0xb8;
	[tilespmem:$0x10100] =	vst v63  }
0x9f: {  	s30 =	simm.s32 $0x9100  }
0xa0: {  	[tilespmem:s30], [sflag:$0x2] =	stream.indirect_vreg.gather [hbm4b:s6+s3], $0x80, v4, vm0, $0xb8;
	[tilespmem:$0x10100] =	vst v63  }
0xa1: {  	s30 =	simm.s32 $0x9900  }
0xa2: {  	[tilespmem:s30], [sflag:$0x2] =	stream.indirect_vreg.gather [hbm4b:s7+s3], $0x80, v4, vm0, $0xb8;
	[tilespmem:$0x10100] =	vst v63  }
0xa3: {  	s30 =	simm.s32 $0xA100  }
0xa4: {  	[tilespmem:s30], [sflag:$0x2] =	stream.indirect_vreg.gather [hbm4b:s8+s3], $0x80, v4, vm0, $0xb8;
	[tilespmem:$0x10100] =	vst v63  }
0xa5: {  	s24 =	simm.s32 $0xA900;
	v3 =	vperm.xlane v3, v2  }
0xa6: {  	[tilespmem:s24], [sflag:$0x2] =	stream.indirect_vreg.gather [hbm4b:s9+s3], $0x80, v4, vm0, $0xb8;
	[tilespmem:$0x10100] =	vst v63  }
0xa7: {  	v3 =	vadd.s32 v1, v3;
	s30 =	simm.s32 $0xB100  }
0xa8: {  	[tilespmem:s30], [sflag:$0x2] =	stream.indirect_vreg.gather [hbm4b:s10+s3], $0x80, v4, vm0, $0xb8;
	[tilespmem:$0x10100] =	vst v63  }
0xa9: {  	s30 =	simm.s32 $0xB900  }
0xaa: {  	[tilespmem:s30], [sflag:$0x2] =	stream.indirect_vreg.gather [hbm4b:s11+s3], $0x80, v4, vm0, $0xb8;
	[tilespmem:$0x10100] =	vst v63  }
0xab: {  	s30 =	simm.s32 $0xC100  }
0xac: {  	[tilespmem:s30], [sflag:$0x2] =	stream.indirect_vreg.gather [hbm4b:s2+s3], $0x80, v3, vm0, $0xb8;
	[tilespmem:$0x10100] =	vst v63  }
0xad: {  	s30 =	simm.s32 $0xC900  }
0xae: {  	[tilespmem:s30], [sflag:$0x2] =	stream.indirect_vreg.gather [hbm4b:s5+s3], $0x80, v3, vm0, $0xb8;
	[tilespmem:$0x10100] =	vst v63  }
0xaf: {  	s30 =	simm.s32 $0xD100  }
0xb0: {  	[tilespmem:s30], [sflag:$0x2] =	stream.indirect_vreg.gather [hbm4b:s6+s3], $0x80, v3, vm0, $0xb8;
	[tilespmem:$0x10100] =	vst v63  }
0xb1: {  	s30 =	simm.s32 $0xD900  }
0xb2: {  	[tilespmem:s30], [sflag:$0x2] =	stream.indirect_vreg.gather [hbm4b:s7+s3], $0x80, v3, vm0, $0xb8;
	[tilespmem:$0x10100] =	vst v63  }
0xb3: {  	s30 =	simm.s32 $0xE100  }
0xb4: {  	[tilespmem:s30], [sflag:$0x2] =	stream.indirect_vreg.gather [hbm4b:s8+s3], $0x80, v3, vm0, $0xb8;
	[tilespmem:$0x10100] =	vst v63  }
0xb5: {  	s30 =	simm.s32 $0xE900  }
0xb6: {  	[tilespmem:s30], [sflag:$0x2] =	stream.indirect_vreg.gather [hbm4b:s9+s3], $0x80, v3, vm0, $0xb8;
	[tilespmem:$0x10100] =	vst v63  }
0xb7: {  	s30 =	simm.s32 $0xF100  }
0xb8: {  	[tilespmem:s30], [sflag:$0x2] =	stream.indirect_vreg.gather [hbm4b:s10+s3], $0x80, v3, vm0, $0xb8;
	[tilespmem:$0x10100] =	vst v63  }
0xb9: {  	s25 =	simm.s32 $0xF900  }
0xba: {  	[tilespmem:s25], [sflag:$0x2] =	stream.indirect_vreg.gather [hbm4b:s11+s3], $0x80, v3, vm0, $0xb8;
	[tilespmem:$0x10100] =	vst v63  }
0xbb: {  	_ =	swait.ge [sflag:s28], $0x8000  }
0xbc: {  	[sflag:s28] =	ssyncset.done $0x0  }
0xbd: {  	s30 =	rddreg [dreg:$0x6];
	[sflag:s28] =	ssyncadd.s32 $0xFFFF8000  }
0xbe: {  	[hbm4b:s30+s3] =	stream.linear.scatter [tilespmem:s26], [sflag:$0x3], $0x8000, $0x38;
	[tilespmem:$0x10100] =	vst v63  }
0xbf: {  	_ =	swait.ge [sflag:s13], $0x8000  }
0xc0: {  	[sflag:s13] =	ssyncset.done $0x0  }
0xc1: {  	[sflag:s13] =	ssyncadd.s32 $0xFFFF8000  }
0xc2: {  	v3 =	vld [tilespmem:$0x40];
	_ =	sdelay $0x4  }
0xc3: {  	v58 =	vshll.u32 v3, $0x4  }
0xc4: {  	v3 =	vand.u32 $0x7, v3;
	v4 =	vand.u32 $0xFFFFFF80, v58  }
0xc5: {  	v3 =	vor.u32 v3, v4  }
0xc6: {  	v4 =	vperm.xlane v3, v0;
	_ =	sdelay $0x1  }
0xc7: {  	v4 =	vadd.s32 v1, v4;
	_ =	sdelay $0x4  }
0xc8: {  	[tilespmem:s26], [sflag:$0x1] =	stream.indirect_vreg.gather [hbm4b:s2+s3], $0x80, v4, vm0, $0xb8;
	[tilespmem:$0x10100] =	vst v63  }
0xc9: {  	_ = 	snop  }
0xca: {  	[tilespmem:s0], [sflag:$0x1] =	stream.indirect_vreg.gather [hbm4b:s5+s3], $0x80, v4, vm0, $0xb8;
	[tilespmem:$0x10100] =	vst v63  }
0xcb: {  	_ = 	snop  }
0xcc: {  	[tilespmem:s1], [sflag:$0x1] =	stream.indirect_vreg.gather [hbm4b:s6+s3], $0x80, v4, vm0, $0xb8;
	[tilespmem:$0x10100] =	vst v63  }
0xcd: {  	_ = 	snop  }
0xce: {  	[tilespmem:s4], [sflag:$0x1] =	stream.indirect_vreg.gather [hbm4b:s7+s3], $0x80, v4, vm0, $0xb8;
	[tilespmem:$0x10100] =	vst v63  }
0xcf: {  	s30 =	simm.s32 $0x2100  }
0xd0: {  	[tilespmem:s30], [sflag:$0x1] =	stream.indirect_vreg.gather [hbm4b:s8+s3], $0x80, v4, vm0, $0xb8;
	[tilespmem:$0x10100] =	vst v63  }
0xd1: {  	v3 =	vperm.xlane v3, v2;
	s30 =	simm.s32 $0x2900  }
0xd2: {  	[tilespmem:s30], [sflag:$0x1] =	stream.indirect_vreg.gather [hbm4b:s9+s3], $0x80, v4, vm0, $0xb8;
	[tilespmem:$0x10100] =	vst v63  }
0xd3: {  	v3 =	vadd.s32 v1, v3  }
0xd4: {  	[tilespmem:s14], [sflag:$0x1] =	stream.indirect_vreg.gather [hbm4b:s10+s3], $0x80, v4, vm0, $0xb8;
	[tilespmem:$0x10100] =	vst v63  }
0xd5: {  	_ = 	snop  }
0xd6: {  	[tilespmem:s15], [sflag:$0x1] =	stream.indirect_vreg.gather [hbm4b:s11+s3], $0x80, v4, vm0, $0xb8;
	[tilespmem:$0x10100] =	vst v63  }
0xd7: {  	_ = 	snop  }
0xd8: {  	[tilespmem:s16], [sflag:$0x1] =	stream.indirect_vreg.gather [hbm4b:s2+s3], $0x80, v3, vm0, $0xb8;
	[tilespmem:$0x10100] =	vst v63  }
0xd9: {  	_ = 	snop  }
0xda: {  	[tilespmem:s17], [sflag:$0x1] =	stream.indirect_vreg.gather [hbm4b:s5+s3], $0x80, v3, vm0, $0xb8;
	[tilespmem:$0x10100] =	vst v63  }
0xdb: {  	_ = 	snop  }
0xdc: {  	[tilespmem:s18], [sflag:$0x1] =	stream.indirect_vreg.gather [hbm4b:s6+s3], $0x80, v3, vm0, $0xb8;
	[tilespmem:$0x10100] =	vst v63  }
0xdd: {  	_ = 	snop  }
0xde: {  	[tilespmem:s19], [sflag:$0x1] =	stream.indirect_vreg.gather [hbm4b:s7+s3], $0x80, v3, vm0, $0xb8;
	[tilespmem:$0x10100] =	vst v63  }
0xdf: {  	_ = 	snop  }
0xe0: {  	[tilespmem:s20], [sflag:$0x1] =	stream.indirect_vreg.gather [hbm4b:s8+s3], $0x80, v3, vm0, $0xb8;
	[tilespmem:$0x10100] =	vst v63  }
0xe1: {  	_ = 	snop  }
0xe2: {  	[tilespmem:s21], [sflag:$0x1] =	stream.indirect_vreg.gather [hbm4b:s9+s3], $0x80, v3, vm0, $0xb8;
	[tilespmem:$0x10100] =	vst v63  }
0xe3: {  	_ = 	snop  }
0xe4: {  	[tilespmem:s22], [sflag:$0x1] =	stream.indirect_vreg.gather [hbm4b:s10+s3], $0x80, v3, vm0, $0xb8;
	[tilespmem:$0x10100] =	vst v63  }
0xe5: {  	s30 =	simm.s32 $0x7900  }
0xe6: {  	[tilespmem:s30], [sflag:$0x1] =	stream.indirect_vreg.gather [hbm4b:s11+s3], $0x80, v3, vm0, $0xb8;
	[tilespmem:$0x10100] =	vst v63  }
0xe7: {  	_ =	swait.ge [sflag:s29], $0x8000  }
0xe8: {  	[sflag:s29] =	ssyncset.done $0x0  }
0xe9: {  	s30 =	rddreg [dreg:$0x7];
	[sflag:s29] =	ssyncadd.s32 $0xFFFF8000  }
0xea: {  	[hbm4b:s30+s3] =	stream.linear.scatter [tilespmem:s31], [sflag:$0x3], $0x8000, $0x38;
	[tilespmem:$0x10100] =	vst v63  }
0xeb: {  	_ =	swait.ge [sflag:s13], $0x8000  }
0xec: {  	[sflag:s13] =	ssyncset.done $0x0  }
0xed: {  	[sflag:s13] =	ssyncadd.s32 $0xFFFF8000  }
0xee: {  	v3 =	vld [tilespmem:$0x50];
	_ =	sdelay $0x4  }
0xef: {  	v59 =	vshll.u32 v3, $0x4  }
0xf0: {  	v3 =	vand.u32 $0x7, v3;
	v4 =	vand.u32 $0xFFFFFF80, v59  }
0xf1: {  	v3 =	vor.u32 v3, v4  }
0xf2: {  	v4 =	vperm.xlane v3, v0;
	_ =	sdelay $0x1  }
0xf3: {  	v4 =	vadd.s32 v1, v4;
	_ =	sdelay $0x4  }
0xf4: {  	[tilespmem:s31], [sflag:$0x2] =	stream.indirect_vreg.gather [hbm4b:s2+s3], $0x80, v4, vm0, $0xb8;
	[tilespmem:$0x10100] =	vst v63  }
0xf5: {  	s23 =	simm.s32 $0x8900  }
0xf6: {  	[tilespmem:s23], [sflag:$0x2] =	stream.indirect_vreg.gather [hbm4b:s5+s3], $0x80, v4, vm0, $0xb8;
	[tilespmem:$0x10100] =	vst v63  }
0xf7: {  	s30 =	simm.s32 $0x9100  }
0xf8: {  	[tilespmem:s30], [sflag:$0x2] =	stream.indirect_vreg.gather [hbm4b:s6+s3], $0x80, v4, vm0, $0xb8;
	[tilespmem:$0x10100] =	vst v63  }
0xf9: {  	s30 =	simm.s32 $0x9900  }
0xfa: {  	[tilespmem:s30], [sflag:$0x2] =	stream.indirect_vreg.gather [hbm4b:s7+s3], $0x80, v4, vm0, $0xb8;
	[tilespmem:$0x10100] =	vst v63  }
0xfb: {  	s30 =	simm.s32 $0xA100  }
0xfc: {  	[tilespmem:s30], [sflag:$0x2] =	stream.indirect_vreg.gather [hbm4b:s8+s3], $0x80, v4, vm0, $0xb8;
	[tilespmem:$0x10100] =	vst v63  }
0xfd: {  	v3 =	vperm.xlane v3, v2;
	s30 =	simm.s32 $0xA900  }
0xfe: {  	[tilespmem:s30], [sflag:$0x2] =	stream.indirect_vreg.gather [hbm4b:s9+s3], $0x80, v4, vm0, $0xb8;
	[tilespmem:$0x10100] =	vst v63  }
0xff: {  	s24 =	simm.s32 $0xB100;
	v3 =	vadd.s32 v1, v3  }
0x100: {  	[tilespmem:s24], [sflag:$0x2] =	stream.indirect_vreg.gather [hbm4b:s10+s3], $0x80, v4, vm0, $0xb8;
	[tilespmem:$0x10100] =	vst v63  }
0x101: {  	s30 =	simm.s32 $0xB900  }
0x102: {  	[tilespmem:s30], [sflag:$0x2] =	stream.indirect_vreg.gather [hbm4b:s11+s3], $0x80, v4, vm0, $0xb8;
	[tilespmem:$0x10100] =	vst v63  }
0x103: {  	s30 =	simm.s32 $0xC100  }
0x104: {  	[tilespmem:s30], [sflag:$0x2] =	stream.indirect_vreg.gather [hbm4b:s2+s3], $0x80, v3, vm0, $0xb8;
	[tilespmem:$0x10100] =	vst v63  }
0x105: {  	s30 =	simm.s32 $0xC900  }
0x106: {  	[tilespmem:s30], [sflag:$0x2] =	stream.indirect_vreg.gather [hbm4b:s5+s3], $0x80, v3, vm0, $0xb8;
	[tilespmem:$0x10100] =	vst v63  }
0x107: {  	s30 =	simm.s32 $0xD100  }
0x108: {  	[tilespmem:s30], [sflag:$0x2] =	stream.indirect_vreg.gather [hbm4b:s6+s3], $0x80, v3, vm0, $0xb8;
	[tilespmem:$0x10100] =	vst v63  }
0x109: {  	s30 =	simm.s32 $0xD900  }
0x10a: {  	[tilespmem:s30], [sflag:$0x2] =	stream.indirect_vreg.gather [hbm4b:s7+s3], $0x80, v3, vm0, $0xb8;
	[tilespmem:$0x10100] =	vst v63  }
0x10b: {  	s30 =	simm.s32 $0xE100  }
0x10c: {  	[tilespmem:s30], [sflag:$0x2] =	stream.indirect_vreg.gather [hbm4b:s8+s3], $0x80, v3, vm0, $0xb8;
	[tilespmem:$0x10100] =	vst v63  }
0x10d: {  	s30 =	simm.s32 $0xE900  }
0x10e: {  	[tilespmem:s30], [sflag:$0x2] =	stream.indirect_vreg.gather [hbm4b:s9+s3], $0x80, v3, vm0, $0xb8;
	[tilespmem:$0x10100] =	vst v63  }
0x10f: {  	s30 =	simm.s32 $0xF100  }
0x110: {  	[tilespmem:s30], [sflag:$0x2] =	stream.indirect_vreg.gather [hbm4b:s10+s3], $0x80, v3, vm0, $0xb8;
	[tilespmem:$0x10100] =	vst v63  }
0x111: {  	s25 =	simm.s32 $0xF900  }
0x112: {  	[tilespmem:s25], [sflag:$0x2] =	stream.indirect_vreg.gather [hbm4b:s11+s3], $0x80, v3, vm0, $0xb8;
	[tilespmem:$0x10100] =	vst v63  }
0x113: {  	_ =	swait.ge [sflag:s28], $0x8000  }
0x114: {  	[sflag:s28] =	ssyncset.done $0x0  }
0x115: {  	s25 =	rddreg [dreg:$0x8];
	[sflag:s28] =	ssyncadd.s32 $0xFFFF8000  }
0x116: {  	[hbm4b:s25+s3] =	stream.linear.scatter [tilespmem:s26], [sflag:$0x3], $0x8000, $0x38;
	[tilespmem:$0x10100] =	vst v63  }
0x117: {  	_ =	swait.ge [sflag:s13], $0x8000  }
0x118: {  	[sflag:s13] =	ssyncset.done $0x0  }
0x119: {  	[sflag:s13] =	ssyncadd.s32 $0xFFFF8000  }
0x11a: {  	v3 =	vld [tilespmem:$0x60];
	_ =	sdelay $0x4  }
0x11b: {  	v60 =	vshll.u32 v3, $0x4  }
0x11c: {  	v3 =	vand.u32 $0x7, v3;
	v4 =	vand.u32 $0xFFFFFF80, v60  }
0x11d: {  	v3 =	vor.u32 v3, v4  }
0x11e: {  	v4 =	vperm.xlane v3, v0;
	_ =	sdelay $0x1  }
0x11f: {  	v4 =	vadd.s32 v1, v4;
	_ =	sdelay $0x4  }
0x120: {  	[tilespmem:s26], [sflag:$0x1] =	stream.indirect_vreg.gather [hbm4b:s2+s3], $0x80, v4, vm0, $0xb8;
	[tilespmem:$0x10100] =	vst v63  }
0x121: {  	s0 =	simm.s32 $0x900  }
0x122: {  	[tilespmem:s0], [sflag:$0x1] =	stream.indirect_vreg.gather [hbm4b:s5+s3], $0x80, v4, vm0, $0xb8;
	[tilespmem:$0x10100] =	vst v63  }
0x123: {  	s1 =	simm.s32 $0x1100  }
0x124: {  	[tilespmem:s1], [sflag:$0x1] =	stream.indirect_vreg.gather [hbm4b:s6+s3], $0x80, v4, vm0, $0xb8;
	[tilespmem:$0x10100] =	vst v63  }
0x125: {  	s4 =	simm.s32 $0x1900  }
0x126: {  	[tilespmem:s4], [sflag:$0x1] =	stream.indirect_vreg.gather [hbm4b:s7+s3], $0x80, v4, vm0, $0xb8;
	[tilespmem:$0x10100] =	vst v63  }
0x127: {  	s30 =	simm.s32 $0x2100  }
0x128: {  	[tilespmem:s30], [sflag:$0x1] =	stream.indirect_vreg.gather [hbm4b:s8+s3], $0x80, v4, vm0, $0xb8;
	[tilespmem:$0x10100] =	vst v63  }
0x129: {  	s24 =	simm.s32 $0x2900;
	v3 =	vperm.xlane v3, v2  }
0x12a: {  	[tilespmem:s24], [sflag:$0x1] =	stream.indirect_vreg.gather [hbm4b:s9+s3], $0x80, v4, vm0, $0xb8;
	[tilespmem:$0x10100] =	vst v63  }
0x12b: {  	s14 =	simm.s32 $0x3100;
	v3 =	vadd.s32 v1, v3  }
0x12c: {  	[tilespmem:s14], [sflag:$0x1] =	stream.indirect_vreg.gather [hbm4b:s10+s3], $0x80, v4, vm0, $0xb8;
	[tilespmem:$0x10100] =	vst v63  }
0x12d: {  	s15 =	simm.s32 $0x3900  }
0x12e: {  	[tilespmem:s15], [sflag:$0x1] =	stream.indirect_vreg.gather [hbm4b:s11+s3], $0x80, v4, vm0, $0xb8;
	[tilespmem:$0x10100] =	vst v63  }
0x12f: {  	s16 =	simm.s32 $0x4100  }
0x130: {  	[tilespmem:s16], [sflag:$0x1] =	stream.indirect_vreg.gather [hbm4b:s2+s3], $0x80, v3, vm0, $0xb8;
	[tilespmem:$0x10100] =	vst v63  }
0x131: {  	s17 =	simm.s32 $0x4900  }
0x132: {  	[tilespmem:s17], [sflag:$0x1] =	stream.indirect_vreg.gather [hbm4b:s5+s3], $0x80, v3, vm0, $0xb8;
	[tilespmem:$0x10100] =	vst v63  }
0x133: {  	s18 =	simm.s32 $0x5100  }
0x134: {  	[tilespmem:s18], [sflag:$0x1] =	stream.indirect_vreg.gather [hbm4b:s6+s3], $0x80, v3, vm0, $0xb8;
	[tilespmem:$0x10100] =	vst v63  }
0x135: {  	s19 =	simm.s32 $0x5900  }
0x136: {  	[tilespmem:s19], [sflag:$0x1] =	stream.indirect_vreg.gather [hbm4b:s7+s3], $0x80, v3, vm0, $0xb8;
	[tilespmem:$0x10100] =	vst v63  }
0x137: {  	s20 =	simm.s32 $0x6100  }
0x138: {  	[tilespmem:s20], [sflag:$0x1] =	stream.indirect_vreg.gather [hbm4b:s8+s3], $0x80, v3, vm0, $0xb8;
	[tilespmem:$0x10100] =	vst v63  }
0x139: {  	s21 =	simm.s32 $0x6900  }
0x13a: {  	[tilespmem:s21], [sflag:$0x1] =	stream.indirect_vreg.gather [hbm4b:s9+s3], $0x80, v3, vm0, $0xb8;
	[tilespmem:$0x10100] =	vst v63  }
0x13b: {  	s22 =	simm.s32 $0x7100  }
0x13c: {  	[tilespmem:s22], [sflag:$0x1] =	stream.indirect_vreg.gather [hbm4b:s10+s3], $0x80, v3, vm0, $0xb8;
	[tilespmem:$0x10100] =	vst v63  }
0x13d: {  	s30 =	simm.s32 $0x7900  }
0x13e: {  	[tilespmem:s30], [sflag:$0x1] =	stream.indirect_vreg.gather [hbm4b:s11+s3], $0x80, v3, vm0, $0xb8;
	[tilespmem:$0x10100] =	vst v63  }
0x13f: {  	_ =	swait.ge [sflag:s29], $0x8000  }
0x140: {  	[sflag:s29] =	ssyncset.done $0x0  }
0x141: {  	s22 =	rddreg [dreg:$0x9];
	[sflag:s29] =	ssyncadd.s32 $0xFFFF8000  }
0x142: {  	[hbm4b:s22+s3] =	stream.linear.scatter [tilespmem:s31], [sflag:$0x3], $0x8000, $0x38;
	[tilespmem:$0x10100] =	vst v63  }
0x143: {  	_ =	swait.ge [sflag:s13], $0x8000  }
0x144: {  	[sflag:s13] =	ssyncset.done $0x0  }
0x145: {  	[sflag:s13] =	ssyncadd.s32 $0xFFFF8000  }
0x146: {  	v3 =	vld [tilespmem:$0x70];
	_ =	sdelay $0x4  }
0x147: {  	v61 =	vshll.u32 v3, $0x4  }
0x148: {  	v3 =	vand.u32 $0x7, v3;
	v4 =	vand.u32 $0xFFFFFF80, v61  }
0x149: {  	v3 =	vor.u32 v3, v4  }
0x14a: {  	v4 =	vperm.xlane v3, v0;
	_ =	sdelay $0x1  }
0x14b: {  	v4 =	vadd.s32 v1, v4;
	_ =	sdelay $0x4  }
0x14c: {  	[tilespmem:s31], [sflag:$0x2] =	stream.indirect_vreg.gather [hbm4b:s2+s3], $0x80, v4, vm0, $0xb8;
	[tilespmem:$0x10100] =	vst v63  }
0x14d: {  	s23 =	simm.s32 $0x8900  }
0x14e: {  	[tilespmem:s23], [sflag:$0x2] =	stream.indirect_vreg.gather [hbm4b:s5+s3], $0x80, v4, vm0, $0xb8;
	[tilespmem:$0x10100] =	vst v63  }
0x14f: {  	s24 =	simm.s32 $0x9100  }
0x150: {  	[tilespmem:s24], [sflag:$0x2] =	stream.indirect_vreg.gather [hbm4b:s6+s3], $0x80, v4, vm0, $0xb8;
	[tilespmem:$0x10100] =	vst v63  }
0x151: {  	s30 =	simm.s32 $0x9900  }
0x152: {  	[tilespmem:s30], [sflag:$0x2] =	stream.indirect_vreg.gather [hbm4b:s7+s3], $0x80, v4, vm0, $0xb8;
	[tilespmem:$0x10100] =	vst v63  }
0x153: {  	s30 =	simm.s32 $0xA100  }
0x154: {  	[tilespmem:s30], [sflag:$0x2] =	stream.indirect_vreg.gather [hbm4b:s8+s3], $0x80, v4, vm0, $0xb8;
	[tilespmem:$0x10100] =	vst v63  }
0x155: {  	v3 =	vperm.xlane v3, v2;
	s30 =	simm.s32 $0xA900  }
0x156: {  	[tilespmem:s30], [sflag:$0x2] =	stream.indirect_vreg.gather [hbm4b:s9+s3], $0x80, v4, vm0, $0xb8;
	[tilespmem:$0x10100] =	vst v63  }
0x157: {  	v3 =	vadd.s32 v1, v3;
	s30 =	simm.s32 $0xB100  }
0x158: {  	[tilespmem:s30], [sflag:$0x2] =	stream.indirect_vreg.gather [hbm4b:s10+s3], $0x80, v4, vm0, $0xb8;
	[tilespmem:$0x10100] =	vst v63  }
0x159: {  	s30 =	simm.s32 $0xB900  }
0x15a: {  	[tilespmem:s30], [sflag:$0x2] =	stream.indirect_vreg.gather [hbm4b:s11+s3], $0x80, v4, vm0, $0xb8;
	[tilespmem:$0x10100] =	vst v63  }
0x15b: {  	s30 =	simm.s32 $0xC100  }
0x15c: {  	[tilespmem:s30], [sflag:$0x2] =	stream.indirect_vreg.gather [hbm4b:s2+s3], $0x80, v3, vm0, $0xb8;
	[tilespmem:$0x10100] =	vst v63  }
0x15d: {  	s30 =	simm.s32 $0xC900  }
0x15e: {  	[tilespmem:s30], [sflag:$0x2] =	stream.indirect_vreg.gather [hbm4b:s5+s3], $0x80, v3, vm0, $0xb8;
	[tilespmem:$0x10100] =	vst v63  }
0x15f: {  	s30 =	simm.s32 $0xD100  }
0x160: {  	[tilespmem:s30], [sflag:$0x2] =	stream.indirect_vreg.gather [hbm4b:s6+s3], $0x80, v3, vm0, $0xb8;
	[tilespmem:$0x10100] =	vst v63  }
0x161: {  	s30 =	simm.s32 $0xD900  }
0x162: {  	[tilespmem:s30], [sflag:$0x2] =	stream.indirect_vreg.gather [hbm4b:s7+s3], $0x80, v3, vm0, $0xb8;
	[tilespmem:$0x10100] =	vst v63  }
0x163: {  	s30 =	simm.s32 $0xE100  }
0x164: {  	[tilespmem:s30], [sflag:$0x2] =	stream.indirect_vreg.gather [hbm4b:s8+s3], $0x80, v3, vm0, $0xb8;
	[tilespmem:$0x10100] =	vst v63  }
0x165: {  	s30 =	simm.s32 $0xE900  }
0x166: {  	[tilespmem:s30], [sflag:$0x2] =	stream.indirect_vreg.gather [hbm4b:s9+s3], $0x80, v3, vm0, $0xb8;
	[tilespmem:$0x10100] =	vst v63  }
0x167: {  	s30 =	simm.s32 $0xF100  }
0x168: {  	[tilespmem:s30], [sflag:$0x2] =	stream.indirect_vreg.gather [hbm4b:s10+s3], $0x80, v3, vm0, $0xb8;
	[tilespmem:$0x10100] =	vst v63  }
0x169: {  	s30 =	simm.s32 $0xF900  }
0x16a: {  	[tilespmem:s30], [sflag:$0x2] =	stream.indirect_vreg.gather [hbm4b:s11+s3], $0x80, v3, vm0, $0xb8;
	[tilespmem:$0x10100] =	vst v63  }
0x16b: {  	_ =	swait.ge [sflag:s28], $0x8000  }
0x16c: {  	[sflag:s28] =	ssyncset.done $0x0  }
0x16d: {  	s30 =	rddreg [dreg:$0xa];
	[sflag:s28] =	ssyncadd.s32 $0xFFFF8000  }
0x16e: {  	[hbm4b:s30+s3] =	stream.linear.scatter [tilespmem:s26], [sflag:$0x3], $0x8000, $0x38;
	[tilespmem:$0x10100] =	vst v63  }
0x16f: {  	_ =	swait.ge [sflag:s13], $0x8000  }
0x170: {  	[sflag:s13] =	ssyncset.done $0x0  }
0x171: {  	[sflag:s13] =	ssyncadd.s32 $0xFFFF8000  }
0x172: {  	v3 =	vld [tilespmem:$0x80];
	_ =	sdelay $0x4  }
0x173: {  	v62 =	vshll.u32 v3, $0x4  }
0x174: {  	v3 =	vand.u32 $0x7, v3;
	v4 =	vand.u32 $0xFFFFFF80, v62  }
0x175: {  	v3 =	vor.u32 v3, v4  }
0x176: {  	v4 =	vperm.xlane v3, v0;
	_ =	sdelay $0x1  }
0x177: {  	v4 =	vadd.s32 v1, v4;
	_ =	sdelay $0x4  }
0x178: {  	[tilespmem:s26], [sflag:$0x1] =	stream.indirect_vreg.gather [hbm4b:s2+s3], $0x80, v4, vm0, $0xb8;
	[tilespmem:$0x10100] =	vst v63  }
0x179: {  	s25 =	simm.s32 $0x900  }
0x17a: {  	[tilespmem:s25], [sflag:$0x1] =	stream.indirect_vreg.gather [hbm4b:s5+s3], $0x80, v4, vm0, $0xb8;
	[tilespmem:$0x10100] =	vst v63  }
0x17b: {  	s0 =	simm.s32 $0x1100  }
0x17c: {  	[tilespmem:s0], [sflag:$0x1] =	stream.indirect_vreg.gather [hbm4b:s6+s3], $0x80, v4, vm0, $0xb8;
	[tilespmem:$0x10100] =	vst v63  }
0x17d: {  	s1 =	simm.s32 $0x1900  }
0x17e: {  	[tilespmem:s1], [sflag:$0x1] =	stream.indirect_vreg.gather [hbm4b:s7+s3], $0x80, v4, vm0, $0xb8;
	[tilespmem:$0x10100] =	vst v63  }
0x17f: {  	s1 =	simm.s32 $0x2100  }
0x180: {  	[tilespmem:s1], [sflag:$0x1] =	stream.indirect_vreg.gather [hbm4b:s8+s3], $0x80, v4, vm0, $0xb8;
	[tilespmem:$0x10100] =	vst v63  }
0x181: {  	v3 =	vperm.xlane v3, v2;
	s25 =	simm.s32 $0x2900  }
0x182: {  	[tilespmem:s25], [sflag:$0x1] =	stream.indirect_vreg.gather [hbm4b:s9+s3], $0x80, v4, vm0, $0xb8;
	[tilespmem:$0x10100] =	vst v63  }
0x183: {  	s4 =	simm.s32 $0x3100;
	v3 =	vadd.s32 v1, v3  }
0x184: {  	[tilespmem:s4], [sflag:$0x1] =	stream.indirect_vreg.gather [hbm4b:s10+s3], $0x80, v4, vm0, $0xb8;
	[tilespmem:$0x10100] =	vst v63  }
0x185: {  	s14 =	simm.s32 $0x3900  }
0x186: {  	[tilespmem:s14], [sflag:$0x1] =	stream.indirect_vreg.gather [hbm4b:s11+s3], $0x80, v4, vm0, $0xb8;
	[tilespmem:$0x10100] =	vst v63  }
0x187: {  	s15 =	simm.s32 $0x4100  }
0x188: {  	[tilespmem:s15], [sflag:$0x1] =	stream.indirect_vreg.gather [hbm4b:s2+s3], $0x80, v3, vm0, $0xb8;
	[tilespmem:$0x10100] =	vst v63  }
0x189: {  	s16 =	simm.s32 $0x4900  }
0x18a: {  	[tilespmem:s16], [sflag:$0x1] =	stream.indirect_vreg.gather [hbm4b:s5+s3], $0x80, v3, vm0, $0xb8;
	[tilespmem:$0x10100] =	vst v63  }
0x18b: {  	s17 =	simm.s32 $0x5100  }
0x18c: {  	[tilespmem:s17], [sflag:$0x1] =	stream.indirect_vreg.gather [hbm4b:s6+s3], $0x80, v3, vm0, $0xb8;
	[tilespmem:$0x10100] =	vst v63  }
0x18d: {  	s18 =	simm.s32 $0x5900  }
0x18e: {  	[tilespmem:s18], [sflag:$0x1] =	stream.indirect_vreg.gather [hbm4b:s7+s3], $0x80, v3, vm0, $0xb8;
	[tilespmem:$0x10100] =	vst v63  }
0x18f: {  	s19 =	simm.s32 $0x6100  }
0x190: {  	[tilespmem:s19], [sflag:$0x1] =	stream.indirect_vreg.gather [hbm4b:s8+s3], $0x80, v3, vm0, $0xb8;
	[tilespmem:$0x10100] =	vst v63  }
0x191: {  	s20 =	simm.s32 $0x6900  }
0x192: {  	[tilespmem:s20], [sflag:$0x1] =	stream.indirect_vreg.gather [hbm4b:s9+s3], $0x80, v3, vm0, $0xb8;
	[tilespmem:$0x10100] =	vst v63  }
0x193: {  	s21 =	simm.s32 $0x7100  }
0x194: {  	[tilespmem:s21], [sflag:$0x1] =	stream.indirect_vreg.gather [hbm4b:s10+s3], $0x80, v3, vm0, $0xb8;
	[tilespmem:$0x10100] =	vst v63  }
0x195: {  	s30 =	simm.s32 $0x7900  }
0x196: {  	[tilespmem:s30], [sflag:$0x1] =	stream.indirect_vreg.gather [hbm4b:s11+s3], $0x80, v3, vm0, $0xb8;
	[tilespmem:$0x10100] =	vst v63  }
0x197: {  	_ =	swait.ge [sflag:s29], $0x8000  }
0x198: {  	[sflag:s29] =	ssyncset.done $0x0  }
0x199: {  	s0 =	rddreg [dreg:$0xb];
	[sflag:s29] =	ssyncadd.s32 $0xFFFF8000  }
0x19a: {  	[hbm4b:s0+s3] =	stream.linear.scatter [tilespmem:s31], [sflag:$0x3], $0x8000, $0x38;
	[tilespmem:$0x10100] =	vst v63  }
0x19b: {  	_ =	swait.ge [sflag:s13], $0x8000  }
0x19c: {  	[sflag:s13] =	ssyncset.done $0x0  }
0x19d: {  	[sflag:s13] =	ssyncadd.s32 $0xFFFF8000  }
0x19e: {  	v3 =	vld [tilespmem:$0x90];
	_ =	sdelay $0x4  }
0x19f: {  	v63 =	vshll.u32 v3, $0x4  }
0x1a0: {  	v3 =	vand.u32 $0x7, v3;
	v4 =	vand.u32 $0xFFFFFF80, v63  }
0x1a1: {  	v3 =	vor.u32 v3, v4  }
0x1a2: {  	v4 =	vperm.xlane v3, v0;
	_ =	sdelay $0x1  }
0x1a3: {  	v4 =	vadd.s32 v1, v4;
	_ =	sdelay $0x4  }
0x1a4: {  	[tilespmem:s31], [sflag:$0x2] =	stream.indirect_vreg.gather [hbm4b:s2+s3], $0x80, v4, vm0, $0xb8;
	[tilespmem:$0x10100] =	vst v63  }
0x1a5: {  	s22 =	simm.s32 $0x8900  }
0x1a6: {  	[tilespmem:s22], [sflag:$0x2] =	stream.indirect_vreg.gather [hbm4b:s5+s3], $0x80, v4, vm0, $0xb8;
	[tilespmem:$0x10100] =	vst v63  }
0x1a7: {  	s23 =	simm.s32 $0x9100  }
0x1a8: {  	[tilespmem:s23], [sflag:$0x2] =	stream.indirect_vreg.gather [hbm4b:s6+s3], $0x80, v4, vm0, $0xb8;
	[tilespmem:$0x10100] =	vst v63  }
0x1a9: {  	s24 =	simm.s32 $0x9900  }
0x1aa: {  	[tilespmem:s24], [sflag:$0x2] =	stream.indirect_vreg.gather [hbm4b:s7+s3], $0x80, v4, vm0, $0xb8;
	[tilespmem:$0x10100] =	vst v63  }
0x1ab: {  	s1 =	simm.s32 $0xA100  }
0x1ac: {  	[tilespmem:s1], [sflag:$0x2] =	stream.indirect_vreg.gather [hbm4b:s8+s3], $0x80, v4, vm0, $0xb8;
	[tilespmem:$0x10100] =	vst v63  }
0x1ad: {  	s4 =	simm.s32 $0xA900;
	v3 =	vperm.xlane v3, v2  }
0x1ae: {  	[tilespmem:s4], [sflag:$0x2] =	stream.indirect_vreg.gather [hbm4b:s9+s3], $0x80, v4, vm0, $0xb8;
	[tilespmem:$0x10100] =	vst v63  }
0x1af: {  	s14 =	simm.s32 $0xB100;
	v3 =	vadd.s32 v1, v3  }
0x1b0: {  	[tilespmem:s14], [sflag:$0x2] =	stream.indirect_vreg.gather [hbm4b:s10+s3], $0x80, v4, vm0, $0xb8;
	[tilespmem:$0x10100] =	vst v63  }
0x1b1: {  	s15 =	simm.s32 $0xB900  }
0x1b2: {  	[tilespmem:s15], [sflag:$0x2] =	stream.indirect_vreg.gather [hbm4b:s11+s3], $0x80, v4, vm0, $0xb8;
	[tilespmem:$0x10100] =	vst v63  }
0x1b3: {  	s16 =	simm.s32 $0xC100  }
0x1b4: {  	[tilespmem:s16], [sflag:$0x2] =	stream.indirect_vreg.gather [hbm4b:s2+s3], $0x80, v3, vm0, $0xb8;
	[tilespmem:$0x10100] =	vst v63  }
0x1b5: {  	s17 =	simm.s32 $0xC900  }
0x1b6: {  	[tilespmem:s17], [sflag:$0x2] =	stream.indirect_vreg.gather [hbm4b:s5+s3], $0x80, v3, vm0, $0xb8;
	[tilespmem:$0x10100] =	vst v63  }
0x1b7: {  	s18 =	simm.s32 $0xD100  }
0x1b8: {  	[tilespmem:s18], [sflag:$0x2] =	stream.indirect_vreg.gather [hbm4b:s6+s3], $0x80, v3, vm0, $0xb8;
	[tilespmem:$0x10100] =	vst v63  }
0x1b9: {  	s19 =	simm.s32 $0xD900  }
0x1ba: {  	[tilespmem:s19], [sflag:$0x2] =	stream.indirect_vreg.gather [hbm4b:s7+s3], $0x80, v3, vm0, $0xb8;
	[tilespmem:$0x10100] =	vst v63  }
0x1bb: {  	s20 =	simm.s32 $0xE100  }
0x1bc: {  	[tilespmem:s20], [sflag:$0x2] =	stream.indirect_vreg.gather [hbm4b:s8+s3], $0x80, v3, vm0, $0xb8;
	[tilespmem:$0x10100] =	vst v63  }
0x1bd: {  	s21 =	simm.s32 $0xE900  }
0x1be: {  	[tilespmem:s21], [sflag:$0x2] =	stream.indirect_vreg.gather [hbm4b:s9+s3], $0x80, v3, vm0, $0xb8;
	[tilespmem:$0x10100] =	vst v63  }
0x1bf: {  	s22 =	simm.s32 $0xF100  }
0x1c0: {  	[tilespmem:s22], [sflag:$0x2] =	stream.indirect_vreg.gather [hbm4b:s10+s3], $0x80, v3, vm0, $0xb8;
	[tilespmem:$0x10100] =	vst v63  }
0x1c1: {  	s23 =	simm.s32 $0xF900  }
0x1c2: {  	[tilespmem:s23], [sflag:$0x2] =	stream.indirect_vreg.gather [hbm4b:s11+s3], $0x80, v3, vm0, $0xb8;
	[tilespmem:$0x10100] =	vst v63  }
0x1c3: {  	_ =	swait.ge [sflag:s28], $0x8000  }
0x1c4: {  	[sflag:s28] =	ssyncset.done $0x0  }
0x1c5: {  	s24 =	rddreg [dreg:$0xc];
	[sflag:s28] =	ssyncadd.s32 $0xFFFF8000  }
0x1c6: {  	[hbm4b:s24+s3] =	stream.linear.scatter [tilespmem:s26], [sflag:$0x3], $0x8000, $0x38;
	[tilespmem:$0x10100] =	vst v63  }
0x1c7: {  	_ =	swait.ge [sflag:s13], $0x8000  }
0x1c8: {  	[sflag:s13] =	ssyncset.done $0x0  }
0x1c9: {  	[sflag:s13] =	ssyncadd.s32 $0xFFFF8000  }
0x1ca: {  	_ =	swait.ge [sflag:s29], $0x8000  }
0x1cb: {  	p0 =	sne.s32 s12, $0x1;
	[sflag:s29] =	ssyncset.done $0x0  }
.Ltmp0:
0x1cc: {  	s25 =	rddreg [dreg:$0xd];
	[sflag:s29] =	ssyncadd.s32 $0xFFFF8000;
	(pc) =	sbr.rel @p0 .LBB2_1-.Ltmp0, $4  }
0x1cd: {  	[hbm4b:s25+s3] =	stream.linear.scatter [tilespmem:s31], [sflag:$0x3], $0x8000, $0x38;
	[tilespmem:$0x10100] =	vst v63  }
0x1ce: {  	_ =	swait.ge [sflag:s13], $0x8000  }
0x1cf: {  	[sflag:s13] =	ssyncset.done $0x0  }
0x1d0: {  	s12 =	sadd.s32 $0xFFFFFFFF, s12;
	[sflag:s13] =	ssyncadd.s32 $0xFFFF8000  }
0x1d1: {  	_ =	sfence.sel $0x180000  }
0x1d2: {  	[bflag:$0x0] =	sbarrier.arrive $0xFFFF  }
0x1d3: {  	_ =	strace $0x9000004A  }
0x1d4: {  	s0 =	stileid.u32;
	[bflag:$0x2] =	sbarrier.arrive $0xFFFF  }
0x1d5: {  	p0 =	sne.s32 s0, $0x0;
	s0 =	rddreg [dreg:$0x3]  }
0x1d6: {  	s0 =	sadd.s32 @!p0 $0x100000, s0  }
0x1d7: {  	[sflag:s0] =	ssyncadd.tile.s32 @!p0 $0x1;
	_ =	shalt  }
.Lfunc_end2:
_tile_overlayer_lowered:
.L_overlay_start_2:
0x1d8: {  	(tag) =	ssettag $0x2  }
0x1d9: {  	s0 =	rddreg [dreg:$0x0];
	s2 =	stileid.u32  }
0x1da: {  	s1 =	rddreg [dreg:$0x1];
	p0 =	sne.s32 s2, $0x0  }
0x1db: {  	s3 =	rddreg [dreg:$0x2];
	[bflag:$0x3] =	sbarrier.arrive $0xFFFF;
	s2 =	simm.s32 @!p0 $0x1C03  }
0x1dc: {  	[timem:s3], [sflag:s2] =	dma.local @!p0 [hbm:s0], s1  }
0x1dd: {  	s0 =	simm.s32 @!p0 $0x3  }
0x1de: {  	_ =	swait.ge @!p0 [sflag:s0], s1  }
0x1df: {  	s1 =	ssub.s32 @!p0 $0x0, s1;
	[sflag:s0] =	ssyncset.done @!p0 $0x0  }
0x1e0: {  	[sflag:s0] =	ssyncadd.s32 @!p0 s1  }
0x1e1: {  	[bflag:$0x3] =	sbarrier.arrive $0xFFFF  }
0x1e2: {  	_ =	shalt  }

</sc_bundles>
